<compile_context>
chip_gen: v7x
topology: tpu7x:2x2x1
jax: 0.10.2.dev20260603
libtpu: 0.0.44.dev20260713+nightly
codegen_flags: <defaults>
</compile_context>

<pallas_src>
import jax
import jax.numpy as jnp
import numpy as np
from jax import lax
from jax.experimental import pallas as pl
from jax.experimental.pallas import tpu as pltpu
from jax.experimental.pallas import tpu_sc as plsc

NUM_ENT = 100000
NUM_REL = 32
DIM = 16
K = 16
B = 16384

NC = 2
NS = 16
NW = NC * NS
BPW = B // NW
H1_PER_W = BPW * K
H1_CHUNK = 1024
H2_CHUNK = 2048

_MESH = dict(core_axis_name="c", subcore_axis_name="s")
_SC_PARAMS = pltpu.CompilerParams(use_tc_tiling_on_sc=False,
                                  needs_layout_passes=False)


def _wid():
    return lax.axis_index("s") * NC + lax.axis_index("c")


def _sc1a_body(u_hbm, usr_hbm, ue_out, idx_v, ue_v, sem):
    sl = pl.ds(_wid() * BPW, BPW)
    pltpu.sync_copy(u_hbm.at[sl], idx_v)
    pltpu.async_copy(usr_hbm.at[idx_v], ue_v, sem).wait()
    pltpu.sync_copy(ue_v, ue_out.at[sl])


def _sc1a(u, usr_emb):
    run = pl.kernel(
        _sc1a_body,
        out_type=jax.ShapeDtypeStruct((B, DIM), jnp.float32),
        mesh=plsc.VectorSubcoreMesh(**_MESH),
        scratch_types=[
            pltpu.VMEM((BPW,), jnp.int32),
            pltpu.VMEM((BPW, DIM), jnp.float32),
            pltpu.SemaphoreType.DMA,
        ],
        compiler_params=_SC_PARAMS)
    return run(u, usr_emb)


def _sc1b_body(tn_hbm, ent_hbm, adje_hbm, adjr_hbm,
               v0_out, e1_out, r1_out,
               idx_v, v0_v, e1_v, r1_v, sem, sem2, sem3):
    sl = pl.ds(_wid() * BPW, BPW)
    pltpu.sync_copy(tn_hbm.at[sl], idx_v)
    g1 = pltpu.async_copy(ent_hbm.at[idx_v], v0_v, sem)
    g2 = pltpu.async_copy(adje_hbm.at[idx_v], e1_v, sem2)
    g3 = pltpu.async_copy(adjr_hbm.at[idx_v], r1_v, sem3)
    g1.wait()
    pltpu.sync_copy(v0_v, v0_out.at[sl])
    g2.wait()
    pltpu.sync_copy(e1_v, e1_out.at[sl])
    g3.wait()
    pltpu.sync_copy(r1_v, r1_out.at[sl])


def _sc1b(tn, ent_emb, adj_ent, adj_rel):
    f32, i32 = jnp.float32, jnp.int32
    out_type = (
        jax.ShapeDtypeStruct((B, DIM), f32),
        jax.ShapeDtypeStruct((B, K), i32),
        jax.ShapeDtypeStruct((B, K), i32),
    )
    scratch = [
        pltpu.VMEM((BPW,), i32),
        pltpu.VMEM((BPW, DIM), f32),
        pltpu.VMEM((BPW, K), i32),
        pltpu.VMEM((BPW, K), i32),
        pltpu.SemaphoreType.DMA,
        pltpu.SemaphoreType.DMA,
        pltpu.SemaphoreType.DMA,
    ]
    run = pl.kernel(_sc1b_body, out_type=out_type,
                    mesh=plsc.VectorSubcoreMesh(**_MESH),
                    scratch_types=scratch, compiler_params=_SC_PARAMS)
    return run(tn, ent_emb, adj_ent, adj_rel)


H1C = 512


def _sc2_body(e1_hbm, r1_hbm, es_hbm, ent_hbm, adje_hbm, adjr_hbm,
              v1_out, e2_out, u1_out, u2_out,
              es_v, r1_v, u1_v,
              idx0, idx1, v1a, v1b, e2a, e2b, r2a, r2b, u2a, u2b,
              s1a, s2a, s3a, s1b, s2b, s3b):
    w = _wid()
    b0 = w * BPW
    pltpu.sync_copy(es_hbm.at[pl.ds(b0, BPW)], es_v)
    pltpu.sync_copy(r1_hbm.at[pl.ds(b0, BPW)], r1_v)

    @plsc.parallel_loop(0, BPW, unroll=4)
    def u1_row(r):
        rows = jnp.full((16,), r, jnp.int32)
        u1_v[r] = plsc.load_gather(es_v, [rows, r1_v[r]])
    pltpu.sync_copy(u1_v, u1_out.at[pl.ds(b0, BPW)])

    def u2_loop(base_row, r2_v, u2_v):
        @plsc.parallel_loop(0, H1C, unroll=4)
        def u2_row(r):
            b_local = (base_row + r) // K
            rows = jnp.full((16,), b_local, jnp.int32)
            u2_v[r] = plsc.load_gather(es_v, [rows, r2_v[r]])

    def pair(i2, _):
        base0 = 2 * i2 * H1C
        base1 = base0 + H1C
        o0 = w * H1_PER_W + base0
        sl0 = pl.ds(o0, H1C)
        sl1 = pl.ds(o0 + H1C, H1C)
        pltpu.sync_copy(e1_hbm.at[sl0], idx0)
        g1a = pltpu.async_copy(ent_hbm.at[idx0], v1a, s1a)
        g2a = pltpu.async_copy(adje_hbm.at[idx0], e2a, s2a)
        g3a = pltpu.async_copy(adjr_hbm.at[idx0], r2a, s3a)
        pltpu.sync_copy(e1_hbm.at[sl1], idx1)
        g1b = pltpu.async_copy(ent_hbm.at[idx1], v1b, s1b)
        g2b = pltpu.async_copy(adje_hbm.at[idx1], e2b, s2b)
        g3b = pltpu.async_copy(adjr_hbm.at[idx1], r2b, s3b)
        g1a.wait()
        wa1 = pltpu.async_copy(v1a, v1_out.at[sl0], s1a)
        g2a.wait()
        wa2 = pltpu.async_copy(e2a, e2_out.at[sl0], s2a)
        g3a.wait()
        u2_loop(base0, r2a, u2a)
        wa3 = pltpu.async_copy(u2a, u2_out.at[sl0], s3a)
        g1b.wait()
        wb1 = pltpu.async_copy(v1b, v1_out.at[sl1], s1b)
        g2b.wait()
        wb2 = pltpu.async_copy(e2b, e2_out.at[sl1], s2b)
        g3b.wait()
        u2_loop(base1, r2b, u2b)
        wb3 = pltpu.async_copy(u2b, u2_out.at[sl1], s3b)
        wa1.wait()
        wa2.wait()
        wa3.wait()
        wb1.wait()
        wb2.wait()
        wb3.wait()
        return 0

    lax.fori_loop(0, H1_PER_W // (2 * H1C), pair, 0)


def _sc2(e1_flat, r1, es, ent_emb, adj_ent, adj_rel):
    f32, i32 = jnp.float32, jnp.int32
    out_type = (
        jax.ShapeDtypeStruct((B * K, DIM), f32),
        jax.ShapeDtypeStruct((B * K, K), i32),
        jax.ShapeDtypeStruct((B, K), f32),
        jax.ShapeDtypeStruct((B * K, K), f32),
    )
    scratch = (
        [pltpu.VMEM((BPW, NUM_REL), f32),
         pltpu.VMEM((BPW, K), i32),
         pltpu.VMEM((BPW, K), f32),
         pltpu.VMEM((H1C,), i32),
         pltpu.VMEM((H1C,), i32)]
        + [pltpu.VMEM((H1C, DIM), f32)] * 2
        + [pltpu.VMEM((H1C, K), i32)] * 4
        + [pltpu.VMEM((H1C, K), f32)] * 2
        + [pltpu.SemaphoreType.DMA] * 6
    )
    run = pl.kernel(_sc2_body, out_type=out_type,
                    mesh=plsc.VectorSubcoreMesh(**_MESH),
                    scratch_types=scratch, compiler_params=_SC_PARAMS)
    return run(e1_flat, r1, es, ent_emb, adj_ent, adj_rel)


H2R = H2_CHUNK // K


def _sc3_body(e2_hbm, u2_hbm, ent_hbm, ragg_out,
              idx0, idx1, buf0, buf1, u2c0, u2c1, ra0, ra1,
              sg0, sg1, sw0, sw1):
    w = _wid()
    npw = (B * K * K) // NW

    def reduce_chunk(buf_v, u2c_v, ra_v):
        @plsc.parallel_loop(0, H2R, unroll=2)
        def row(r):
            wts = u2c_v[r]
            prods = [wts[k] * buf_v[r * K + k] for k in range(K)]
            while len(prods) > 1:
                prods = [prods[i] + prods[i + 1]
                         for i in range(0, len(prods), 2)]
            ra_v[r // K, pl.ds((r % K) * DIM, DIM)] = prods[0]

    def pair(i2, _):
        o0 = w * npw + (2 * i2) * H2_CHUNK
        o1 = o0 + H2_CHUNK
        r0 = o0 // K
        r1 = o1 // K
        pltpu.sync_copy(e2_hbm.at[pl.ds(o0, H2_CHUNK)], idx0)
        g0 = pltpu.async_copy(ent_hbm.at[idx0], buf0, sg0)
        pltpu.sync_copy(e2_hbm.at[pl.ds(o1, H2_CHUNK)], idx1)
        g1 = pltpu.async_copy(ent_hbm.at[idx1], buf1, sg1)
        pltpu.sync_copy(u2_hbm.at[pl.ds(r0, H2R)], u2c0)
        pltpu.sync_copy(u2_hbm.at[pl.ds(r1, H2R)], u2c1)
        g0.wait()
        reduce_chunk(buf0, u2c0, ra0)
        w0 = pltpu.async_copy(ra0, ragg_out.at[pl.ds(r0 // K, H2R // K)], sw0)
        g1.wait()
        reduce_chunk(buf1, u2c1, ra1)
        w1 = pltpu.async_copy(ra1, ragg_out.at[pl.ds(r1 // K, H2R // K)], sw1)
        w0.wait()
        w1.wait()
        return 0

    lax.fori_loop(0, npw // (2 * H2_CHUNK), pair, 0)


def _sc3(e2_flat, u2, ent_emb):
    f32, i32 = jnp.float32, jnp.int32
    out_type = jax.ShapeDtypeStruct((B, K * DIM), f32)
    scratch = [
        pltpu.VMEM((H2_CHUNK,), i32),
        pltpu.VMEM((H2_CHUNK,), i32),
        pltpu.VMEM((H2_CHUNK, DIM), f32),
        pltpu.VMEM((H2_CHUNK, DIM), f32),
        pltpu.VMEM((H2R, K), f32),
        pltpu.VMEM((H2R, K), f32),
        pltpu.VMEM((H2R // K, K * DIM), f32),
        pltpu.VMEM((H2R // K, K * DIM), f32),
        pltpu.SemaphoreType.DMA,
        pltpu.SemaphoreType.DMA,
        pltpu.SemaphoreType.DMA,
        pltpu.SemaphoreType.DMA,
    ]
    run = pl.kernel(_sc3_body, out_type=out_type,
                    mesh=plsc.VectorSubcoreMesh(**_MESH),
                    scratch_types=scratch, compiler_params=_SC_PARAMS)
    return run(e2_flat, u2, ent_emb)


def _tca_body(ue_ref, relT_ref, es_ref):
    es_ref[...] = jnp.exp(
        jnp.dot(ue_ref[...], relT_ref[...], preferred_element_type=jnp.float32))


def _tca(ue, relT):
    bb = 2048
    return pl.pallas_call(
        _tca_body,
        grid=(B // bb,),
        in_specs=[
            pl.BlockSpec((bb, DIM), lambda i: (i, 0)),
            pl.BlockSpec((DIM, NUM_REL), lambda i: (0, 0)),
        ],
        out_specs=pl.BlockSpec((bb, NUM_REL), lambda i: (i, 0)),
        out_shape=jax.ShapeDtypeStruct((B, NUM_REL), jnp.float32),
    )(ue, relT)


def _sigmoid(x):
    return 1.0 / (1.0 + jnp.exp(-x))


BB = 1024


def _tcbf_body(ue_ref, v0_ref, u1_ref, v1p_ref, raggp_ref, u2p_ref,
               w_ref, b_ref, w256_ref, b256_ref, m_ref, rmat_ref, g_ref,
               out_ref):
    W = w_ref[...]
    bvec = b_ref[...]
    usum2p = jnp.dot(u2p_ref[...], m_ref[...],
                     preferred_element_type=jnp.float32)
    agg1p = raggp_ref[...] / usum2p
    v1p = v1p_ref[...]
    h1p = _sigmoid(jnp.dot(v1p + agg1p, w256_ref[...],
                           preferred_element_type=jnp.float32) + b256_ref[...])
    u1 = u1_ref[...]
    n1 = u1 / jnp.sum(u1, axis=1, keepdims=True)
    n1rep = jnp.dot(n1, rmat_ref[...],
                    preferred_element_type=jnp.float32)
    G = g_ref[...]
    agg0 = jnp.dot(n1rep * v1p, G, preferred_element_type=jnp.float32)
    h0 = _sigmoid(jnp.dot(v0_ref[...] + agg0, W,
                          preferred_element_type=jnp.float32) + bvec)
    agg0b = jnp.dot(n1rep * h1p, G, preferred_element_type=jnp.float32)
    t = jnp.dot(h0 + agg0b, W, preferred_element_type=jnp.float32) + bvec
    e2t = jnp.exp(-2.0 * t)
    item = (1.0 - e2t) / (1.0 + e2t)
    sc = jnp.sum(ue_ref[...] * item, axis=1, keepdims=True)
    out_ref[...] = _sigmoid(sc)


def _tcbf(ue, v0, u1, v1p, raggp, u2p, W, bvec, w256, b256, mmat, rmat, gmat):
    KD = K * DIM
    return pl.pallas_call(
        _tcbf_body,
        grid=(B // BB,),
        in_specs=[
            pl.BlockSpec((BB, DIM), lambda i: (i, 0)),
            pl.BlockSpec((BB, DIM), lambda i: (i, 0)),
            pl.BlockSpec((BB, K), lambda i: (i, 0)),
            pl.BlockSpec((BB, KD), lambda i: (i, 0)),
            pl.BlockSpec((BB, KD), lambda i: (i, 0)),
            pl.BlockSpec((BB, KD), lambda i: (i, 0)),
            pl.BlockSpec((DIM, DIM), lambda i: (0, 0)),
            pl.BlockSpec((1, DIM), lambda i: (0, 0)),
            pl.BlockSpec((KD, KD), lambda i: (0, 0)),
            pl.BlockSpec((1, KD), lambda i: (0, 0)),
            pl.BlockSpec((KD, KD), lambda i: (0, 0)),
            pl.BlockSpec((K, KD), lambda i: (0, 0)),
            pl.BlockSpec((KD, DIM), lambda i: (0, 0)),
        ],
        out_specs=pl.BlockSpec((BB, 1), lambda i: (i, 0)),
        out_shape=jax.ShapeDtypeStruct((B, 1), jnp.float32),
    )(ue, v0, u1, v1p, raggp, u2p, W, bvec, w256, b256, mmat, rmat, gmat)


def kernel(u, train_nids, adj_ent, adj_rel, usr_emb, rel_emb, ent_emb, W, b):
    u = u.astype(jnp.int32)
    train_nids = train_nids.astype(jnp.int32)
    adj_ent = adj_ent.astype(jnp.int32)
    adj_rel = adj_rel.astype(jnp.int32)

    ue = _sc1a(u, usr_emb)
    es = _tca(ue, rel_emb.T)
    v0, e1, r1 = _sc1b(train_nids, ent_emb, adj_ent, adj_rel)
    v1, e2, u1, u2 = _sc2(e1.reshape(B * K), r1, es,
                          ent_emb, adj_ent, adj_rel)
    raggp = _sc3(e2.reshape(B * K * K), u2, ent_emb)

    eyeK = np.eye(K, dtype=np.float32)
    rmat = jnp.asarray(np.kron(eyeK, np.ones((1, DIM), np.float32)))
    gmat = jnp.asarray(np.kron(np.ones((K, 1), np.float32), eyeK))
    mmat = jnp.asarray(np.kron(eyeK, np.ones((K, K * DIM // K), np.float32)))
    w256 = jnp.kron(jnp.eye(K, dtype=jnp.float32), W)
    b256 = jnp.tile(b, K).reshape(1, K * DIM)
    bvec = b.reshape(1, DIM)
    out = _tcbf(ue, v0, u1, v1.reshape(B, K * DIM), raggp,
                u2.reshape(B, K * DIM), W, bvec, w256, b256, mmat, rmat, gmat)
    return out.reshape(B)

# --- scband reference (transcript-rebuilt; emitter-appended) ---
"""Pipeline reference for scband-kgcn-51238959841862 (READ-ONLY COPY).

The authoritative reference and input builder live on the scoring server;
editing this copy changes nothing except your own understanding.
"""

import jax, jax.numpy as jnp
import numpy as np

NUM_ENT = 100000
NUM_USR = 100000
NUM_REL = 32
DIM = 16
K = 16
N_ITER = 2
B = 16384


def setup_inputs(seed: int = 0) -> dict:
    key = jax.random.key(seed)
    ks = jax.random.split(key, 9)
    u = jax.random.randint(ks[0], (B,), 0, NUM_USR)
    train_nids = jax.random.randint(ks[1], (B,), 0, NUM_ENT)
    adj_ent = jax.random.randint(ks[2], (NUM_ENT, K), 0, NUM_ENT)
    adj_rel = jax.random.randint(ks[3], (NUM_ENT, K), 0, NUM_REL)
    usr_emb = jax.random.normal(ks[4], (NUM_USR, DIM), dtype=jnp.float32) * 0.1
    rel_emb = jax.random.normal(ks[5], (NUM_REL, DIM), dtype=jnp.float32) * 0.1
    ent_emb = jax.random.normal(ks[6], (NUM_ENT, DIM), dtype=jnp.float32) * 0.1
    W = jax.random.normal(ks[7], (DIM, DIM), dtype=jnp.float32) * (1.0 / np.sqrt(DIM))
    b = jnp.zeros((DIM,), dtype=jnp.float32)
    return {"u": u, "train_nids": train_nids, "adj_ent": adj_ent, "adj_rel": adj_rel,
            "usr_emb": usr_emb, "rel_emb": rel_emb, "ent_emb": ent_emb, "W": W, "b": b}


def _aggregate(self_vectors, neighbor_vectors, neighbor_relations, user_embeddings, W, b, act):
    # KGCN 'sum' Aggregator: user-relation attention over sampled neighbors,
    # then (self + neighbor_agg) -> Linear -> act
    bsz = user_embeddings.shape[0]
    ue = user_embeddings.reshape(bsz, 1, 1, DIM)
    user_rel_scores = jnp.sum(ue * neighbor_relations, axis=-1)            # [B, n, K]
    norm = jax.nn.softmax(user_rel_scores, axis=-1)                         # [B, n, K]
    neighbors_agg = jnp.sum(norm[..., None] * neighbor_vectors, axis=2)     # [B, n, d]
    out = (self_vectors + neighbors_agg).reshape(-1, DIM) @ W + b
    return act(out).reshape(bsz, -1, DIM)


def reference(u, train_nids, adj_ent, adj_rel, usr_emb, rel_emb, ent_emb, W, b):
    user_embeddings = jnp.take(usr_emb, u, axis=0)                          # [B, d]
    # _get_neighbors: multi-hop fixed-fanout neighbor sampling via adjacency gathers
    entities = [train_nids.reshape(B, 1)]
    relations = []
    for h in range(N_ITER):
        neighbor_entities = jnp.take(adj_ent, entities[h], axis=0).reshape(B, -1)
        neighbor_relations = jnp.take(adj_rel, entities[h], axis=0).reshape(B, -1)
        entities.append(neighbor_entities)
        relations.append(neighbor_relations)
    # entity features (original code pulls these from the NodeFlow's 'vfeatures';
    # here materialized as an entity embedding table gather)
    entity_vectors = [jnp.take(ent_emb, e, axis=0) for e in entities]        # [B, K^h, d]
    relation_vectors = [jnp.take(rel_emb, r, axis=0) for r in relations]
    # _aggregate: iterative hop-wise aggregation
    for i in range(N_ITER):
        act = jnp.tanh if i == N_ITER - 1 else jax.nn.sigmoid
        entity_vectors_next = []
        for hop in range(N_ITER - i):
            v = _aggregate(entity_vectors[hop],
                           entity_vectors[hop + 1].reshape(B, -1, K, DIM),
                           relation_vectors[hop].reshape(B, -1, K, DIM),
                           user_embeddings, W, b, act)
            entity_vectors_next.append(v)
        entity_vectors = entity_vectors_next
    item_embeddings = entity_vectors[0].reshape(B, DIM)
    scores = jnp.sum(user_embeddings * item_embeddings, axis=1)
    return jax.nn.sigmoid(scores)

if __name__ == "__main__":
    import jax
    _d = setup_inputs()
    print(jax.jit(kernel)(*tuple(_d.values())))

</pallas_src>

<mosaic_0001>
#map = affine_map<(d0, d1) -> (0)>
#map1 = affine_map<(d0, d1) -> (0, 0)>
module attributes {stable_mosaic.version = 14 : i64} {
  func.func @_sc1a_body(%arg0: i32, %arg1: i32, %arg2: memref<16384xi32, #tpu.memory_space<hbm>>, %arg3: memref<100000x16xf32, #tpu.memory_space<hbm>>, %arg4: memref<16384x16xf32, #tpu.memory_space<hbm>>, %arg5: memref<512xi32, #tpu.memory_space<vmem>>, %arg6: memref<512x16xf32, #tpu.memory_space<vmem>>, %arg7: memref<!tpu.dma_semaphore, #tpu.memory_space<semaphore_mem>>) attributes {dimension_semantics = [#tpu.dimension_semantics<core_parallel>, #tpu.dimension_semantics<subcore_parallel>], iteration_bounds = array<i64: 2, 16>, scalar_prefetch = 0 : i64, scratch_operands = 3 : i64, tpu.core_type = #tpu.core_type<sc_vector_subcore>, window_params = [{transform_indices = #map}, {transform_indices = #map1}, {transform_indices = #map1}]} {
    %mul3A = arith.constant 2 : i32
    %mul3A_0 = arith.muli %arg1, %mul3A : i32
    %add3A = arith.addi %mul3A_0, %arg0 : i32
    %mul3A_1 = arith.constant 512 : i32
    %mul3A_2 = arith.muli %add3A, %mul3A_1 : i32
    "tpu.region"() ({
      %run_scoped3A = tpu.sem_alloc : memref<!tpu.dma_semaphore, #tpu.memory_space<semaphore_mem>>
      %dma_start3A_7 = tpu.memref_slice %arg2[%mul3A_2] : memref<16384xi32, #tpu.memory_space<hbm>> -> memref<512xi32, #tpu.memory_space<hbm>>
      %dma_start3A_8 = tpu.memref_slice %arg2[%mul3A_2] : memref<16384xi32, #tpu.memory_space<hbm>> -> memref<512xi32, #tpu.memory_space<hbm>>
      tpu.enqueue_dma source(%dma_start3A_8 : memref<512xi32, #tpu.memory_space<hbm>>) target(%arg5 : memref<512xi32, #tpu.memory_space<vmem>>) target_semaphore(%run_scoped3A : memref<!tpu.dma_semaphore, #tpu.memory_space<semaphore_mem>>)
      %dma_wait3A_9 = tpu.memref_slice %arg2[%mul3A_2] : memref<16384xi32, #tpu.memory_space<hbm>> -> memref<512xi32, #tpu.memory_space<hbm>>
      %dma_wait3A_10 = tpu.memref_slice %arg2[%mul3A_2] : memref<16384xi32, #tpu.memory_space<hbm>> -> memref<512xi32, #tpu.memory_space<hbm>>
      tpu.wait_dma2 semaphore(%run_scoped3A : memref<!tpu.dma_semaphore, #tpu.memory_space<semaphore_mem>>) src(%dma_wait3A_10 : memref<512xi32, #tpu.memory_space<hbm>>) dst(%arg5 : memref<512xi32, #tpu.memory_space<vmem>>)
      tpu.yield
    }) : () -> ()
    %dma_start3A = arith.constant 0 : i32
    %dma_start3A_3 = arith.constant 0 : i32
    %dma_start3A_4 = tpu.memref_slice %arg3[%dma_start3A, %dma_start3A_3] : memref<100000x16xf32, #tpu.memory_space<hbm>> -> memref<100000x16xf32, #tpu.memory_space<hbm>>
    tpu.enqueue_indirect_dma source(%dma_start3A_4 : memref<100000x16xf32, #tpu.memory_space<hbm>>) target(%arg6 : memref<512x16xf32, #tpu.memory_space<vmem>>) offsets(%arg5 : memref<512xi32, #tpu.memory_space<vmem>>) semaphore(%arg7 : memref<!tpu.dma_semaphore, #tpu.memory_space<semaphore_mem>>)
    %dma_wait3A = arith.constant 0 : i32
    %dma_wait3A_5 = arith.constant 0 : i32
    %dma_wait3A_6 = tpu.memref_slice %arg3[%dma_wait3A, %dma_wait3A_5] : memref<100000x16xf32, #tpu.memory_space<hbm>> -> memref<100000x16xf32, #tpu.memory_space<hbm>>
    tpu.wait_indirect_dma semaphore(%arg7 : memref<!tpu.dma_semaphore, #tpu.memory_space<semaphore_mem>>) src(%dma_wait3A_6 : memref<100000x16xf32, #tpu.memory_space<hbm>>) dst(%arg6 : memref<512x16xf32, #tpu.memory_space<vmem>>)
    "tpu.region"() ({
      %run_scoped3A = tpu.sem_alloc : memref<!tpu.dma_semaphore, #tpu.memory_space<semaphore_mem>>
      %dma_start3A_7 = arith.constant 0 : i32
      %dma_start3A_8 = tpu.memref_slice %arg4[%mul3A_2, %dma_start3A_7] : memref<16384x16xf32, #tpu.memory_space<hbm>> -> memref<512x16xf32, #tpu.memory_space<hbm>>
      %dma_start3A_9 = arith.constant 0 : i32
      %dma_start3A_10 = tpu.memref_slice %arg4[%mul3A_2, %dma_start3A_9] : memref<16384x16xf32, #tpu.memory_space<hbm>> -> memref<512x16xf32, #tpu.memory_space<hbm>>
      tpu.enqueue_dma source(%arg6 : memref<512x16xf32, #tpu.memory_space<vmem>>) target(%dma_start3A_10 : memref<512x16xf32, #tpu.memory_space<hbm>>) target_semaphore(%run_scoped3A : memref<!tpu.dma_semaphore, #tpu.memory_space<semaphore_mem>>)
      %dma_wait3A_11 = arith.constant 0 : i32
      %dma_wait3A_12 = tpu.memref_slice %arg4[%mul3A_2, %dma_wait3A_11] : memref<16384x16xf32, #tpu.memory_space<hbm>> -> memref<512x16xf32, #tpu.memory_space<hbm>>
      %dma_wait3A_13 = arith.constant 0 : i32
      %dma_wait3A_14 = tpu.memref_slice %arg4[%mul3A_2, %dma_wait3A_13] : memref<16384x16xf32, #tpu.memory_space<hbm>> -> memref<512x16xf32, #tpu.memory_space<hbm>>
      tpu.wait_dma2 semaphore(%run_scoped3A : memref<!tpu.dma_semaphore, #tpu.memory_space<semaphore_mem>>) src(%arg6 : memref<512x16xf32, #tpu.memory_space<vmem>>) dst(%dma_wait3A_14 : memref<512x16xf32, #tpu.memory_space<hbm>>)
      tpu.yield
    }) : () -> ()
    return
  }
}

#map = affine_map<(d0, d1) -> (0)>
#map1 = affine_map<(d0, d1) -> (0, 0)>
module attributes {stable_mosaic.version = 14 : i64} {
  func.func @_sc1b_body(%arg0: i32, %arg1: i32, %arg2: memref<16384xi32, #tpu.memory_space<hbm>>, %arg3: memref<100000x16xf32, #tpu.memory_space<hbm>>, %arg4: memref<100000x16xi32, #tpu.memory_space<hbm>>, %arg5: memref<100000x16xi32, #tpu.memory_space<hbm>>, %arg6: memref<16384x16xf32, #tpu.memory_space<hbm>>, %arg7: memref<16384x16xi32, #tpu.memory_space<hbm>>, %arg8: memref<16384x16xi32, #tpu.memory_space<hbm>>, %arg9: memref<512xi32, #tpu.memory_space<vmem>>, %arg10: memref<512x16xf32, #tpu.memory_space<vmem>>, %arg11: memref<512x16xi32, #tpu.memory_space<vmem>>, %arg12: memref<512x16xi32, #tpu.memory_space<vmem>>, %arg13: memref<!tpu.dma_semaphore, #tpu.memory_space<semaphore_mem>>, %arg14: memref<!tpu.dma_semaphore, #tpu.memory_space<semaphore_mem>>, %arg15: memref<!tpu.dma_semaphore, #tpu.memory_space<semaphore_mem>>) attributes {dimension_semantics = [#tpu.dimension_semantics<core_parallel>, #tpu.dimension_semantics<subcore_parallel>], iteration_bounds = array<i64: 2, 16>, scalar_prefetch = 0 : i64, scratch_operands = 7 : i64, tpu.core_type = #tpu.core_type<sc_vector_subcore>, window_params = [{transform_indices = #map}, {transform_indices = #map1}, {transform_indices = #map1}, {transform_indices = #map1}, {transform_indices = #map1}, {transform_indices = #map1}, {transform_indices = #map1}]} {
    %mul3A = arith.constant 2 : i32
    %mul3A_0 = arith.muli %arg1, %mul3A : i32
    %add3A = arith.addi %mul3A_0, %arg0 : i32
    %mul3A_1 = arith.constant 512 : i32
    %mul3A_2 = arith.muli %add3A, %mul3A_1 : i32
    "tpu.region"() ({
      %run_scoped3A = tpu.sem_alloc : memref<!tpu.dma_semaphore, #tpu.memory_space<semaphore_mem>>
      %dma_start3A_19 = tpu.memref_slice %arg2[%mul3A_2] : memref<16384xi32, #tpu.memory_space<hbm>> -> memref<512xi32, #tpu.memory_space<hbm>>
      %dma_start3A_20 = tpu.memref_slice %arg2[%mul3A_2] : memref<16384xi32, #tpu.memory_space<hbm>> -> memref<512xi32, #tpu.memory_space<hbm>>
      tpu.enqueue_dma source(%dma_start3A_20 : memref<512xi32, #tpu.memory_space<hbm>>) target(%arg9 : memref<512xi32, #tpu.memory_space<vmem>>) target_semaphore(%run_scoped3A : memref<!tpu.dma_semaphore, #tpu.memory_space<semaphore_mem>>)
      %dma_wait3A_21 = tpu.memref_slice %arg2[%mul3A_2] : memref<16384xi32, #tpu.memory_space<hbm>> -> memref<512xi32, #tpu.memory_space<hbm>>
      %dma_wait3A_22 = tpu.memref_slice %arg2[%mul3A_2] : memref<16384xi32, #tpu.memory_space<hbm>> -> memref<512xi32, #tpu.memory_space<hbm>>
      tpu.wait_dma2 semaphore(%run_scoped3A : memref<!tpu.dma_semaphore, #tpu.memory_space<semaphore_mem>>) src(%dma_wait3A_22 : memref<512xi32, #tpu.memory_space<hbm>>) dst(%arg9 : memref<512xi32, #tpu.memory_space<vmem>>)
      tpu.yield
    }) : () -> ()
    %dma_start3A = arith.constant 0 : i32
    %dma_start3A_3 = arith.constant 0 : i32
    %dma_start3A_4 = tpu.memref_slice %arg3[%dma_start3A, %dma_start3A_3] : memref<100000x16xf32, #tpu.memory_space<hbm>> -> memref<100000x16xf32, #tpu.memory_space<hbm>>
    tpu.enqueue_indirect_dma source(%dma_start3A_4 : memref<100000x16xf32, #tpu.memory_space<hbm>>) target(%arg10 : memref<512x16xf32, #tpu.memory_space<vmem>>) offsets(%arg9 : memref<512xi32, #tpu.memory_space<vmem>>) semaphore(%arg13 : memref<!tpu.dma_semaphore, #tpu.memory_space<semaphore_mem>>)
    %dma_start3A_5 = arith.constant 0 : i32
    %dma_start3A_6 = arith.constant 0 : i32
    %dma_start3A_7 = tpu.memref_slice %arg4[%dma_start3A_5, %dma_start3A_6] : memref<100000x16xi32, #tpu.memory_space<hbm>> -> memref<100000x16xi32, #tpu.memory_space<hbm>>
    tpu.enqueue_indirect_dma source(%dma_start3A_7 : memref<100000x16xi32, #tpu.memory_space<hbm>>) target(%arg11 : memref<512x16xi32, #tpu.memory_space<vmem>>) offsets(%arg9 : memref<512xi32, #tpu.memory_space<vmem>>) semaphore(%arg14 : memref<!tpu.dma_semaphore, #tpu.memory_space<semaphore_mem>>)
    %dma_start3A_8 = arith.constant 0 : i32
    %dma_start3A_9 = arith.constant 0 : i32
    %dma_start3A_10 = tpu.memref_slice %arg5[%dma_start3A_8, %dma_start3A_9] : memref<100000x16xi32, #tpu.memory_space<hbm>> -> memref<100000x16xi32, #tpu.memory_space<hbm>>
    tpu.enqueue_indirect_dma source(%dma_start3A_10 : memref<100000x16xi32, #tpu.memory_space<hbm>>) target(%arg12 : memref<512x16xi32, #tpu.memory_space<vmem>>) offsets(%arg9 : memref<512xi32, #tpu.memory_space<vmem>>) semaphore(%arg15 : memref<!tpu.dma_semaphore, #tpu.memory_space<semaphore_mem>>)
    %dma_wait3A = arith.constant 0 : i32
    %dma_wait3A_11 = arith.constant 0 : i32
    %dma_wait3A_12 = tpu.memref_slice %arg3[%dma_wait3A, %dma_wait3A_11] : memref<100000x16xf32, #tpu.memory_space<hbm>> -> memref<100000x16xf32, #tpu.memory_space<hbm>>
    tpu.wait_indirect_dma semaphore(%arg13 : memref<!tpu.dma_semaphore, #tpu.memory_space<semaphore_mem>>) src(%dma_wait3A_12 : memref<100000x16xf32, #tpu.memory_space<hbm>>) dst(%arg10 : memref<512x16xf32, #tpu.memory_space<vmem>>)
    "tpu.region"() ({
      %run_scoped3A = tpu.sem_alloc : memref<!tpu.dma_semaphore, #tpu.memory_space<semaphore_mem>>
      %dma_start3A_19 = arith.constant 0 : i32
      %dma_start3A_20 = tpu.memref_slice %arg6[%mul3A_2, %dma_start3A_19] : memref<16384x16xf32, #tpu.memory_space<hbm>> -> memref<512x16xf32, #tpu.memory_space<hbm>>
      %dma_start3A_21 = arith.constant 0 : i32
      %dma_start3A_22 = tpu.memref_slice %arg6[%mul3A_2, %dma_start3A_21] : memref<16384x16xf32, #tpu.memory_space<hbm>> -> memref<512x16xf32, #tpu.memory_space<hbm>>
      tpu.enqueue_dma source(%arg10 : memref<512x16xf32, #tpu.memory_space<vmem>>) target(%dma_start3A_22 : memref<512x16xf32, #tpu.memory_space<hbm>>) target_semaphore(%run_scoped3A : memref<!tpu.dma_semaphore, #tpu.memory_space<semaphore_mem>>)
      %dma_wait3A_23 = arith.constant 0 : i32
      %dma_wait3A_24 = tpu.memref_slice %arg6[%mul3A_2, %dma_wait3A_23] : memref<16384x16xf32, #tpu.memory_space<hbm>> -> memref<512x16xf32, #tpu.memory_space<hbm>>
      %dma_wait3A_25 = arith.constant 0 : i32
      %dma_wait3A_26 = tpu.memref_slice %arg6[%mul3A_2, %dma_wait3A_25] : memref<16384x16xf32, #tpu.memory_space<hbm>> -> memref<512x16xf32, #tpu.memory_space<hbm>>
      tpu.wait_dma2 semaphore(%run_scoped3A : memref<!tpu.dma_semaphore, #tpu.memory_space<semaphore_mem>>) src(%arg10 : memref<512x16xf32, #tpu.memory_space<vmem>>) dst(%dma_wait3A_26 : memref<512x16xf32, #tpu.memory_space<hbm>>)
      tpu.yield
    }) : () -> ()
    %dma_wait3A_13 = arith.constant 0 : i32
    %dma_wait3A_14 = arith.constant 0 : i32
    %dma_wait3A_15 = tpu.memref_slice %arg4[%dma_wait3A_13, %dma_wait3A_14] : memref<100000x16xi32, #tpu.memory_space<hbm>> -> memref<100000x16xi32, #tpu.memory_space<hbm>>
    tpu.wait_indirect_dma semaphore(%arg14 : memref<!tpu.dma_semaphore, #tpu.memory_space<semaphore_mem>>) src(%dma_wait3A_15 : memref<100000x16xi32, #tpu.memory_space<hbm>>) dst(%arg11 : memref<512x16xi32, #tpu.memory_space<vmem>>)
    "tpu.region"() ({
      %run_scoped3A = tpu.sem_alloc : memref<!tpu.dma_semaphore, #tpu.memory_space<semaphore_mem>>
      %dma_start3A_19 = arith.constant 0 : i32
      %dma_start3A_20 = tpu.memref_slice %arg7[%mul3A_2, %dma_start3A_19] : memref<16384x16xi32, #tpu.memory_space<hbm>> -> memref<512x16xi32, #tpu.memory_space<hbm>>
      %dma_start3A_21 = arith.constant 0 : i32
      %dma_start3A_22 = tpu.memref_slice %arg7[%mul3A_2, %dma_start3A_21] : memref<16384x16xi32, #tpu.memory_space<hbm>> -> memref<512x16xi32, #tpu.memory_space<hbm>>
      tpu.enqueue_dma source(%arg11 : memref<512x16xi32, #tpu.memory_space<vmem>>) target(%dma_start3A_22 : memref<512x16xi32, #tpu.memory_space<hbm>>) target_semaphore(%run_scoped3A : memref<!tpu.dma_semaphore, #tpu.memory_space<semaphore_mem>>)
      %dma_wait3A_23 = arith.constant 0 : i32
      %dma_wait3A_24 = tpu.memref_slice %arg7[%mul3A_2, %dma_wait3A_23] : memref<16384x16xi32, #tpu.memory_space<hbm>> -> memref<512x16xi32, #tpu.memory_space<hbm>>
      %dma_wait3A_25 = arith.constant 0 : i32
      %dma_wait3A_26 = tpu.memref_slice %arg7[%mul3A_2, %dma_wait3A_25] : memref<16384x16xi32, #tpu.memory_space<hbm>> -> memref<512x16xi32, #tpu.memory_space<hbm>>
      tpu.wait_dma2 semaphore(%run_scoped3A : memref<!tpu.dma_semaphore, #tpu.memory_space<semaphore_mem>>) src(%arg11 : memref<512x16xi32, #tpu.memory_space<vmem>>) dst(%dma_wait3A_26 : memref<512x16xi32, #tpu.memory_space<hbm>>)
      tpu.yield
    }) : () -> ()
    %dma_wait3A_16 = arith.constant 0 : i32
    %dma_wait3A_17 = arith.constant 0 : i32
    %dma_wait3A_18 = tpu.memref_slice %arg5[%dma_wait3A_16, %dma_wait3A_17] : memref<100000x16xi32, #tpu.memory_space<hbm>> -> memref<100000x16xi32, #tpu.memory_space<hbm>>
    tpu.wait_indirect_dma semaphore(%arg15 : memref<!tpu.dma_semaphore, #tpu.memory_space<semaphore_mem>>) src(%dma_wait3A_18 : memref<100000x16xi32, #tpu.memory_space<hbm>>) dst(%arg12 : memref<512x16xi32, #tpu.memory_space<vmem>>)
    "tpu.region"() ({
      %run_scoped3A = tpu.sem_alloc : memref<!tpu.dma_semaphore, #tpu.memory_space<semaphore_mem>>
      %dma_start3A_19 = arith.constant 0 : i32
      %dma_start3A_20 = tpu.memref_slice %arg8[%mul3A_2, %dma_start3A_19] : memref<16384x16xi32, #tpu.memory_space<hbm>> -> memref<512x16xi32, #tpu.memory_space<hbm>>
      %dma_start3A_21 = arith.constant 0 : i32
      %dma_start3A_22 = tpu.memref_slice %arg8[%mul3A_2, %dma_start3A_21] : memref<16384x16xi32, #tpu.memory_space<hbm>> -> memref<512x16xi32, #tpu.memory_space<hbm>>
      tpu.enqueue_dma source(%arg12 : memref<512x16xi32, #tpu.memory_space<vmem>>) target(%dma_start3A_22 : memref<512x16xi32, #tpu.memory_space<hbm>>) target_semaphore(%run_scoped3A : memref<!tpu.dma_semaphore, #tpu.memory_space<semaphore_mem>>)
      %dma_wait3A_23 = arith.constant 0 : i32
      %dma_wait3A_24 = tpu.memref_slice %arg8[%mul3A_2, %dma_wait3A_23] : memref<16384x16xi32, #tpu.memory_space<hbm>> -> memref<512x16xi32, #tpu.memory_space<hbm>>
      %dma_wait3A_25 = arith.constant 0 : i32
      %dma_wait3A_26 = tpu.memref_slice %arg8[%mul3A_2, %dma_wait3A_25] : memref<16384x16xi32, #tpu.memory_space<hbm>> -> memref<512x16xi32, #tpu.memory_space<hbm>>
      tpu.wait_dma2 semaphore(%run_scoped3A : memref<!tpu.dma_semaphore, #tpu.memory_space<semaphore_mem>>) src(%arg12 : memref<512x16xi32, #tpu.memory_space<vmem>>) dst(%dma_wait3A_26 : memref<512x16xi32, #tpu.memory_space<hbm>>)
      tpu.yield
    }) : () -> ()
    return
  }
}

#map = affine_map<(d0, d1) -> (0)>
#map1 = affine_map<(d0, d1) -> (0, 0)>
module attributes {stable_mosaic.version = 14 : i64} {
  func.func @_sc2_body(%arg0: i32, %arg1: i32, %arg2: memref<262144xi32, #tpu.memory_space<hbm>>, %arg3: memref<16384x16xi32, #tpu.memory_space<hbm>>, %arg4: memref<16384x32xf32, #tpu.memory_space<hbm>>, %arg5: memref<100000x16xf32, #tpu.memory_space<hbm>>, %arg6: memref<100000x16xi32, #tpu.memory_space<hbm>>, %arg7: memref<100000x16xi32, #tpu.memory_space<hbm>>, %arg8: memref<262144x16xf32, #tpu.memory_space<hbm>>, %arg9: memref<262144x16xi32, #tpu.memory_space<hbm>>, %arg10: memref<16384x16xf32, #tpu.memory_space<hbm>>, %arg11: memref<262144x16xf32, #tpu.memory_space<hbm>>, %arg12: memref<512x32xf32, #tpu.memory_space<vmem>>, %arg13: memref<512x16xi32, #tpu.memory_space<vmem>>, %arg14: memref<512x16xf32, #tpu.memory_space<vmem>>, %arg15: memref<512xi32, #tpu.memory_space<vmem>>, %arg16: memref<512xi32, #tpu.memory_space<vmem>>, %arg17: memref<512x16xf32, #tpu.memory_space<vmem>>, %arg18: memref<512x16xf32, #tpu.memory_space<vmem>>, %arg19: memref<512x16xi32, #tpu.memory_space<vmem>>, %arg20: memref<512x16xi32, #tpu.memory_space<vmem>>, %arg21: memref<512x16xi32, #tpu.memory_space<vmem>>, %arg22: memref<512x16xi32, #tpu.memory_space<vmem>>, %arg23: memref<512x16xf32, #tpu.memory_space<vmem>>, %arg24: memref<512x16xf32, #tpu.memory_space<vmem>>, %arg25: memref<!tpu.dma_semaphore, #tpu.memory_space<semaphore_mem>>, %arg26: memref<!tpu.dma_semaphore, #tpu.memory_space<semaphore_mem>>, %arg27: memref<!tpu.dma_semaphore, #tpu.memory_space<semaphore_mem>>, %arg28: memref<!tpu.dma_semaphore, #tpu.memory_space<semaphore_mem>>, %arg29: memref<!tpu.dma_semaphore, #tpu.memory_space<semaphore_mem>>, %arg30: memref<!tpu.dma_semaphore, #tpu.memory_space<semaphore_mem>>) attributes {dimension_semantics = [#tpu.dimension_semantics<core_parallel>, #tpu.dimension_semantics<subcore_parallel>], iteration_bounds = array<i64: 2, 16>, scalar_prefetch = 0 : i64, scratch_operands = 19 : i64, tpu.core_type = #tpu.core_type<sc_vector_subcore>, window_params = [{transform_indices = #map}, {transform_indices = #map1}, {transform_indices = #map1}, {transform_indices = #map1}, {transform_indices = #map1}, {transform_indices = #map1}, {transform_indices = #map1}, {transform_indices = #map1}, {transform_indices = #map1}, {transform_indices = #map1}]} {
    %mul3A = arith.constant 2 : i32
    %mul3A_0 = arith.muli %arg1, %mul3A : i32
    %add3A = arith.addi %mul3A_0, %arg0 : i32
    %mul3A_1 = arith.constant 512 : i32
    %mul3A_2 = arith.muli %add3A, %mul3A_1 : i32
    "tpu.region"() ({
      %run_scoped3A = tpu.sem_alloc : memref<!tpu.dma_semaphore, #tpu.memory_space<semaphore_mem>>
      %dma_start3A = arith.constant 0 : i32
      %dma_start3A_11 = tpu.memref_slice %arg4[%mul3A_2, %dma_start3A] : memref<16384x32xf32, #tpu.memory_space<hbm>> -> memref<512x32xf32, #tpu.memory_space<hbm>>
      %dma_start3A_12 = arith.constant 0 : i32
      %dma_start3A_13 = tpu.memref_slice %arg4[%mul3A_2, %dma_start3A_12] : memref<16384x32xf32, #tpu.memory_space<hbm>> -> memref<512x32xf32, #tpu.memory_space<hbm>>
      tpu.enqueue_dma source(%dma_start3A_13 : memref<512x32xf32, #tpu.memory_space<hbm>>) target(%arg12 : memref<512x32xf32, #tpu.memory_space<vmem>>) target_semaphore(%run_scoped3A : memref<!tpu.dma_semaphore, #tpu.memory_space<semaphore_mem>>)
      %dma_wait3A = arith.constant 0 : i32
      %dma_wait3A_14 = tpu.memref_slice %arg4[%mul3A_2, %dma_wait3A] : memref<16384x32xf32, #tpu.memory_space<hbm>> -> memref<512x32xf32, #tpu.memory_space<hbm>>
      %dma_wait3A_15 = arith.constant 0 : i32
      %dma_wait3A_16 = tpu.memref_slice %arg4[%mul3A_2, %dma_wait3A_15] : memref<16384x32xf32, #tpu.memory_space<hbm>> -> memref<512x32xf32, #tpu.memory_space<hbm>>
      tpu.wait_dma2 semaphore(%run_scoped3A : memref<!tpu.dma_semaphore, #tpu.memory_space<semaphore_mem>>) src(%dma_wait3A_16 : memref<512x32xf32, #tpu.memory_space<hbm>>) dst(%arg12 : memref<512x32xf32, #tpu.memory_space<vmem>>)
      tpu.yield
    }) : () -> ()
    "tpu.region"() ({
      %run_scoped3A = tpu.sem_alloc : memref<!tpu.dma_semaphore, #tpu.memory_space<semaphore_mem>>
      %dma_start3A = arith.constant 0 : i32
      %dma_start3A_11 = tpu.memref_slice %arg3[%mul3A_2, %dma_start3A] : memref<16384x16xi32, #tpu.memory_space<hbm>> -> memref<512x16xi32, #tpu.memory_space<hbm>>
      %dma_start3A_12 = arith.constant 0 : i32
      %dma_start3A_13 = tpu.memref_slice %arg3[%mul3A_2, %dma_start3A_12] : memref<16384x16xi32, #tpu.memory_space<hbm>> -> memref<512x16xi32, #tpu.memory_space<hbm>>
      tpu.enqueue_dma source(%dma_start3A_13 : memref<512x16xi32, #tpu.memory_space<hbm>>) target(%arg13 : memref<512x16xi32, #tpu.memory_space<vmem>>) target_semaphore(%run_scoped3A : memref<!tpu.dma_semaphore, #tpu.memory_space<semaphore_mem>>)
      %dma_wait3A = arith.constant 0 : i32
      %dma_wait3A_14 = tpu.memref_slice %arg3[%mul3A_2, %dma_wait3A] : memref<16384x16xi32, #tpu.memory_space<hbm>> -> memref<512x16xi32, #tpu.memory_space<hbm>>
      %dma_wait3A_15 = arith.constant 0 : i32
      %dma_wait3A_16 = tpu.memref_slice %arg3[%mul3A_2, %dma_wait3A_15] : memref<16384x16xi32, #tpu.memory_space<hbm>> -> memref<512x16xi32, #tpu.memory_space<hbm>>
      tpu.wait_dma2 semaphore(%run_scoped3A : memref<!tpu.dma_semaphore, #tpu.memory_space<semaphore_mem>>) src(%dma_wait3A_16 : memref<512x16xi32, #tpu.memory_space<hbm>>) dst(%arg13 : memref<512x16xi32, #tpu.memory_space<vmem>>)
      tpu.yield
    }) : () -> ()
    %parallel_loop3A = arith.constant 0 : i32
    %parallel_loop3A_3 = arith.constant 512 : i32
    %parallel_loop3A_4 = arith.constant 1 : i32
    scf.for %parallel_loop3A_11 = %parallel_loop3A to %parallel_loop3A_3 step %parallel_loop3A_4  : i32 {
      %parallel_loop3A_12 = vector.broadcast %parallel_loop3A_11 : i32 to vector<16xi32>
      %parallel_loop3A_13 = arith.index_cast %parallel_loop3A_11 : i32 to index
      %parallel_loop3A_14 = arith.constant 0 : index
      %parallel_loop3A_15 = tpu.vector_load %arg13[%parallel_loop3A_13, %parallel_loop3A_14] {strides = array<i32>} : memref<512x16xi32, #tpu.memory_space<vmem>>, vector<16xi32>,
      %parallel_loop3A_16 = tpu.vector_load_idx %arg12[%parallel_loop3A_12, %parallel_loop3A_15] : memref<512x32xf32, #tpu.memory_space<vmem>>[vector<16xi32>, vector<16xi32>], vector<16xf32>,
      %parallel_loop3A_17 = arith.index_cast %parallel_loop3A_11 : i32 to index
      %parallel_loop3A_18 = arith.constant 0 : index
      %parallel_loop3A_19 = tpu.vector_load %arg14[%parallel_loop3A_17, %parallel_loop3A_18] {strides = array<i32>} : memref<512x16xf32, #tpu.memory_space<vmem>>, vector<16xf32>,
      tpu.vector_store %arg14[%parallel_loop3A_17, %parallel_loop3A_18], %parallel_loop3A_16 {strides = array<i32>} : memref<512x16xf32, #tpu.memory_space<vmem>>, vector<16xf32>,
    } {sc.loop_unroll_factor = 4 : i64, sc.parallel_access}
    "tpu.region"() ({
      %run_scoped3A = tpu.sem_alloc : memref<!tpu.dma_semaphore, #tpu.memory_space<semaphore_mem>>
      %dma_start3A = arith.constant 0 : i32
      %dma_start3A_11 = tpu.memref_slice %arg10[%mul3A_2, %dma_start3A] : memref<16384x16xf32, #tpu.memory_space<hbm>> -> memref<512x16xf32, #tpu.memory_space<hbm>>
      %dma_start3A_12 = arith.constant 0 : i32
      %dma_start3A_13 = tpu.memref_slice %arg10[%mul3A_2, %dma_start3A_12] : memref<16384x16xf32, #tpu.memory_space<hbm>> -> memref<512x16xf32, #tpu.memory_space<hbm>>
      tpu.enqueue_dma source(%arg14 : memref<512x16xf32, #tpu.memory_space<vmem>>) target(%dma_start3A_13 : memref<512x16xf32, #tpu.memory_space<hbm>>) target_semaphore(%run_scoped3A : memref<!tpu.dma_semaphore, #tpu.memory_space<semaphore_mem>>)
      %dma_wait3A = arith.constant 0 : i32
      %dma_wait3A_14 = tpu.memref_slice %arg10[%mul3A_2, %dma_wait3A] : memref<16384x16xf32, #tpu.memory_space<hbm>> -> memref<512x16xf32, #tpu.memory_space<hbm>>
      %dma_wait3A_15 = arith.constant 0 : i32
      %dma_wait3A_16 = tpu.memref_slice %arg10[%mul3A_2, %dma_wait3A_15] : memref<16384x16xf32, #tpu.memory_space<hbm>> -> memref<512x16xf32, #tpu.memory_space<hbm>>
      tpu.wait_dma2 semaphore(%run_scoped3A : memref<!tpu.dma_semaphore, #tpu.memory_space<semaphore_mem>>) src(%arg14 : memref<512x16xf32, #tpu.memory_space<vmem>>) dst(%dma_wait3A_16 : memref<512x16xf32, #tpu.memory_space<hbm>>)
      tpu.yield
    }) : () -> ()
    %scan3A = arith.constant 0 : i32
    %scan3A_5 = arith.constant 0 : i32
    %scan3A_6 = arith.constant 8 : i32
    %scan3A_7 = arith.addi %scan3A_5, %scan3A_6 : i32
    %scan3A_8 = arith.constant 1 : i32
    %scan3A_9 = scf.for %scan3A_11 = %scan3A_5 to %scan3A_7 step %scan3A_8 iter_args(%scan3A_12 = %scan3A) -> (i32)  : i32 {
      %mul3A_13 = arith.constant 2 : i32
      %mul3A_14 = arith.muli %mul3A_13, %scan3A_11 : i32
      %mul3A_15 = arith.constant 512 : i32
      %mul3A_16 = arith.muli %mul3A_14, %mul3A_15 : i32
      %add3A_17 = arith.constant 512 : i32
      %add3A_18 = arith.addi %mul3A_16, %add3A_17 : i32
      %mul3A_19 = arith.constant 8192 : i32
      %mul3A_20 = arith.muli %add3A, %mul3A_19 : i32
      %add3A_21 = arith.addi %mul3A_20, %mul3A_16 : i32
      %add3A_22 = arith.constant 512 : i32
      %add3A_23 = arith.addi %add3A_21, %add3A_22 : i32
      "tpu.region"() ({
        %run_scoped3A = tpu.sem_alloc : memref<!tpu.dma_semaphore, #tpu.memory_space<semaphore_mem>>
        %dma_start3A_113 = tpu.memref_slice %arg2[%add3A_21] : memref<262144xi32, #tpu.memory_space<hbm>> -> memref<512xi32, #tpu.memory_space<hbm>>
        %dma_start3A_114 = tpu.memref_slice %arg2[%add3A_21] : memref<262144xi32, #tpu.memory_space<hbm>> -> memref<512xi32, #tpu.memory_space<hbm>>
        tpu.enqueue_dma source(%dma_start3A_114 : memref<512xi32, #tpu.memory_space<hbm>>) target(%arg15 : memref<512xi32, #tpu.memory_space<vmem>>) target_semaphore(%run_scoped3A : memref<!tpu.dma_semaphore, #tpu.memory_space<semaphore_mem>>)
        %dma_wait3A_115 = tpu.memref_slice %arg2[%add3A_21] : memref<262144xi32, #tpu.memory_space<hbm>> -> memref<512xi32, #tpu.memory_space<hbm>>
        %dma_wait3A_116 = tpu.memref_slice %arg2[%add3A_21] : memref<262144xi32, #tpu.memory_space<hbm>> -> memref<512xi32, #tpu.memory_space<hbm>>
        tpu.wait_dma2 semaphore(%run_scoped3A : memref<!tpu.dma_semaphore, #tpu.memory_space<semaphore_mem>>) src(%dma_wait3A_116 : memref<512xi32, #tpu.memory_space<hbm>>) dst(%arg15 : memref<512xi32, #tpu.memory_space<vmem>>)
        tpu.yield
      }) : () -> ()
      %dma_start3A = arith.constant 0 : i32
      %dma_start3A_24 = arith.constant 0 : i32
      %dma_start3A_25 = tpu.memref_slice %arg5[%dma_start3A, %dma_start3A_24] : memref<100000x16xf32, #tpu.memory_space<hbm>> -> memref<100000x16xf32, #tpu.memory_space<hbm>>
      tpu.enqueue_indirect_dma source(%dma_start3A_25 : memref<100000x16xf32, #tpu.memory_space<hbm>>) target(%arg17 : memref<512x16xf32, #tpu.memory_space<vmem>>) offsets(%arg15 : memref<512xi32, #tpu.memory_space<vmem>>) semaphore(%arg25 : memref<!tpu.dma_semaphore, #tpu.memory_space<semaphore_mem>>)
      %dma_start3A_26 = arith.constant 0 : i32
      %dma_start3A_27 = arith.constant 0 : i32
      %dma_start3A_28 = tpu.memref_slice %arg6[%dma_start3A_26, %dma_start3A_27] : memref<100000x16xi32, #tpu.memory_space<hbm>> -> memref<100000x16xi32, #tpu.memory_space<hbm>>
      tpu.enqueue_indirect_dma source(%dma_start3A_28 : memref<100000x16xi32, #tpu.memory_space<hbm>>) target(%arg19 : memref<512x16xi32, #tpu.memory_space<vmem>>) offsets(%arg15 : memref<512xi32, #tpu.memory_space<vmem>>) semaphore(%arg26 : memref<!tpu.dma_semaphore, #tpu.memory_space<semaphore_mem>>)
      %dma_start3A_29 = arith.constant 0 : i32
      %dma_start3A_30 = arith.constant 0 : i32
      %dma_start3A_31 = tpu.memref_slice %arg7[%dma_start3A_29, %dma_start3A_30] : memref<100000x16xi32, #tpu.memory_space<hbm>> -> memref<100000x16xi32, #tpu.memory_space<hbm>>
      tpu.enqueue_indirect_dma source(%dma_start3A_31 : memref<100000x16xi32, #tpu.memory_space<hbm>>) target(%arg21 : memref<512x16xi32, #tpu.memory_space<vmem>>) offsets(%arg15 : memref<512xi32, #tpu.memory_space<vmem>>) semaphore(%arg27 : memref<!tpu.dma_semaphore, #tpu.memory_space<semaphore_mem>>)
      "tpu.region"() ({
        %run_scoped3A = tpu.sem_alloc : memref<!tpu.dma_semaphore, #tpu.memory_space<semaphore_mem>>
        %dma_start3A_113 = tpu.memref_slice %arg2[%add3A_23] : memref<262144xi32, #tpu.memory_space<hbm>> -> memref<512xi32, #tpu.memory_space<hbm>>
        %dma_start3A_114 = tpu.memref_slice %arg2[%add3A_23] : memref<262144xi32, #tpu.memory_space<hbm>> -> memref<512xi32, #tpu.memory_space<hbm>>
        tpu.enqueue_dma source(%dma_start3A_114 : memref<512xi32, #tpu.memory_space<hbm>>) target(%arg16 : memref<512xi32, #tpu.memory_space<vmem>>) target_semaphore(%run_scoped3A : memref<!tpu.dma_semaphore, #tpu.memory_space<semaphore_mem>>)
        %dma_wait3A_115 = tpu.memref_slice %arg2[%add3A_23] : memref<262144xi32, #tpu.memory_space<hbm>> -> memref<512xi32, #tpu.memory_space<hbm>>
        %dma_wait3A_116 = tpu.memref_slice %arg2[%add3A_23] : memref<262144xi32, #tpu.memory_space<hbm>> -> memref<512xi32, #tpu.memory_space<hbm>>
        tpu.wait_dma2 semaphore(%run_scoped3A : memref<!tpu.dma_semaphore, #tpu.memory_space<semaphore_mem>>) src(%dma_wait3A_116 : memref<512xi32, #tpu.memory_space<hbm>>) dst(%arg16 : memref<512xi32, #tpu.memory_space<vmem>>)
        tpu.yield
      }) : () -> ()
      %dma_start3A_32 = arith.constant 0 : i32
      %dma_start3A_33 = arith.constant 0 : i32
      %dma_start3A_34 = tpu.memref_slice %arg5[%dma_start3A_32, %dma_start3A_33] : memref<100000x16xf32, #tpu.memory_space<hbm>> -> memref<100000x16xf32, #tpu.memory_space<hbm>>
      tpu.enqueue_indirect_dma source(%dma_start3A_34 : memref<100000x16xf32, #tpu.memory_space<hbm>>) target(%arg18 : memref<512x16xf32, #tpu.memory_space<vmem>>) offsets(%arg16 : memref<512xi32, #tpu.memory_space<vmem>>) semaphore(%arg28 : memref<!tpu.dma_semaphore, #tpu.memory_space<semaphore_mem>>)
      %dma_start3A_35 = arith.constant 0 : i32
      %dma_start3A_36 = arith.constant 0 : i32
      %dma_start3A_37 = tpu.memref_slice %arg6[%dma_start3A_35, %dma_start3A_36] : memref<100000x16xi32, #tpu.memory_space<hbm>> -> memref<100000x16xi32, #tpu.memory_space<hbm>>
      tpu.enqueue_indirect_dma source(%dma_start3A_37 : memref<100000x16xi32, #tpu.memory_space<hbm>>) target(%arg20 : memref<512x16xi32, #tpu.memory_space<vmem>>) offsets(%arg16 : memref<512xi32, #tpu.memory_space<vmem>>) semaphore(%arg29 : memref<!tpu.dma_semaphore, #tpu.memory_space<semaphore_mem>>)
      %dma_start3A_38 = arith.constant 0 : i32
      %dma_start3A_39 = arith.constant 0 : i32
      %dma_start3A_40 = tpu.memref_slice %arg7[%dma_start3A_38, %dma_start3A_39] : memref<100000x16xi32, #tpu.memory_space<hbm>> -> memref<100000x16xi32, #tpu.memory_space<hbm>>
      tpu.enqueue_indirect_dma source(%dma_start3A_40 : memref<100000x16xi32, #tpu.memory_space<hbm>>) target(%arg22 : memref<512x16xi32, #tpu.memory_space<vmem>>) offsets(%arg16 : memref<512xi32, #tpu.memory_space<vmem>>) semaphore(%arg30 : memref<!tpu.dma_semaphore, #tpu.memory_space<semaphore_mem>>)
      %dma_wait3A = arith.constant 0 : i32
      %dma_wait3A_41 = arith.constant 0 : i32
      %dma_wait3A_42 = tpu.memref_slice %arg5[%dma_wait3A, %dma_wait3A_41] : memref<100000x16xf32, #tpu.memory_space<hbm>> -> memref<100000x16xf32, #tpu.memory_space<hbm>>
      tpu.wait_indirect_dma semaphore(%arg25 : memref<!tpu.dma_semaphore, #tpu.memory_space<semaphore_mem>>) src(%dma_wait3A_42 : memref<100000x16xf32, #tpu.memory_space<hbm>>) dst(%arg17 : memref<512x16xf32, #tpu.memory_space<vmem>>)
      %dma_start3A_43 = arith.constant 0 : i32
      %dma_start3A_44 = tpu.memref_slice %arg8[%add3A_21, %dma_start3A_43] : memref<262144x16xf32, #tpu.memory_space<hbm>> -> memref<512x16xf32, #tpu.memory_space<hbm>>
      %dma_start3A_45 = arith.constant 0 : i32
      %dma_start3A_46 = tpu.memref_slice %arg8[%add3A_21, %dma_start3A_45] : memref<262144x16xf32, #tpu.memory_space<hbm>> -> memref<512x16xf32, #tpu.memory_space<hbm>>
      tpu.enqueue_dma source(%arg17 : memref<512x16xf32, #tpu.memory_space<vmem>>) target(%dma_start3A_46 : memref<512x16xf32, #tpu.memory_space<hbm>>) target_semaphore(%arg25 : memref<!tpu.dma_semaphore, #tpu.memory_space<semaphore_mem>>)
      %dma_wait3A_47 = arith.constant 0 : i32
      %dma_wait3A_48 = arith.constant 0 : i32
      %dma_wait3A_49 = tpu.memref_slice %arg6[%dma_wait3A_47, %dma_wait3A_48] : memref<100000x16xi32, #tpu.memory_space<hbm>> -> memref<100000x16xi32, #tpu.memory_space<hbm>>
      tpu.wait_indirect_dma semaphore(%arg26 : memref<!tpu.dma_semaphore, #tpu.memory_space<semaphore_mem>>) src(%dma_wait3A_49 : memref<100000x16xi32, #tpu.memory_space<hbm>>) dst(%arg19 : memref<512x16xi32, #tpu.memory_space<vmem>>)
      %dma_start3A_50 = arith.constant 0 : i32
      %dma_start3A_51 = tpu.memref_slice %arg9[%add3A_21, %dma_start3A_50] : memref<262144x16xi32, #tpu.memory_space<hbm>> -> memref<512x16xi32, #tpu.memory_space<hbm>>
      %dma_start3A_52 = arith.constant 0 : i32
      %dma_start3A_53 = tpu.memref_slice %arg9[%add3A_21, %dma_start3A_52] : memref<262144x16xi32, #tpu.memory_space<hbm>> -> memref<512x16xi32, #tpu.memory_space<hbm>>
      tpu.enqueue_dma source(%arg19 : memref<512x16xi32, #tpu.memory_space<vmem>>) target(%dma_start3A_53 : memref<512x16xi32, #tpu.memory_space<hbm>>) target_semaphore(%arg26 : memref<!tpu.dma_semaphore, #tpu.memory_space<semaphore_mem>>)
      %dma_wait3A_54 = arith.constant 0 : i32
      %dma_wait3A_55 = arith.constant 0 : i32
      %dma_wait3A_56 = tpu.memref_slice %arg7[%dma_wait3A_54, %dma_wait3A_55] : memref<100000x16xi32, #tpu.memory_space<hbm>> -> memref<100000x16xi32, #tpu.memory_space<hbm>>
      tpu.wait_indirect_dma semaphore(%arg27 : memref<!tpu.dma_semaphore, #tpu.memory_space<semaphore_mem>>) src(%dma_wait3A_56 : memref<100000x16xi32, #tpu.memory_space<hbm>>) dst(%arg21 : memref<512x16xi32, #tpu.memory_space<vmem>>)
      %parallel_loop3A_57 = arith.constant 0 : i32
      %parallel_loop3A_58 = arith.constant 512 : i32
      %parallel_loop3A_59 = arith.constant 1 : i32
      scf.for %parallel_loop3A_113 = %parallel_loop3A_57 to %parallel_loop3A_58 step %parallel_loop3A_59  : i32 {
        %parallel_loop3A_114 = arith.addi %mul3A_16, %parallel_loop3A_113 : i32
        %parallel_loop3A_115 = arith.constant 16 : i32
        %parallel_loop3A_116 = arith.divsi %parallel_loop3A_114, %parallel_loop3A_115 : i32
        %parallel_loop3A_117 = arith.constant 0 : i32
        %parallel_loop3A_118 = arith.cmpi sgt, %parallel_loop3A_114, %parallel_loop3A_117 : i32
        %parallel_loop3A_119 = arith.extui %parallel_loop3A_118 : i1 to i32
        %parallel_loop3A_120 = arith.constant 0 : i32
        %parallel_loop3A_121 = arith.cmpi slt, %parallel_loop3A_114, %parallel_loop3A_120 : i32
        %parallel_loop3A_122 = arith.extui %parallel_loop3A_121 : i1 to i32
        %parallel_loop3A_123 = arith.subi %parallel_loop3A_119, %parallel_loop3A_122 : i32
        %parallel_loop3A_124 = arith.constant 0 : i32
        %parallel_loop3A_125 = arith.cmpi sgt, %parallel_loop3A_115, %parallel_loop3A_124 : i32
        %parallel_loop3A_126 = arith.extui %parallel_loop3A_125 : i1 to i32
        %parallel_loop3A_127 = arith.constant 0 : i32
        %parallel_loop3A_128 = arith.cmpi slt, %parallel_loop3A_115, %parallel_loop3A_127 : i32
        %parallel_loop3A_129 = arith.extui %parallel_loop3A_128 : i1 to i32
        %parallel_loop3A_130 = arith.subi %parallel_loop3A_126, %parallel_loop3A_129 : i32
        %parallel_loop3A_131 = arith.cmpi ne, %parallel_loop3A_123, %parallel_loop3A_130 : i32
        %parallel_loop3A_132 = arith.remsi %parallel_loop3A_114, %parallel_loop3A_115 : i32
        %parallel_loop3A_133 = arith.constant 0 : i32
        %parallel_loop3A_134 = arith.cmpi ne, %parallel_loop3A_132, %parallel_loop3A_133 : i32
        %parallel_loop3A_135 = arith.andi %parallel_loop3A_131, %parallel_loop3A_134 : i1
        %parallel_loop3A_136 = arith.constant 1 : i32
        %parallel_loop3A_137 = arith.subi %parallel_loop3A_116, %parallel_loop3A_136 : i32
        %parallel_loop3A_138 = arith.select %parallel_loop3A_135, %parallel_loop3A_137, %parallel_loop3A_116 : i32
        %parallel_loop3A_139 = vector.broadcast %parallel_loop3A_138 : i32 to vector<16xi32>
        %parallel_loop3A_140 = arith.index_cast %parallel_loop3A_113 : i32 to index
        %parallel_loop3A_141 = arith.constant 0 : index
        %parallel_loop3A_142 = tpu.vector_load %arg21[%parallel_loop3A_140, %parallel_loop3A_141] {strides = array<i32>} : memref<512x16xi32, #tpu.memory_space<vmem>>, vector<16xi32>,
        %parallel_loop3A_143 = tpu.vector_load_idx %arg12[%parallel_loop3A_139, %parallel_loop3A_142] : memref<512x32xf32, #tpu.memory_space<vmem>>[vector<16xi32>, vector<16xi32>], vector<16xf32>,
        %parallel_loop3A_144 = arith.index_cast %parallel_loop3A_113 : i32 to index
        %parallel_loop3A_145 = arith.constant 0 : index
        %parallel_loop3A_146 = tpu.vector_load %arg23[%parallel_loop3A_144, %parallel_loop3A_145] {strides = array<i32>} : memref<512x16xf32, #tpu.memory_space<vmem>>, vector<16xf32>,
        tpu.vector_store %arg23[%parallel_loop3A_144, %parallel_loop3A_145], %parallel_loop3A_143 {strides = array<i32>} : memref<512x16xf32, #tpu.memory_space<vmem>>, vector<16xf32>,
      } {sc.loop_unroll_factor = 4 : i64, sc.parallel_access}
      %dma_start3A_60 = arith.constant 0 : i32
      %dma_start3A_61 = tpu.memref_slice %arg11[%add3A_21, %dma_start3A_60] : memref<262144x16xf32, #tpu.memory_space<hbm>> -> memref<512x16xf32, #tpu.memory_space<hbm>>
      %dma_start3A_62 = arith.constant 0 : i32
      %dma_start3A_63 = tpu.memref_slice %arg11[%add3A_21, %dma_start3A_62] : memref<262144x16xf32, #tpu.memory_space<hbm>> -> memref<512x16xf32, #tpu.memory_space<hbm>>
      tpu.enqueue_dma source(%arg23 : memref<512x16xf32, #tpu.memory_space<vmem>>) target(%dma_start3A_63 : memref<512x16xf32, #tpu.memory_space<hbm>>) target_semaphore(%arg27 : memref<!tpu.dma_semaphore, #tpu.memory_space<semaphore_mem>>)
      %dma_wait3A_64 = arith.constant 0 : i32
      %dma_wait3A_65 = arith.constant 0 : i32
      %dma_wait3A_66 = tpu.memref_slice %arg5[%dma_wait3A_64, %dma_wait3A_65] : memref<100000x16xf32, #tpu.memory_space<hbm>> -> memref<100000x16xf32, #tpu.memory_space<hbm>>
      tpu.wait_indirect_dma semaphore(%arg28 : memref<!tpu.dma_semaphore, #tpu.memory_space<semaphore_mem>>) src(%dma_wait3A_66 : memref<100000x16xf32, #tpu.memory_space<hbm>>) dst(%arg18 : memref<512x16xf32, #tpu.memory_space<vmem>>)
      %dma_start3A_67 = arith.constant 0 : i32
      %dma_start3A_68 = tpu.memref_slice %arg8[%add3A_23, %dma_start3A_67] : memref<262144x16xf32, #tpu.memory_space<hbm>> -> memref<512x16xf32, #tpu.memory_space<hbm>>
      %dma_start3A_69 = arith.constant 0 : i32
      %dma_start3A_70 = tpu.memref_slice %arg8[%add3A_23, %dma_start3A_69] : memref<262144x16xf32, #tpu.memory_space<hbm>> -> memref<512x16xf32, #tpu.memory_space<hbm>>
      tpu.enqueue_dma source(%arg18 : memref<512x16xf32, #tpu.memory_space<vmem>>) target(%dma_start3A_70 : memref<512x16xf32, #tpu.memory_space<hbm>>) target_semaphore(%arg28 : memref<!tpu.dma_semaphore, #tpu.memory_space<semaphore_mem>>)
      %dma_wait3A_71 = arith.constant 0 : i32
      %dma_wait3A_72 = arith.constant 0 : i32
      %dma_wait3A_73 = tpu.memref_slice %arg6[%dma_wait3A_71, %dma_wait3A_72] : memref<100000x16xi32, #tpu.memory_space<hbm>> -> memref<100000x16xi32, #tpu.memory_space<hbm>>
      tpu.wait_indirect_dma semaphore(%arg29 : memref<!tpu.dma_semaphore, #tpu.memory_space<semaphore_mem>>) src(%dma_wait3A_73 : memref<100000x16xi32, #tpu.memory_space<hbm>>) dst(%arg20 : memref<512x16xi32, #tpu.memory_space<vmem>>)
      %dma_start3A_74 = arith.constant 0 : i32
      %dma_start3A_75 = tpu.memref_slice %arg9[%add3A_23, %dma_start3A_74] : memref<262144x16xi32, #tpu.memory_space<hbm>> -> memref<512x16xi32, #tpu.memory_space<hbm>>
      %dma_start3A_76 = arith.constant 0 : i32
      %dma_start3A_77 = tpu.memref_slice %arg9[%add3A_23, %dma_start3A_76] : memref<262144x16xi32, #tpu.memory_space<hbm>> -> memref<512x16xi32, #tpu.memory_space<hbm>>
      tpu.enqueue_dma source(%arg20 : memref<512x16xi32, #tpu.memory_space<vmem>>) target(%dma_start3A_77 : memref<512x16xi32, #tpu.memory_space<hbm>>) target_semaphore(%arg29 : memref<!tpu.dma_semaphore, #tpu.memory_space<semaphore_mem>>)
      %dma_wait3A_78 = arith.constant 0 : i32
      %dma_wait3A_79 = arith.constant 0 : i32
      %dma_wait3A_80 = tpu.memref_slice %arg7[%dma_wait3A_78, %dma_wait3A_79] : memref<100000x16xi32, #tpu.memory_space<hbm>> -> memref<100000x16xi32, #tpu.memory_space<hbm>>
      tpu.wait_indirect_dma semaphore(%arg30 : memref<!tpu.dma_semaphore, #tpu.memory_space<semaphore_mem>>) src(%dma_wait3A_80 : memref<100000x16xi32, #tpu.memory_space<hbm>>) dst(%arg22 : memref<512x16xi32, #tpu.memory_space<vmem>>)
      %parallel_loop3A_81 = arith.constant 0 : i32
      %parallel_loop3A_82 = arith.constant 512 : i32
      %parallel_loop3A_83 = arith.constant 1 : i32
      scf.for %parallel_loop3A_113 = %parallel_loop3A_81 to %parallel_loop3A_82 step %parallel_loop3A_83  : i32 {
        %parallel_loop3A_114 = arith.addi %add3A_18, %parallel_loop3A_113 : i32
        %parallel_loop3A_115 = arith.constant 16 : i32
        %parallel_loop3A_116 = arith.divsi %parallel_loop3A_114, %parallel_loop3A_115 : i32
        %parallel_loop3A_117 = arith.constant 0 : i32
        %parallel_loop3A_118 = arith.cmpi sgt, %parallel_loop3A_114, %parallel_loop3A_117 : i32
        %parallel_loop3A_119 = arith.extui %parallel_loop3A_118 : i1 to i32
        %parallel_loop3A_120 = arith.constant 0 : i32
        %parallel_loop3A_121 = arith.cmpi slt, %parallel_loop3A_114, %parallel_loop3A_120 : i32
        %parallel_loop3A_122 = arith.extui %parallel_loop3A_121 : i1 to i32
        %parallel_loop3A_123 = arith.subi %parallel_loop3A_119, %parallel_loop3A_122 : i32
        %parallel_loop3A_124 = arith.constant 0 : i32
        %parallel_loop3A_125 = arith.cmpi sgt, %parallel_loop3A_115, %parallel_loop3A_124 : i32
        %parallel_loop3A_126 = arith.extui %parallel_loop3A_125 : i1 to i32
        %parallel_loop3A_127 = arith.constant 0 : i32
        %parallel_loop3A_128 = arith.cmpi slt, %parallel_loop3A_115, %parallel_loop3A_127 : i32
        %parallel_loop3A_129 = arith.extui %parallel_loop3A_128 : i1 to i32
        %parallel_loop3A_130 = arith.subi %parallel_loop3A_126, %parallel_loop3A_129 : i32
        %parallel_loop3A_131 = arith.cmpi ne, %parallel_loop3A_123, %parallel_loop3A_130 : i32
        %parallel_loop3A_132 = arith.remsi %parallel_loop3A_114, %parallel_loop3A_115 : i32
        %parallel_loop3A_133 = arith.constant 0 : i32
        %parallel_loop3A_134 = arith.cmpi ne, %parallel_loop3A_132, %parallel_loop3A_133 : i32
        %parallel_loop3A_135 = arith.andi %parallel_loop3A_131, %parallel_loop3A_134 : i1
        %parallel_loop3A_136 = arith.constant 1 : i32
        %parallel_loop3A_137 = arith.subi %parallel_loop3A_116, %parallel_loop3A_136 : i32
        %parallel_loop3A_138 = arith.select %parallel_loop3A_135, %parallel_loop3A_137, %parallel_loop3A_116 : i32
        %parallel_loop3A_139 = vector.broadcast %parallel_loop3A_138 : i32 to vector<16xi32>
        %parallel_loop3A_140 = arith.index_cast %parallel_loop3A_113 : i32 to index
        %parallel_loop3A_141 = arith.constant 0 : index
        %parallel_loop3A_142 = tpu.vector_load %arg22[%parallel_loop3A_140, %parallel_loop3A_141] {strides = array<i32>} : memref<512x16xi32, #tpu.memory_space<vmem>>, vector<16xi32>,
        %parallel_loop3A_143 = tpu.vector_load_idx %arg12[%parallel_loop3A_139, %parallel_loop3A_142] : memref<512x32xf32, #tpu.memory_space<vmem>>[vector<16xi32>, vector<16xi32>], vector<16xf32>,
        %parallel_loop3A_144 = arith.index_cast %parallel_loop3A_113 : i32 to index
        %parallel_loop3A_145 = arith.constant 0 : index
        %parallel_loop3A_146 = tpu.vector_load %arg24[%parallel_loop3A_144, %parallel_loop3A_145] {strides = array<i32>} : memref<512x16xf32, #tpu.memory_space<vmem>>, vector<16xf32>,
        tpu.vector_store %arg24[%parallel_loop3A_144, %parallel_loop3A_145], %parallel_loop3A_143 {strides = array<i32>} : memref<512x16xf32, #tpu.memory_space<vmem>>, vector<16xf32>,
      } {sc.loop_unroll_factor = 4 : i64, sc.parallel_access}
      %dma_start3A_84 = arith.constant 0 : i32
      %dma_start3A_85 = tpu.memref_slice %arg11[%add3A_23, %dma_start3A_84] : memref<262144x16xf32, #tpu.memory_space<hbm>> -> memref<512x16xf32, #tpu.memory_space<hbm>>
      %dma_start3A_86 = arith.constant 0 : i32
      %dma_start3A_87 = tpu.memref_slice %arg11[%add3A_23, %dma_start3A_86] : memref<262144x16xf32, #tpu.memory_space<hbm>> -> memref<512x16xf32, #tpu.memory_space<hbm>>
      tpu.enqueue_dma source(%arg24 : memref<512x16xf32, #tpu.memory_space<vmem>>) target(%dma_start3A_87 : memref<512x16xf32, #tpu.memory_space<hbm>>) target_semaphore(%arg30 : memref<!tpu.dma_semaphore, #tpu.memory_space<semaphore_mem>>)
      %dma_wait3A_88 = arith.constant 0 : i32
      %dma_wait3A_89 = tpu.memref_slice %arg8[%add3A_21, %dma_wait3A_88] : memref<262144x16xf32, #tpu.memory_space<hbm>> -> memref<512x16xf32, #tpu.memory_space<hbm>>
      %dma_wait3A_90 = arith.constant 0 : i32
      %dma_wait3A_91 = tpu.memref_slice %arg8[%add3A_21, %dma_wait3A_90] : memref<262144x16xf32, #tpu.memory_space<hbm>> -> memref<512x16xf32, #tpu.memory_space<hbm>>
      tpu.wait_dma2 semaphore(%arg25 : memref<!tpu.dma_semaphore, #tpu.memory_space<semaphore_mem>>) src(%arg17 : memref<512x16xf32, #tpu.memory_space<vmem>>) dst(%dma_wait3A_91 : memref<512x16xf32, #tpu.memory_space<hbm>>)
      %dma_wait3A_92 = arith.constant 0 : i32
      %dma_wait3A_93 = tpu.memref_slice %arg9[%add3A_21, %dma_wait3A_92] : memref<262144x16xi32, #tpu.memory_space<hbm>> -> memref<512x16xi32, #tpu.memory_space<hbm>>
      %dma_wait3A_94 = arith.constant 0 : i32
      %dma_wait3A_95 = tpu.memref_slice %arg9[%add3A_21, %dma_wait3A_94] : memref<262144x16xi32, #tpu.memory_space<hbm>> -> memref<512x16xi32, #tpu.memory_space<hbm>>
      tpu.wait_dma2 semaphore(%arg26 : memref<!tpu.dma_semaphore, #tpu.memory_space<semaphore_mem>>) src(%arg19 : memref<512x16xi32, #tpu.memory_space<vmem>>) dst(%dma_wait3A_95 : memref<512x16xi32, #tpu.memory_space<hbm>>)
      %dma_wait3A_96 = arith.constant 0 : i32
      %dma_wait3A_97 = tpu.memref_slice %arg11[%add3A_21, %dma_wait3A_96] : memref<262144x16xf32, #tpu.memory_space<hbm>> -> memref<512x16xf32, #tpu.memory_space<hbm>>
      %dma_wait3A_98 = arith.constant 0 : i32
      %dma_wait3A_99 = tpu.memref_slice %arg11[%add3A_21, %dma_wait3A_98] : memref<262144x16xf32, #tpu.memory_space<hbm>> -> memref<512x16xf32, #tpu.memory_space<hbm>>
      tpu.wait_dma2 semaphore(%arg27 : memref<!tpu.dma_semaphore, #tpu.memory_space<semaphore_mem>>) src(%arg23 : memref<512x16xf32, #tpu.memory_space<vmem>>) dst(%dma_wait3A_99 : memref<512x16xf32, #tpu.memory_space<hbm>>)
      %dma_wait3A_100 = arith.constant 0 : i32
      %dma_wait3A_101 = tpu.memref_slice %arg8[%add3A_23, %dma_wait3A_100] : memref<262144x16xf32, #tpu.memory_space<hbm>> -> memref<512x16xf32, #tpu.memory_space<hbm>>
      %dma_wait3A_102 = arith.constant 0 : i32
      %dma_wait3A_103 = tpu.memref_slice %arg8[%add3A_23, %dma_wait3A_102] : memref<262144x16xf32, #tpu.memory_space<hbm>> -> memref<512x16xf32, #tpu.memory_space<hbm>>
      tpu.wait_dma2 semaphore(%arg28 : memref<!tpu.dma_semaphore, #tpu.memory_space<semaphore_mem>>) src(%arg18 : memref<512x16xf32, #tpu.memory_space<vmem>>) dst(%dma_wait3A_103 : memref<512x16xf32, #tpu.memory_space<hbm>>)
      %dma_wait3A_104 = arith.constant 0 : i32
      %dma_wait3A_105 = tpu.memref_slice %arg9[%add3A_23, %dma_wait3A_104] : memref<262144x16xi32, #tpu.memory_space<hbm>> -> memref<512x16xi32, #tpu.memory_space<hbm>>
      %dma_wait3A_106 = arith.constant 0 : i32
      %dma_wait3A_107 = tpu.memref_slice %arg9[%add3A_23, %dma_wait3A_106] : memref<262144x16xi32, #tpu.memory_space<hbm>> -> memref<512x16xi32, #tpu.memory_space<hbm>>
      tpu.wait_dma2 semaphore(%arg29 : memref<!tpu.dma_semaphore, #tpu.memory_space<semaphore_mem>>) src(%arg20 : memref<512x16xi32, #tpu.memory_space<vmem>>) dst(%dma_wait3A_107 : memref<512x16xi32, #tpu.memory_space<hbm>>)
      %dma_wait3A_108 = arith.constant 0 : i32
      %dma_wait3A_109 = tpu.memref_slice %arg11[%add3A_23, %dma_wait3A_108] : memref<262144x16xf32, #tpu.memory_space<hbm>> -> memref<512x16xf32, #tpu.memory_space<hbm>>
      %dma_wait3A_110 = arith.constant 0 : i32
      %dma_wait3A_111 = tpu.memref_slice %arg11[%add3A_23, %dma_wait3A_110] : memref<262144x16xf32, #tpu.memory_space<hbm>> -> memref<512x16xf32, #tpu.memory_space<hbm>>
      tpu.wait_dma2 semaphore(%arg30 : memref<!tpu.dma_semaphore, #tpu.memory_space<semaphore_mem>>) src(%arg24 : memref<512x16xf32, #tpu.memory_space<vmem>>) dst(%dma_wait3A_111 : memref<512x16xf32, #tpu.memory_space<hbm>>)
      %scan3A_112 = arith.constant 0 : i32
      scf.yield %scan3A_112 : i32
    }
    %scan3A_10 = arith.constant 8 : i32
    return
  }
}

#map = affine_map<(d0, d1) -> (0)>
#map1 = affine_map<(d0, d1) -> (0, 0)>
module attributes {stable_mosaic.version = 14 : i64} {
  func.func @_sc3_body(%arg0: i32, %arg1: i32, %arg2: memref<4194304xi32, #tpu.memory_space<hbm>>, %arg3: memref<262144x16xf32, #tpu.memory_space<hbm>>, %arg4: memref<100000x16xf32, #tpu.memory_space<hbm>>, %arg5: memref<16384x256xf32, #tpu.memory_space<hbm>>, %arg6: memref<2048xi32, #tpu.memory_space<vmem>>, %arg7: memref<2048xi32, #tpu.memory_space<vmem>>, %arg8: memref<2048x16xf32, #tpu.memory_space<vmem>>, %arg9: memref<2048x16xf32, #tpu.memory_space<vmem>>, %arg10: memref<128x16xf32, #tpu.memory_space<vmem>>, %arg11: memref<128x16xf32, #tpu.memory_space<vmem>>, %arg12: memref<8x256xf32, #tpu.memory_space<vmem>>, %arg13: memref<8x256xf32, #tpu.memory_space<vmem>>, %arg14: memref<!tpu.dma_semaphore, #tpu.memory_space<semaphore_mem>>, %arg15: memref<!tpu.dma_semaphore, #tpu.memory_space<semaphore_mem>>, %arg16: memref<!tpu.dma_semaphore, #tpu.memory_space<semaphore_mem>>, %arg17: memref<!tpu.dma_semaphore, #tpu.memory_space<semaphore_mem>>) attributes {dimension_semantics = [#tpu.dimension_semantics<core_parallel>, #tpu.dimension_semantics<subcore_parallel>], iteration_bounds = array<i64: 2, 16>, scalar_prefetch = 0 : i64, scratch_operands = 12 : i64, tpu.core_type = #tpu.core_type<sc_vector_subcore>, window_params = [{transform_indices = #map}, {transform_indices = #map1}, {transform_indices = #map1}, {transform_indices = #map1}]} {
    %mul3A = arith.constant 2 : i32
    %mul3A_0 = arith.muli %arg1, %mul3A : i32
    %add3A = arith.addi %mul3A_0, %arg0 : i32
    %scan3A = arith.constant 0 : i32
    %scan3A_1 = arith.constant 0 : i32
    %scan3A_2 = arith.constant 32 : i32
    %scan3A_3 = arith.addi %scan3A_1, %scan3A_2 : i32
    %scan3A_4 = arith.constant 1 : i32
    %scan3A_5 = scf.for %scan3A_7 = %scan3A_1 to %scan3A_3 step %scan3A_4 iter_args(%scan3A_8 = %scan3A) -> (i32)  : i32 {
      %mul3A_9 = arith.constant 131072 : i32
      %mul3A_10 = arith.muli %add3A, %mul3A_9 : i32
      %mul3A_11 = arith.constant 2 : i32
      %mul3A_12 = arith.muli %mul3A_11, %scan3A_7 : i32
      %mul3A_13 = arith.constant 2048 : i32
      %mul3A_14 = arith.muli %mul3A_12, %mul3A_13 : i32
      %add3A_15 = arith.addi %mul3A_10, %mul3A_14 : i32
      %add3A_16 = arith.constant 2048 : i32
      %add3A_17 = arith.addi %add3A_15, %add3A_16 : i32
      %jit3A = arith.constant 16 : i32
      %div3A = arith.divsi %add3A_15, %jit3A : i32
      %sign3A = arith.constant 0 : i32
      %sign3A_18 = arith.cmpi sgt, %add3A_15, %sign3A : i32
      %sign3A_19 = arith.extui %sign3A_18 : i1 to i32
      %sign3A_20 = arith.constant 0 : i32
      %sign3A_21 = arith.cmpi slt, %add3A_15, %sign3A_20 : i32
      %sign3A_22 = arith.extui %sign3A_21 : i1 to i32
      %sign3A_23 = arith.subi %sign3A_19, %sign3A_22 : i32
      %sign3A_24 = arith.constant 0 : i32
      %sign3A_25 = arith.cmpi sgt, %jit3A, %sign3A_24 : i32
      %sign3A_26 = arith.extui %sign3A_25 : i1 to i32
      %sign3A_27 = arith.constant 0 : i32
      %sign3A_28 = arith.cmpi slt, %jit3A, %sign3A_27 : i32
      %sign3A_29 = arith.extui %sign3A_28 : i1 to i32
      %sign3A_30 = arith.subi %sign3A_26, %sign3A_29 : i32
      %ne3A = arith.cmpi ne, %sign3A_23, %sign3A_30 : i32
      %rem3A = arith.remsi %add3A_15, %jit3A : i32
      %ne3A_31 = arith.constant 0 : i32
      %ne3A_32 = arith.cmpi ne, %rem3A, %ne3A_31 : i32
      %and3A = arith.andi %ne3A, %ne3A_32 : i1
      %sub3A = arith.constant 1 : i32
      %sub3A_33 = arith.subi %div3A, %sub3A : i32
      %select_n3A = arith.select %and3A, %sub3A_33, %div3A : i32
      %jit3A_34 = arith.constant 16 : i32
      %div3A_35 = arith.divsi %add3A_17, %jit3A_34 : i32
      %sign3A_36 = arith.constant 0 : i32
      %sign3A_37 = arith.cmpi sgt, %add3A_17, %sign3A_36 : i32
      %sign3A_38 = arith.extui %sign3A_37 : i1 to i32
      %sign3A_39 = arith.constant 0 : i32
      %sign3A_40 = arith.cmpi slt, %add3A_17, %sign3A_39 : i32
      %sign3A_41 = arith.extui %sign3A_40 : i1 to i32
      %sign3A_42 = arith.subi %sign3A_38, %sign3A_41 : i32
      %sign3A_43 = arith.constant 0 : i32
      %sign3A_44 = arith.cmpi sgt, %jit3A_34, %sign3A_43 : i32
      %sign3A_45 = arith.extui %sign3A_44 : i1 to i32
      %sign3A_46 = arith.constant 0 : i32
      %sign3A_47 = arith.cmpi slt, %jit3A_34, %sign3A_46 : i32
      %sign3A_48 = arith.extui %sign3A_47 : i1 to i32
      %sign3A_49 = arith.subi %sign3A_45, %sign3A_48 : i32
      %ne3A_50 = arith.cmpi ne, %sign3A_42, %sign3A_49 : i32
      %rem3A_51 = arith.remsi %add3A_17, %jit3A_34 : i32
      %ne3A_52 = arith.constant 0 : i32
      %ne3A_53 = arith.cmpi ne, %rem3A_51, %ne3A_52 : i32
      %and3A_54 = arith.andi %ne3A_50, %ne3A_53 : i1
      %sub3A_55 = arith.constant 1 : i32
      %sub3A_56 = arith.subi %div3A_35, %sub3A_55 : i32
      %select_n3A_57 = arith.select %and3A_54, %sub3A_56, %div3A_35 : i32
      "tpu.region"() ({
        %run_scoped3A = tpu.sem_alloc : memref<!tpu.dma_semaphore, #tpu.memory_space<semaphore_mem>>
        %dma_start3A_138 = tpu.memref_slice %arg2[%add3A_15] : memref<4194304xi32, #tpu.memory_space<hbm>> -> memref<2048xi32, #tpu.memory_space<hbm>>
        %dma_start3A_139 = tpu.memref_slice %arg2[%add3A_15] : memref<4194304xi32, #tpu.memory_space<hbm>> -> memref<2048xi32, #tpu.memory_space<hbm>>
        tpu.enqueue_dma source(%dma_start3A_139 : memref<2048xi32, #tpu.memory_space<hbm>>) target(%arg6 : memref<2048xi32, #tpu.memory_space<vmem>>) target_semaphore(%run_scoped3A : memref<!tpu.dma_semaphore, #tpu.memory_space<semaphore_mem>>)
        %dma_wait3A_140 = tpu.memref_slice %arg2[%add3A_15] : memref<4194304xi32, #tpu.memory_space<hbm>> -> memref<2048xi32, #tpu.memory_space<hbm>>
        %dma_wait3A_141 = tpu.memref_slice %arg2[%add3A_15] : memref<4194304xi32, #tpu.memory_space<hbm>> -> memref<2048xi32, #tpu.memory_space<hbm>>
        tpu.wait_dma2 semaphore(%run_scoped3A : memref<!tpu.dma_semaphore, #tpu.memory_space<semaphore_mem>>) src(%dma_wait3A_141 : memref<2048xi32, #tpu.memory_space<hbm>>) dst(%arg6 : memref<2048xi32, #tpu.memory_space<vmem>>)
        tpu.yield
      }) : () -> ()
      %dma_start3A = arith.constant 0 : i32
      %dma_start3A_58 = arith.constant 0 : i32
      %dma_start3A_59 = tpu.memref_slice %arg4[%dma_start3A, %dma_start3A_58] : memref<100000x16xf32, #tpu.memory_space<hbm>> -> memref<100000x16xf32, #tpu.memory_space<hbm>>
      tpu.enqueue_indirect_dma source(%dma_start3A_59 : memref<100000x16xf32, #tpu.memory_space<hbm>>) target(%arg8 : memref<2048x16xf32, #tpu.memory_space<vmem>>) offsets(%arg6 : memref<2048xi32, #tpu.memory_space<vmem>>) semaphore(%arg14 : memref<!tpu.dma_semaphore, #tpu.memory_space<semaphore_mem>>)
      "tpu.region"() ({
        %run_scoped3A = tpu.sem_alloc : memref<!tpu.dma_semaphore, #tpu.memory_space<semaphore_mem>>
        %dma_start3A_138 = tpu.memref_slice %arg2[%add3A_17] : memref<4194304xi32, #tpu.memory_space<hbm>> -> memref<2048xi32, #tpu.memory_space<hbm>>
        %dma_start3A_139 = tpu.memref_slice %arg2[%add3A_17] : memref<4194304xi32, #tpu.memory_space<hbm>> -> memref<2048xi32, #tpu.memory_space<hbm>>
        tpu.enqueue_dma source(%dma_start3A_139 : memref<2048xi32, #tpu.memory_space<hbm>>) target(%arg7 : memref<2048xi32, #tpu.memory_space<vmem>>) target_semaphore(%run_scoped3A : memref<!tpu.dma_semaphore, #tpu.memory_space<semaphore_mem>>)
        %dma_wait3A_140 = tpu.memref_slice %arg2[%add3A_17] : memref<4194304xi32, #tpu.memory_space<hbm>> -> memref<2048xi32, #tpu.memory_space<hbm>>
        %dma_wait3A_141 = tpu.memref_slice %arg2[%add3A_17] : memref<4194304xi32, #tpu.memory_space<hbm>> -> memref<2048xi32, #tpu.memory_space<hbm>>
        tpu.wait_dma2 semaphore(%run_scoped3A : memref<!tpu.dma_semaphore, #tpu.memory_space<semaphore_mem>>) src(%dma_wait3A_141 : memref<2048xi32, #tpu.memory_space<hbm>>) dst(%arg7 : memref<2048xi32, #tpu.memory_space<vmem>>)
        tpu.yield
      }) : () -> ()
      %dma_start3A_60 = arith.constant 0 : i32
      %dma_start3A_61 = arith.constant 0 : i32
      %dma_start3A_62 = tpu.memref_slice %arg4[%dma_start3A_60, %dma_start3A_61] : memref<100000x16xf32, #tpu.memory_space<hbm>> -> memref<100000x16xf32, #tpu.memory_space<hbm>>
      tpu.enqueue_indirect_dma source(%dma_start3A_62 : memref<100000x16xf32, #tpu.memory_space<hbm>>) target(%arg9 : memref<2048x16xf32, #tpu.memory_space<vmem>>) offsets(%arg7 : memref<2048xi32, #tpu.memory_space<vmem>>) semaphore(%arg15 : memref<!tpu.dma_semaphore, #tpu.memory_space<semaphore_mem>>)
      "tpu.region"() ({
        %run_scoped3A = tpu.sem_alloc : memref<!tpu.dma_semaphore, #tpu.memory_space<semaphore_mem>>
        %dma_start3A_138 = arith.constant 0 : i32
        %dma_start3A_139 = tpu.memref_slice %arg3[%select_n3A, %dma_start3A_138] : memref<262144x16xf32, #tpu.memory_space<hbm>> -> memref<128x16xf32, #tpu.memory_space<hbm>>
        %dma_start3A_140 = arith.constant 0 : i32
        %dma_start3A_141 = tpu.memref_slice %arg3[%select_n3A, %dma_start3A_140] : memref<262144x16xf32, #tpu.memory_space<hbm>> -> memref<128x16xf32, #tpu.memory_space<hbm>>
        tpu.enqueue_dma source(%dma_start3A_141 : memref<128x16xf32, #tpu.memory_space<hbm>>) target(%arg10 : memref<128x16xf32, #tpu.memory_space<vmem>>) target_semaphore(%run_scoped3A : memref<!tpu.dma_semaphore, #tpu.memory_space<semaphore_mem>>)
        %dma_wait3A_142 = arith.constant 0 : i32
        %dma_wait3A_143 = tpu.memref_slice %arg3[%select_n3A, %dma_wait3A_142] : memref<262144x16xf32, #tpu.memory_space<hbm>> -> memref<128x16xf32, #tpu.memory_space<hbm>>
        %dma_wait3A_144 = arith.constant 0 : i32
        %dma_wait3A_145 = tpu.memref_slice %arg3[%select_n3A, %dma_wait3A_144] : memref<262144x16xf32, #tpu.memory_space<hbm>> -> memref<128x16xf32, #tpu.memory_space<hbm>>
        tpu.wait_dma2 semaphore(%run_scoped3A : memref<!tpu.dma_semaphore, #tpu.memory_space<semaphore_mem>>) src(%dma_wait3A_145 : memref<128x16xf32, #tpu.memory_space<hbm>>) dst(%arg10 : memref<128x16xf32, #tpu.memory_space<vmem>>)
        tpu.yield
      }) : () -> ()
      "tpu.region"() ({
        %run_scoped3A = tpu.sem_alloc : memref<!tpu.dma_semaphore, #tpu.memory_space<semaphore_mem>>
        %dma_start3A_138 = arith.constant 0 : i32
        %dma_start3A_139 = tpu.memref_slice %arg3[%select_n3A_57, %dma_start3A_138] : memref<262144x16xf32, #tpu.memory_space<hbm>> -> memref<128x16xf32, #tpu.memory_space<hbm>>
        %dma_start3A_140 = arith.constant 0 : i32
        %dma_start3A_141 = tpu.memref_slice %arg3[%select_n3A_57, %dma_start3A_140] : memref<262144x16xf32, #tpu.memory_space<hbm>> -> memref<128x16xf32, #tpu.memory_space<hbm>>
        tpu.enqueue_dma source(%dma_start3A_141 : memref<128x16xf32, #tpu.memory_space<hbm>>) target(%arg11 : memref<128x16xf32, #tpu.memory_space<vmem>>) target_semaphore(%run_scoped3A : memref<!tpu.dma_semaphore, #tpu.memory_space<semaphore_mem>>)
        %dma_wait3A_142 = arith.constant 0 : i32
        %dma_wait3A_143 = tpu.memref_slice %arg3[%select_n3A_57, %dma_wait3A_142] : memref<262144x16xf32, #tpu.memory_space<hbm>> -> memref<128x16xf32, #tpu.memory_space<hbm>>
        %dma_wait3A_144 = arith.constant 0 : i32
        %dma_wait3A_145 = tpu.memref_slice %arg3[%select_n3A_57, %dma_wait3A_144] : memref<262144x16xf32, #tpu.memory_space<hbm>> -> memref<128x16xf32, #tpu.memory_space<hbm>>
        tpu.wait_dma2 semaphore(%run_scoped3A : memref<!tpu.dma_semaphore, #tpu.memory_space<semaphore_mem>>) src(%dma_wait3A_145 : memref<128x16xf32, #tpu.memory_space<hbm>>) dst(%arg11 : memref<128x16xf32, #tpu.memory_space<vmem>>)
        tpu.yield
      }) : () -> ()
      %dma_wait3A = arith.constant 0 : i32
      %dma_wait3A_63 = arith.constant 0 : i32
      %dma_wait3A_64 = tpu.memref_slice %arg4[%dma_wait3A, %dma_wait3A_63] : memref<100000x16xf32, #tpu.memory_space<hbm>> -> memref<100000x16xf32, #tpu.memory_space<hbm>>
      tpu.wait_indirect_dma semaphore(%arg14 : memref<!tpu.dma_semaphore, #tpu.memory_space<semaphore_mem>>) src(%dma_wait3A_64 : memref<100000x16xf32, #tpu.memory_space<hbm>>) dst(%arg8 : memref<2048x16xf32, #tpu.memory_space<vmem>>)
      %parallel_loop3A = arith.constant 0 : i32
      %parallel_loop3A_65 = arith.constant 128 : i32
      %parallel_loop3A_66 = arith.constant 1 : i32
      scf.for %parallel_loop3A_138 = %parallel_loop3A to %parallel_loop3A_65 step %parallel_loop3A_66  : i32 {
        %parallel_loop3A_139 = arith.index_cast %parallel_loop3A_138 : i32 to index
        %parallel_loop3A_140 = arith.constant 0 : index
        %parallel_loop3A_141 = tpu.vector_load %arg10[%parallel_loop3A_139, %parallel_loop3A_140] {strides = array<i32>} : memref<128x16xf32, #tpu.memory_space<vmem>>, vector<16xf32>,
        %parallel_loop3A_142 = vector.extract_strided_slice %parallel_loop3A_141 {offsets = [0], sizes = [1], strides = [1]} : vector<16xf32> to vector<1xf32>
        %parallel_loop3A_143 = vector.extract %parallel_loop3A_142[0] : f32 from vector<1xf32>
        %parallel_loop3A_144 = arith.constant 16 : i32
        %parallel_loop3A_145 = arith.muli %parallel_loop3A_138, %parallel_loop3A_144 : i32
        %parallel_loop3A_146 = arith.constant 0 : i32
        %parallel_loop3A_147 = arith.addi %parallel_loop3A_145, %parallel_loop3A_146 : i32
        %parallel_loop3A_148 = arith.index_cast %parallel_loop3A_147 : i32 to index
        %parallel_loop3A_149 = arith.constant 0 : index
        %parallel_loop3A_150 = tpu.vector_load %arg8[%parallel_loop3A_148, %parallel_loop3A_149] {strides = array<i32>} : memref<2048x16xf32, #tpu.memory_space<vmem>>, vector<16xf32>,
        %parallel_loop3A_151 = vector.broadcast %parallel_loop3A_143 : f32 to vector<16xf32>
        %parallel_loop3A_152 = arith.mulf %parallel_loop3A_151, %parallel_loop3A_150 : vector<16xf32>
        %parallel_loop3A_153 = vector.extract_strided_slice %parallel_loop3A_141 {offsets = [1], sizes = [1], strides = [1]} : vector<16xf32> to vector<1xf32>
        %parallel_loop3A_154 = vector.extract %parallel_loop3A_153[0] : f32 from vector<1xf32>
        %parallel_loop3A_155 = arith.constant 16 : i32
        %parallel_loop3A_156 = arith.muli %parallel_loop3A_138, %parallel_loop3A_155 : i32
        %parallel_loop3A_157 = arith.constant 1 : i32
        %parallel_loop3A_158 = arith.addi %parallel_loop3A_156, %parallel_loop3A_157 : i32
        %parallel_loop3A_159 = arith.index_cast %parallel_loop3A_158 : i32 to index
        %parallel_loop3A_160 = arith.constant 0 : index
        %parallel_loop3A_161 = tpu.vector_load %arg8[%parallel_loop3A_159, %parallel_loop3A_160] {strides = array<i32>} : memref<2048x16xf32, #tpu.memory_space<vmem>>, vector<16xf32>,
        %parallel_loop3A_162 = vector.broadcast %parallel_loop3A_154 : f32 to vector<16xf32>
        %parallel_loop3A_163 = arith.mulf %parallel_loop3A_162, %parallel_loop3A_161 : vector<16xf32>
        %parallel_loop3A_164 = vector.extract_strided_slice %parallel_loop3A_141 {offsets = [2], sizes = [1], strides = [1]} : vector<16xf32> to vector<1xf32>
        %parallel_loop3A_165 = vector.extract %parallel_loop3A_164[0] : f32 from vector<1xf32>
        %parallel_loop3A_166 = arith.constant 16 : i32
        %parallel_loop3A_167 = arith.muli %parallel_loop3A_138, %parallel_loop3A_166 : i32
        %parallel_loop3A_168 = arith.constant 2 : i32
        %parallel_loop3A_169 = arith.addi %parallel_loop3A_167, %parallel_loop3A_168 : i32
        %parallel_loop3A_170 = arith.index_cast %parallel_loop3A_169 : i32 to index
        %parallel_loop3A_171 = arith.constant 0 : index
        %parallel_loop3A_172 = tpu.vector_load %arg8[%parallel_loop3A_170, %parallel_loop3A_171] {strides = array<i32>} : memref<2048x16xf32, #tpu.memory_space<vmem>>, vector<16xf32>,
        %parallel_loop3A_173 = vector.broadcast %parallel_loop3A_165 : f32 to vector<16xf32>
        %parallel_loop3A_174 = arith.mulf %parallel_loop3A_173, %parallel_loop3A_172 : vector<16xf32>
        %parallel_loop3A_175 = vector.extract_strided_slice %parallel_loop3A_141 {offsets = [3], sizes = [1], strides = [1]} : vector<16xf32> to vector<1xf32>
        %parallel_loop3A_176 = vector.extract %parallel_loop3A_175[0] : f32 from vector<1xf32>
        %parallel_loop3A_177 = arith.constant 16 : i32
        %parallel_loop3A_178 = arith.muli %parallel_loop3A_138, %parallel_loop3A_177 : i32
        %parallel_loop3A_179 = arith.constant 3 : i32
        %parallel_loop3A_180 = arith.addi %parallel_loop3A_178, %parallel_loop3A_179 : i32
        %parallel_loop3A_181 = arith.index_cast %parallel_loop3A_180 : i32 to index
        %parallel_loop3A_182 = arith.constant 0 : index
        %parallel_loop3A_183 = tpu.vector_load %arg8[%parallel_loop3A_181, %parallel_loop3A_182] {strides = array<i32>} : memref<2048x16xf32, #tpu.memory_space<vmem>>, vector<16xf32>,
        %parallel_loop3A_184 = vector.broadcast %parallel_loop3A_176 : f32 to vector<16xf32>
        %parallel_loop3A_185 = arith.mulf %parallel_loop3A_184, %parallel_loop3A_183 : vector<16xf32>
        %parallel_loop3A_186 = vector.extract_strided_slice %parallel_loop3A_141 {offsets = [4], sizes = [1], strides = [1]} : vector<16xf32> to vector<1xf32>
        %parallel_loop3A_187 = vector.extract %parallel_loop3A_186[0] : f32 from vector<1xf32>
        %parallel_loop3A_188 = arith.constant 16 : i32
        %parallel_loop3A_189 = arith.muli %parallel_loop3A_138, %parallel_loop3A_188 : i32
        %parallel_loop3A_190 = arith.constant 4 : i32
        %parallel_loop3A_191 = arith.addi %parallel_loop3A_189, %parallel_loop3A_190 : i32
        %parallel_loop3A_192 = arith.index_cast %parallel_loop3A_191 : i32 to index
        %parallel_loop3A_193 = arith.constant 0 : index
        %parallel_loop3A_194 = tpu.vector_load %arg8[%parallel_loop3A_192, %parallel_loop3A_193] {strides = array<i32>} : memref<2048x16xf32, #tpu.memory_space<vmem>>, vector<16xf32>,
        %parallel_loop3A_195 = vector.broadcast %parallel_loop3A_187 : f32 to vector<16xf32>
        %parallel_loop3A_196 = arith.mulf %parallel_loop3A_195, %parallel_loop3A_194 : vector<16xf32>
        %parallel_loop3A_197 = vector.extract_strided_slice %parallel_loop3A_141 {offsets = [5], sizes = [1], strides = [1]} : vector<16xf32> to vector<1xf32>
        %parallel_loop3A_198 = vector.extract %parallel_loop3A_197[0] : f32 from vector<1xf32>
        %parallel_loop3A_199 = arith.constant 16 : i32
        %parallel_loop3A_200 = arith.muli %parallel_loop3A_138, %parallel_loop3A_199 : i32
        %parallel_loop3A_201 = arith.constant 5 : i32
        %parallel_loop3A_202 = arith.addi %parallel_loop3A_200, %parallel_loop3A_201 : i32
        %parallel_loop3A_203 = arith.index_cast %parallel_loop3A_202 : i32 to index
        %parallel_loop3A_204 = arith.constant 0 : index
        %parallel_loop3A_205 = tpu.vector_load %arg8[%parallel_loop3A_203, %parallel_loop3A_204] {strides = array<i32>} : memref<2048x16xf32, #tpu.memory_space<vmem>>, vector<16xf32>,
        %parallel_loop3A_206 = vector.broadcast %parallel_loop3A_198 : f32 to vector<16xf32>
        %parallel_loop3A_207 = arith.mulf %parallel_loop3A_206, %parallel_loop3A_205 : vector<16xf32>
        %parallel_loop3A_208 = vector.extract_strided_slice %parallel_loop3A_141 {offsets = [6], sizes = [1], strides = [1]} : vector<16xf32> to vector<1xf32>
        %parallel_loop3A_209 = vector.extract %parallel_loop3A_208[0] : f32 from vector<1xf32>
        %parallel_loop3A_210 = arith.constant 16 : i32
        %parallel_loop3A_211 = arith.muli %parallel_loop3A_138, %parallel_loop3A_210 : i32
        %parallel_loop3A_212 = arith.constant 6 : i32
        %parallel_loop3A_213 = arith.addi %parallel_loop3A_211, %parallel_loop3A_212 : i32
        %parallel_loop3A_214 = arith.index_cast %parallel_loop3A_213 : i32 to index
        %parallel_loop3A_215 = arith.constant 0 : index
        %parallel_loop3A_216 = tpu.vector_load %arg8[%parallel_loop3A_214, %parallel_loop3A_215] {strides = array<i32>} : memref<2048x16xf32, #tpu.memory_space<vmem>>, vector<16xf32>,
        %parallel_loop3A_217 = vector.broadcast %parallel_loop3A_209 : f32 to vector<16xf32>
        %parallel_loop3A_218 = arith.mulf %parallel_loop3A_217, %parallel_loop3A_216 : vector<16xf32>
        %parallel_loop3A_219 = vector.extract_strided_slice %parallel_loop3A_141 {offsets = [7], sizes = [1], strides = [1]} : vector<16xf32> to vector<1xf32>
        %parallel_loop3A_220 = vector.extract %parallel_loop3A_219[0] : f32 from vector<1xf32>
        %parallel_loop3A_221 = arith.constant 16 : i32
        %parallel_loop3A_222 = arith.muli %parallel_loop3A_138, %parallel_loop3A_221 : i32
        %parallel_loop3A_223 = arith.constant 7 : i32
        %parallel_loop3A_224 = arith.addi %parallel_loop3A_222, %parallel_loop3A_223 : i32
        %parallel_loop3A_225 = arith.index_cast %parallel_loop3A_224 : i32 to index
        %parallel_loop3A_226 = arith.constant 0 : index
        %parallel_loop3A_227 = tpu.vector_load %arg8[%parallel_loop3A_225, %parallel_loop3A_226] {strides = array<i32>} : memref<2048x16xf32, #tpu.memory_space<vmem>>, vector<16xf32>,
        %parallel_loop3A_228 = vector.broadcast %parallel_loop3A_220 : f32 to vector<16xf32>
        %parallel_loop3A_229 = arith.mulf %parallel_loop3A_228, %parallel_loop3A_227 : vector<16xf32>
        %parallel_loop3A_230 = vector.extract_strided_slice %parallel_loop3A_141 {offsets = [8], sizes = [1], strides = [1]} : vector<16xf32> to vector<1xf32>
        %parallel_loop3A_231 = vector.extract %parallel_loop3A_230[0] : f32 from vector<1xf32>
        %parallel_loop3A_232 = arith.constant 16 : i32
        %parallel_loop3A_233 = arith.muli %parallel_loop3A_138, %parallel_loop3A_232 : i32
        %parallel_loop3A_234 = arith.constant 8 : i32
        %parallel_loop3A_235 = arith.addi %parallel_loop3A_233, %parallel_loop3A_234 : i32
        %parallel_loop3A_236 = arith.index_cast %parallel_loop3A_235 : i32 to index
        %parallel_loop3A_237 = arith.constant 0 : index
        %parallel_loop3A_238 = tpu.vector_load %arg8[%parallel_loop3A_236, %parallel_loop3A_237] {strides = array<i32>} : memref<2048x16xf32, #tpu.memory_space<vmem>>, vector<16xf32>,
        %parallel_loop3A_239 = vector.broadcast %parallel_loop3A_231 : f32 to vector<16xf32>
        %parallel_loop3A_240 = arith.mulf %parallel_loop3A_239, %parallel_loop3A_238 : vector<16xf32>
        %parallel_loop3A_241 = vector.extract_strided_slice %parallel_loop3A_141 {offsets = [9], sizes = [1], strides = [1]} : vector<16xf32> to vector<1xf32>
        %parallel_loop3A_242 = vector.extract %parallel_loop3A_241[0] : f32 from vector<1xf32>
        %parallel_loop3A_243 = arith.constant 16 : i32
        %parallel_loop3A_244 = arith.muli %parallel_loop3A_138, %parallel_loop3A_243 : i32
        %parallel_loop3A_245 = arith.constant 9 : i32
        %parallel_loop3A_246 = arith.addi %parallel_loop3A_244, %parallel_loop3A_245 : i32
        %parallel_loop3A_247 = arith.index_cast %parallel_loop3A_246 : i32 to index
        %parallel_loop3A_248 = arith.constant 0 : index
        %parallel_loop3A_249 = tpu.vector_load %arg8[%parallel_loop3A_247, %parallel_loop3A_248] {strides = array<i32>} : memref<2048x16xf32, #tpu.memory_space<vmem>>, vector<16xf32>,
        %parallel_loop3A_250 = vector.broadcast %parallel_loop3A_242 : f32 to vector<16xf32>
        %parallel_loop3A_251 = arith.mulf %parallel_loop3A_250, %parallel_loop3A_249 : vector<16xf32>
        %parallel_loop3A_252 = vector.extract_strided_slice %parallel_loop3A_141 {offsets = [10], sizes = [1], strides = [1]} : vector<16xf32> to vector<1xf32>
        %parallel_loop3A_253 = vector.extract %parallel_loop3A_252[0] : f32 from vector<1xf32>
        %parallel_loop3A_254 = arith.constant 16 : i32
        %parallel_loop3A_255 = arith.muli %parallel_loop3A_138, %parallel_loop3A_254 : i32
        %parallel_loop3A_256 = arith.constant 10 : i32
        %parallel_loop3A_257 = arith.addi %parallel_loop3A_255, %parallel_loop3A_256 : i32
        %parallel_loop3A_258 = arith.index_cast %parallel_loop3A_257 : i32 to index
        %parallel_loop3A_259 = arith.constant 0 : index
        %parallel_loop3A_260 = tpu.vector_load %arg8[%parallel_loop3A_258, %parallel_loop3A_259] {strides = array<i32>} : memref<2048x16xf32, #tpu.memory_space<vmem>>, vector<16xf32>,
        %parallel_loop3A_261 = vector.broadcast %parallel_loop3A_253 : f32 to vector<16xf32>
        %parallel_loop3A_262 = arith.mulf %parallel_loop3A_261, %parallel_loop3A_260 : vector<16xf32>
        %parallel_loop3A_263 = vector.extract_strided_slice %parallel_loop3A_141 {offsets = [11], sizes = [1], strides = [1]} : vector<16xf32> to vector<1xf32>
        %parallel_loop3A_264 = vector.extract %parallel_loop3A_263[0] : f32 from vector<1xf32>
        %parallel_loop3A_265 = arith.constant 16 : i32
        %parallel_loop3A_266 = arith.muli %parallel_loop3A_138, %parallel_loop3A_265 : i32
        %parallel_loop3A_267 = arith.constant 11 : i32
        %parallel_loop3A_268 = arith.addi %parallel_loop3A_266, %parallel_loop3A_267 : i32
        %parallel_loop3A_269 = arith.index_cast %parallel_loop3A_268 : i32 to index
        %parallel_loop3A_270 = arith.constant 0 : index
        %parallel_loop3A_271 = tpu.vector_load %arg8[%parallel_loop3A_269, %parallel_loop3A_270] {strides = array<i32>} : memref<2048x16xf32, #tpu.memory_space<vmem>>, vector<16xf32>,
        %parallel_loop3A_272 = vector.broadcast %parallel_loop3A_264 : f32 to vector<16xf32>
        %parallel_loop3A_273 = arith.mulf %parallel_loop3A_272, %parallel_loop3A_271 : vector<16xf32>
        %parallel_loop3A_274 = vector.extract_strided_slice %parallel_loop3A_141 {offsets = [12], sizes = [1], strides = [1]} : vector<16xf32> to vector<1xf32>
        %parallel_loop3A_275 = vector.extract %parallel_loop3A_274[0] : f32 from vector<1xf32>
        %parallel_loop3A_276 = arith.constant 16 : i32
        %parallel_loop3A_277 = arith.muli %parallel_loop3A_138, %parallel_loop3A_276 : i32
        %parallel_loop3A_278 = arith.constant 12 : i32
        %parallel_loop3A_279 = arith.addi %parallel_loop3A_277, %parallel_loop3A_278 : i32
        %parallel_loop3A_280 = arith.index_cast %parallel_loop3A_279 : i32 to index
        %parallel_loop3A_281 = arith.constant 0 : index
        %parallel_loop3A_282 = tpu.vector_load %arg8[%parallel_loop3A_280, %parallel_loop3A_281] {strides = array<i32>} : memref<2048x16xf32, #tpu.memory_space<vmem>>, vector<16xf32>,
        %parallel_loop3A_283 = vector.broadcast %parallel_loop3A_275 : f32 to vector<16xf32>
        %parallel_loop3A_284 = arith.mulf %parallel_loop3A_283, %parallel_loop3A_282 : vector<16xf32>
        %parallel_loop3A_285 = vector.extract_strided_slice %parallel_loop3A_141 {offsets = [13], sizes = [1], strides = [1]} : vector<16xf32> to vector<1xf32>
        %parallel_loop3A_286 = vector.extract %parallel_loop3A_285[0] : f32 from vector<1xf32>
        %parallel_loop3A_287 = arith.constant 16 : i32
        %parallel_loop3A_288 = arith.muli %parallel_loop3A_138, %parallel_loop3A_287 : i32
        %parallel_loop3A_289 = arith.constant 13 : i32
        %parallel_loop3A_290 = arith.addi %parallel_loop3A_288, %parallel_loop3A_289 : i32
        %parallel_loop3A_291 = arith.index_cast %parallel_loop3A_290 : i32 to index
        %parallel_loop3A_292 = arith.constant 0 : index
        %parallel_loop3A_293 = tpu.vector_load %arg8[%parallel_loop3A_291, %parallel_loop3A_292] {strides = array<i32>} : memref<2048x16xf32, #tpu.memory_space<vmem>>, vector<16xf32>,
        %parallel_loop3A_294 = vector.broadcast %parallel_loop3A_286 : f32 to vector<16xf32>
        %parallel_loop3A_295 = arith.mulf %parallel_loop3A_294, %parallel_loop3A_293 : vector<16xf32>
        %parallel_loop3A_296 = vector.extract_strided_slice %parallel_loop3A_141 {offsets = [14], sizes = [1], strides = [1]} : vector<16xf32> to vector<1xf32>
        %parallel_loop3A_297 = vector.extract %parallel_loop3A_296[0] : f32 from vector<1xf32>
        %parallel_loop3A_298 = arith.constant 16 : i32
        %parallel_loop3A_299 = arith.muli %parallel_loop3A_138, %parallel_loop3A_298 : i32
        %parallel_loop3A_300 = arith.constant 14 : i32
        %parallel_loop3A_301 = arith.addi %parallel_loop3A_299, %parallel_loop3A_300 : i32
        %parallel_loop3A_302 = arith.index_cast %parallel_loop3A_301 : i32 to index
        %parallel_loop3A_303 = arith.constant 0 : index
        %parallel_loop3A_304 = tpu.vector_load %arg8[%parallel_loop3A_302, %parallel_loop3A_303] {strides = array<i32>} : memref<2048x16xf32, #tpu.memory_space<vmem>>, vector<16xf32>,
        %parallel_loop3A_305 = vector.broadcast %parallel_loop3A_297 : f32 to vector<16xf32>
        %parallel_loop3A_306 = arith.mulf %parallel_loop3A_305, %parallel_loop3A_304 : vector<16xf32>
        %parallel_loop3A_307 = vector.extract_strided_slice %parallel_loop3A_141 {offsets = [15], sizes = [1], strides = [1]} : vector<16xf32> to vector<1xf32>
        %parallel_loop3A_308 = vector.extract %parallel_loop3A_307[0] : f32 from vector<1xf32>
        %parallel_loop3A_309 = arith.constant 16 : i32
        %parallel_loop3A_310 = arith.muli %parallel_loop3A_138, %parallel_loop3A_309 : i32
        %parallel_loop3A_311 = arith.constant 15 : i32
        %parallel_loop3A_312 = arith.addi %parallel_loop3A_310, %parallel_loop3A_311 : i32
        %parallel_loop3A_313 = arith.index_cast %parallel_loop3A_312 : i32 to index
        %parallel_loop3A_314 = arith.constant 0 : index
        %parallel_loop3A_315 = tpu.vector_load %arg8[%parallel_loop3A_313, %parallel_loop3A_314] {strides = array<i32>} : memref<2048x16xf32, #tpu.memory_space<vmem>>, vector<16xf32>,
        %parallel_loop3A_316 = vector.broadcast %parallel_loop3A_308 : f32 to vector<16xf32>
        %parallel_loop3A_317 = arith.mulf %parallel_loop3A_316, %parallel_loop3A_315 : vector<16xf32>
        %parallel_loop3A_318 = arith.addf %parallel_loop3A_152, %parallel_loop3A_163 : vector<16xf32>
        %parallel_loop3A_319 = arith.addf %parallel_loop3A_174, %parallel_loop3A_185 : vector<16xf32>
        %parallel_loop3A_320 = arith.addf %parallel_loop3A_196, %parallel_loop3A_207 : vector<16xf32>
        %parallel_loop3A_321 = arith.addf %parallel_loop3A_218, %parallel_loop3A_229 : vector<16xf32>
        %parallel_loop3A_322 = arith.addf %parallel_loop3A_240, %parallel_loop3A_251 : vector<16xf32>
        %parallel_loop3A_323 = arith.addf %parallel_loop3A_262, %parallel_loop3A_273 : vector<16xf32>
        %parallel_loop3A_324 = arith.addf %parallel_loop3A_284, %parallel_loop3A_295 : vector<16xf32>
        %parallel_loop3A_325 = arith.addf %parallel_loop3A_306, %parallel_loop3A_317 : vector<16xf32>
        %parallel_loop3A_326 = arith.addf %parallel_loop3A_318, %parallel_loop3A_319 : vector<16xf32>
        %parallel_loop3A_327 = arith.addf %parallel_loop3A_320, %parallel_loop3A_321 : vector<16xf32>
        %parallel_loop3A_328 = arith.addf %parallel_loop3A_322, %parallel_loop3A_323 : vector<16xf32>
        %parallel_loop3A_329 = arith.addf %parallel_loop3A_324, %parallel_loop3A_325 : vector<16xf32>
        %parallel_loop3A_330 = arith.addf %parallel_loop3A_326, %parallel_loop3A_327 : vector<16xf32>
        %parallel_loop3A_331 = arith.addf %parallel_loop3A_328, %parallel_loop3A_329 : vector<16xf32>
        %parallel_loop3A_332 = arith.addf %parallel_loop3A_330, %parallel_loop3A_331 : vector<16xf32>
        %parallel_loop3A_333 = arith.constant 16 : i32
        %parallel_loop3A_334 = arith.divsi %parallel_loop3A_138, %parallel_loop3A_333 : i32
        %parallel_loop3A_335 = arith.constant 0 : i32
        %parallel_loop3A_336 = arith.cmpi sgt, %parallel_loop3A_138, %parallel_loop3A_335 : i32
        %parallel_loop3A_337 = arith.extui %parallel_loop3A_336 : i1 to i32
        %parallel_loop3A_338 = arith.constant 0 : i32
        %parallel_loop3A_339 = arith.cmpi slt, %parallel_loop3A_138, %parallel_loop3A_338 : i32
        %parallel_loop3A_340 = arith.extui %parallel_loop3A_339 : i1 to i32
        %parallel_loop3A_341 = arith.subi %parallel_loop3A_337, %parallel_loop3A_340 : i32
        %parallel_loop3A_342 = arith.constant 0 : i32
        %parallel_loop3A_343 = arith.cmpi sgt, %parallel_loop3A_333, %parallel_loop3A_342 : i32
        %parallel_loop3A_344 = arith.extui %parallel_loop3A_343 : i1 to i32
        %parallel_loop3A_345 = arith.constant 0 : i32
        %parallel_loop3A_346 = arith.cmpi slt, %parallel_loop3A_333, %parallel_loop3A_345 : i32
        %parallel_loop3A_347 = arith.extui %parallel_loop3A_346 : i1 to i32
        %parallel_loop3A_348 = arith.subi %parallel_loop3A_344, %parallel_loop3A_347 : i32
        %parallel_loop3A_349 = arith.cmpi ne, %parallel_loop3A_341, %parallel_loop3A_348 : i32
        %parallel_loop3A_350 = arith.remsi %parallel_loop3A_138, %parallel_loop3A_333 : i32
        %parallel_loop3A_351 = arith.constant 0 : i32
        %parallel_loop3A_352 = arith.cmpi ne, %parallel_loop3A_350, %parallel_loop3A_351 : i32
        %parallel_loop3A_353 = arith.andi %parallel_loop3A_349, %parallel_loop3A_352 : i1
        %parallel_loop3A_354 = arith.constant 1 : i32
        %parallel_loop3A_355 = arith.subi %parallel_loop3A_334, %parallel_loop3A_354 : i32
        %parallel_loop3A_356 = arith.select %parallel_loop3A_353, %parallel_loop3A_355, %parallel_loop3A_334 : i32
        %parallel_loop3A_357 = arith.constant 16 : i32
        %parallel_loop3A_358 = arith.constant 0 : i32
        %parallel_loop3A_359 = arith.cmpi eq, %parallel_loop3A_357, %parallel_loop3A_358 : i32
        %parallel_loop3A_360 = arith.constant 1 : i32
        %parallel_loop3A_361 = arith.select %parallel_loop3A_359, %parallel_loop3A_360, %parallel_loop3A_357 : i32
        %parallel_loop3A_362 = arith.remsi %parallel_loop3A_138, %parallel_loop3A_361 : i32
        %parallel_loop3A_363 = arith.constant 0 : i32
        %parallel_loop3A_364 = arith.cmpi ne, %parallel_loop3A_362, %parallel_loop3A_363 : i32
        %parallel_loop3A_365 = arith.constant 0 : i32
        %parallel_loop3A_366 = arith.cmpi slt, %parallel_loop3A_362, %parallel_loop3A_365 : i32
        %parallel_loop3A_367 = arith.constant 0 : i32
        %parallel_loop3A_368 = arith.cmpi slt, %parallel_loop3A_361, %parallel_loop3A_367 : i32
        %parallel_loop3A_369 = arith.xori %parallel_loop3A_366, %parallel_loop3A_368 : i1
        %parallel_loop3A_370 = arith.andi %parallel_loop3A_369, %parallel_loop3A_364 : i1
        %parallel_loop3A_371 = arith.addi %parallel_loop3A_362, %parallel_loop3A_361 : i32
        %parallel_loop3A_372 = arith.select %parallel_loop3A_370, %parallel_loop3A_371, %parallel_loop3A_362 : i32
        %parallel_loop3A_373 = arith.constant 16 : i32
        %parallel_loop3A_374 = arith.muli %parallel_loop3A_372, %parallel_loop3A_373 : i32
        %parallel_loop3A_375 = arith.index_cast %parallel_loop3A_356 : i32 to index
        %parallel_loop3A_376 = arith.index_cast %parallel_loop3A_374 : i32 to index
        %parallel_loop3A_377 = tpu.vector_load %arg12[%parallel_loop3A_375, %parallel_loop3A_376] {strides = array<i32>} : memref<8x256xf32, #tpu.memory_space<vmem>>, vector<16xf32>,
        tpu.vector_store %arg12[%parallel_loop3A_375, %parallel_loop3A_376], %parallel_loop3A_332 {strides = array<i32>} : memref<8x256xf32, #tpu.memory_space<vmem>>, vector<16xf32>,
      } {sc.loop_unroll_factor = 2 : i64, sc.parallel_access}
      %jit3A_67 = arith.constant 16 : i32
      %div3A_68 = arith.divsi %select_n3A, %jit3A_67 : i32
      %sign3A_69 = arith.constant 0 : i32
      %sign3A_70 = arith.cmpi sgt, %select_n3A, %sign3A_69 : i32
      %sign3A_71 = arith.extui %sign3A_70 : i1 to i32
      %sign3A_72 = arith.constant 0 : i32
      %sign3A_73 = arith.cmpi slt, %select_n3A, %sign3A_72 : i32
      %sign3A_74 = arith.extui %sign3A_73 : i1 to i32
      %sign3A_75 = arith.subi %sign3A_71, %sign3A_74 : i32
      %sign3A_76 = arith.constant 0 : i32
      %sign3A_77 = arith.cmpi sgt, %jit3A_67, %sign3A_76 : i32
      %sign3A_78 = arith.extui %sign3A_77 : i1 to i32
      %sign3A_79 = arith.constant 0 : i32
      %sign3A_80 = arith.cmpi slt, %jit3A_67, %sign3A_79 : i32
      %sign3A_81 = arith.extui %sign3A_80 : i1 to i32
      %sign3A_82 = arith.subi %sign3A_78, %sign3A_81 : i32
      %ne3A_83 = arith.cmpi ne, %sign3A_75, %sign3A_82 : i32
      %rem3A_84 = arith.remsi %select_n3A, %jit3A_67 : i32
      %ne3A_85 = arith.constant 0 : i32
      %ne3A_86 = arith.cmpi ne, %rem3A_84, %ne3A_85 : i32
      %and3A_87 = arith.andi %ne3A_83, %ne3A_86 : i1
      %sub3A_88 = arith.constant 1 : i32
      %sub3A_89 = arith.subi %div3A_68, %sub3A_88 : i32
      %select_n3A_90 = arith.select %and3A_87, %sub3A_89, %div3A_68 : i32
      %dma_start3A_91 = arith.constant 0 : i32
      %dma_start3A_92 = tpu.memref_slice %arg5[%select_n3A_90, %dma_start3A_91] : memref<16384x256xf32, #tpu.memory_space<hbm>> -> memref<8x256xf32, #tpu.memory_space<hbm>>
      %dma_start3A_93 = arith.constant 0 : i32
      %dma_start3A_94 = tpu.memref_slice %arg5[%select_n3A_90, %dma_start3A_93] : memref<16384x256xf32, #tpu.memory_space<hbm>> -> memref<8x256xf32, #tpu.memory_space<hbm>>
      tpu.enqueue_dma source(%arg12 : memref<8x256xf32, #tpu.memory_space<vmem>>) target(%dma_start3A_94 : memref<8x256xf32, #tpu.memory_space<hbm>>) target_semaphore(%arg16 : memref<!tpu.dma_semaphore, #tpu.memory_space<semaphore_mem>>)
      %dma_wait3A_95 = arith.constant 0 : i32
      %dma_wait3A_96 = arith.constant 0 : i32
      %dma_wait3A_97 = tpu.memref_slice %arg4[%dma_wait3A_95, %dma_wait3A_96] : memref<100000x16xf32, #tpu.memory_space<hbm>> -> memref<100000x16xf32, #tpu.memory_space<hbm>>
      tpu.wait_indirect_dma semaphore(%arg15 : memref<!tpu.dma_semaphore, #tpu.memory_space<semaphore_mem>>) src(%dma_wait3A_97 : memref<100000x16xf32, #tpu.memory_space<hbm>>) dst(%arg9 : memref<2048x16xf32, #tpu.memory_space<vmem>>)
      %parallel_loop3A_98 = arith.constant 0 : i32
      %parallel_loop3A_99 = arith.constant 128 : i32
      %parallel_loop3A_100 = arith.constant 1 : i32
      scf.for %parallel_loop3A_138 = %parallel_loop3A_98 to %parallel_loop3A_99 step %parallel_loop3A_100  : i32 {
        %parallel_loop3A_139 = arith.index_cast %parallel_loop3A_138 : i32 to index
        %parallel_loop3A_140 = arith.constant 0 : index
        %parallel_loop3A_141 = tpu.vector_load %arg11[%parallel_loop3A_139, %parallel_loop3A_140] {strides = array<i32>} : memref<128x16xf32, #tpu.memory_space<vmem>>, vector<16xf32>,
        %parallel_loop3A_142 = vector.extract_strided_slice %parallel_loop3A_141 {offsets = [0], sizes = [1], strides = [1]} : vector<16xf32> to vector<1xf32>
        %parallel_loop3A_143 = vector.extract %parallel_loop3A_142[0] : f32 from vector<1xf32>
        %parallel_loop3A_144 = arith.constant 16 : i32
        %parallel_loop3A_145 = arith.muli %parallel_loop3A_138, %parallel_loop3A_144 : i32
        %parallel_loop3A_146 = arith.constant 0 : i32
        %parallel_loop3A_147 = arith.addi %parallel_loop3A_145, %parallel_loop3A_146 : i32
        %parallel_loop3A_148 = arith.index_cast %parallel_loop3A_147 : i32 to index
        %parallel_loop3A_149 = arith.constant 0 : index
        %parallel_loop3A_150 = tpu.vector_load %arg9[%parallel_loop3A_148, %parallel_loop3A_149] {strides = array<i32>} : memref<2048x16xf32, #tpu.memory_space<vmem>>, vector<16xf32>,
        %parallel_loop3A_151 = vector.broadcast %parallel_loop3A_143 : f32 to vector<16xf32>
        %parallel_loop3A_152 = arith.mulf %parallel_loop3A_151, %parallel_loop3A_150 : vector<16xf32>
        %parallel_loop3A_153 = vector.extract_strided_slice %parallel_loop3A_141 {offsets = [1], sizes = [1], strides = [1]} : vector<16xf32> to vector<1xf32>
        %parallel_loop3A_154 = vector.extract %parallel_loop3A_153[0] : f32 from vector<1xf32>
        %parallel_loop3A_155 = arith.constant 16 : i32
        %parallel_loop3A_156 = arith.muli %parallel_loop3A_138, %parallel_loop3A_155 : i32
        %parallel_loop3A_157 = arith.constant 1 : i32
        %parallel_loop3A_158 = arith.addi %parallel_loop3A_156, %parallel_loop3A_157 : i32
        %parallel_loop3A_159 = arith.index_cast %parallel_loop3A_158 : i32 to index
        %parallel_loop3A_160 = arith.constant 0 : index
        %parallel_loop3A_161 = tpu.vector_load %arg9[%parallel_loop3A_159, %parallel_loop3A_160] {strides = array<i32>} : memref<2048x16xf32, #tpu.memory_space<vmem>>, vector<16xf32>,
        %parallel_loop3A_162 = vector.broadcast %parallel_loop3A_154 : f32 to vector<16xf32>
        %parallel_loop3A_163 = arith.mulf %parallel_loop3A_162, %parallel_loop3A_161 : vector<16xf32>
        %parallel_loop3A_164 = vector.extract_strided_slice %parallel_loop3A_141 {offsets = [2], sizes = [1], strides = [1]} : vector<16xf32> to vector<1xf32>
        %parallel_loop3A_165 = vector.extract %parallel_loop3A_164[0] : f32 from vector<1xf32>
        %parallel_loop3A_166 = arith.constant 16 : i32
        %parallel_loop3A_167 = arith.muli %parallel_loop3A_138, %parallel_loop3A_166 : i32
        %parallel_loop3A_168 = arith.constant 2 : i32
        %parallel_loop3A_169 = arith.addi %parallel_loop3A_167, %parallel_loop3A_168 : i32
        %parallel_loop3A_170 = arith.index_cast %parallel_loop3A_169 : i32 to index
        %parallel_loop3A_171 = arith.constant 0 : index
        %parallel_loop3A_172 = tpu.vector_load %arg9[%parallel_loop3A_170, %parallel_loop3A_171] {strides = array<i32>} : memref<2048x16xf32, #tpu.memory_space<vmem>>, vector<16xf32>,
        %parallel_loop3A_173 = vector.broadcast %parallel_loop3A_165 : f32 to vector<16xf32>
        %parallel_loop3A_174 = arith.mulf %parallel_loop3A_173, %parallel_loop3A_172 : vector<16xf32>
        %parallel_loop3A_175 = vector.extract_strided_slice %parallel_loop3A_141 {offsets = [3], sizes = [1], strides = [1]} : vector<16xf32> to vector<1xf32>
        %parallel_loop3A_176 = vector.extract %parallel_loop3A_175[0] : f32 from vector<1xf32>
        %parallel_loop3A_177 = arith.constant 16 : i32
        %parallel_loop3A_178 = arith.muli %parallel_loop3A_138, %parallel_loop3A_177 : i32
        %parallel_loop3A_179 = arith.constant 3 : i32
        %parallel_loop3A_180 = arith.addi %parallel_loop3A_178, %parallel_loop3A_179 : i32
        %parallel_loop3A_181 = arith.index_cast %parallel_loop3A_180 : i32 to index
        %parallel_loop3A_182 = arith.constant 0 : index
        %parallel_loop3A_183 = tpu.vector_load %arg9[%parallel_loop3A_181, %parallel_loop3A_182] {strides = array<i32>} : memref<2048x16xf32, #tpu.memory_space<vmem>>, vector<16xf32>,
        %parallel_loop3A_184 = vector.broadcast %parallel_loop3A_176 : f32 to vector<16xf32>
        %parallel_loop3A_185 = arith.mulf %parallel_loop3A_184, %parallel_loop3A_183 : vector<16xf32>
        %parallel_loop3A_186 = vector.extract_strided_slice %parallel_loop3A_141 {offsets = [4], sizes = [1], strides = [1]} : vector<16xf32> to vector<1xf32>
        %parallel_loop3A_187 = vector.extract %parallel_loop3A_186[0] : f32 from vector<1xf32>
        %parallel_loop3A_188 = arith.constant 16 : i32
        %parallel_loop3A_189 = arith.muli %parallel_loop3A_138, %parallel_loop3A_188 : i32
        %parallel_loop3A_190 = arith.constant 4 : i32
        %parallel_loop3A_191 = arith.addi %parallel_loop3A_189, %parallel_loop3A_190 : i32
        %parallel_loop3A_192 = arith.index_cast %parallel_loop3A_191 : i32 to index
        %parallel_loop3A_193 = arith.constant 0 : index
        %parallel_loop3A_194 = tpu.vector_load %arg9[%parallel_loop3A_192, %parallel_loop3A_193] {strides = array<i32>} : memref<2048x16xf32, #tpu.memory_space<vmem>>, vector<16xf32>,
        %parallel_loop3A_195 = vector.broadcast %parallel_loop3A_187 : f32 to vector<16xf32>
        %parallel_loop3A_196 = arith.mulf %parallel_loop3A_195, %parallel_loop3A_194 : vector<16xf32>
        %parallel_loop3A_197 = vector.extract_strided_slice %parallel_loop3A_141 {offsets = [5], sizes = [1], strides = [1]} : vector<16xf32> to vector<1xf32>
        %parallel_loop3A_198 = vector.extract %parallel_loop3A_197[0] : f32 from vector<1xf32>
        %parallel_loop3A_199 = arith.constant 16 : i32
        %parallel_loop3A_200 = arith.muli %parallel_loop3A_138, %parallel_loop3A_199 : i32
        %parallel_loop3A_201 = arith.constant 5 : i32
        %parallel_loop3A_202 = arith.addi %parallel_loop3A_200, %parallel_loop3A_201 : i32
        %parallel_loop3A_203 = arith.index_cast %parallel_loop3A_202 : i32 to index
        %parallel_loop3A_204 = arith.constant 0 : index
        %parallel_loop3A_205 = tpu.vector_load %arg9[%parallel_loop3A_203, %parallel_loop3A_204] {strides = array<i32>} : memref<2048x16xf32, #tpu.memory_space<vmem>>, vector<16xf32>,
        %parallel_loop3A_206 = vector.broadcast %parallel_loop3A_198 : f32 to vector<16xf32>
        %parallel_loop3A_207 = arith.mulf %parallel_loop3A_206, %parallel_loop3A_205 : vector<16xf32>
        %parallel_loop3A_208 = vector.extract_strided_slice %parallel_loop3A_141 {offsets = [6], sizes = [1], strides = [1]} : vector<16xf32> to vector<1xf32>
        %parallel_loop3A_209 = vector.extract %parallel_loop3A_208[0] : f32 from vector<1xf32>
        %parallel_loop3A_210 = arith.constant 16 : i32
        %parallel_loop3A_211 = arith.muli %parallel_loop3A_138, %parallel_loop3A_210 : i32
        %parallel_loop3A_212 = arith.constant 6 : i32
        %parallel_loop3A_213 = arith.addi %parallel_loop3A_211, %parallel_loop3A_212 : i32
        %parallel_loop3A_214 = arith.index_cast %parallel_loop3A_213 : i32 to index
        %parallel_loop3A_215 = arith.constant 0 : index
        %parallel_loop3A_216 = tpu.vector_load %arg9[%parallel_loop3A_214, %parallel_loop3A_215] {strides = array<i32>} : memref<2048x16xf32, #tpu.memory_space<vmem>>, vector<16xf32>,
        %parallel_loop3A_217 = vector.broadcast %parallel_loop3A_209 : f32 to vector<16xf32>
        %parallel_loop3A_218 = arith.mulf %parallel_loop3A_217, %parallel_loop3A_216 : vector<16xf32>
        %parallel_loop3A_219 = vector.extract_strided_slice %parallel_loop3A_141 {offsets = [7], sizes = [1], strides = [1]} : vector<16xf32> to vector<1xf32>
        %parallel_loop3A_220 = vector.extract %parallel_loop3A_219[0] : f32 from vector<1xf32>
        %parallel_loop3A_221 = arith.constant 16 : i32
        %parallel_loop3A_222 = arith.muli %parallel_loop3A_138, %parallel_loop3A_221 : i32
        %parallel_loop3A_223 = arith.constant 7 : i32
        %parallel_loop3A_224 = arith.addi %parallel_loop3A_222, %parallel_loop3A_223 : i32
        %parallel_loop3A_225 = arith.index_cast %parallel_loop3A_224 : i32 to index
        %parallel_loop3A_226 = arith.constant 0 : index
        %parallel_loop3A_227 = tpu.vector_load %arg9[%parallel_loop3A_225, %parallel_loop3A_226] {strides = array<i32>} : memref<2048x16xf32, #tpu.memory_space<vmem>>, vector<16xf32>,
        %parallel_loop3A_228 = vector.broadcast %parallel_loop3A_220 : f32 to vector<16xf32>
        %parallel_loop3A_229 = arith.mulf %parallel_loop3A_228, %parallel_loop3A_227 : vector<16xf32>
        %parallel_loop3A_230 = vector.extract_strided_slice %parallel_loop3A_141 {offsets = [8], sizes = [1], strides = [1]} : vector<16xf32> to vector<1xf32>
        %parallel_loop3A_231 = vector.extract %parallel_loop3A_230[0] : f32 from vector<1xf32>
        %parallel_loop3A_232 = arith.constant 16 : i32
        %parallel_loop3A_233 = arith.muli %parallel_loop3A_138, %parallel_loop3A_232 : i32
        %parallel_loop3A_234 = arith.constant 8 : i32
        %parallel_loop3A_235 = arith.addi %parallel_loop3A_233, %parallel_loop3A_234 : i32
        %parallel_loop3A_236 = arith.index_cast %parallel_loop3A_235 : i32 to index
        %parallel_loop3A_237 = arith.constant 0 : index
        %parallel_loop3A_238 = tpu.vector_load %arg9[%parallel_loop3A_236, %parallel_loop3A_237] {strides = array<i32>} : memref<2048x16xf32, #tpu.memory_space<vmem>>, vector<16xf32>,
        %parallel_loop3A_239 = vector.broadcast %parallel_loop3A_231 : f32 to vector<16xf32>
        %parallel_loop3A_240 = arith.mulf %parallel_loop3A_239, %parallel_loop3A_238 : vector<16xf32>
        %parallel_loop3A_241 = vector.extract_strided_slice %parallel_loop3A_141 {offsets = [9], sizes = [1], strides = [1]} : vector<16xf32> to vector<1xf32>
        %parallel_loop3A_242 = vector.extract %parallel_loop3A_241[0] : f32 from vector<1xf32>
        %parallel_loop3A_243 = arith.constant 16 : i32
        %parallel_loop3A_244 = arith.muli %parallel_loop3A_138, %parallel_loop3A_243 : i32
        %parallel_loop3A_245 = arith.constant 9 : i32
        %parallel_loop3A_246 = arith.addi %parallel_loop3A_244, %parallel_loop3A_245 : i32
        %parallel_loop3A_247 = arith.index_cast %parallel_loop3A_246 : i32 to index
        %parallel_loop3A_248 = arith.constant 0 : index
        %parallel_loop3A_249 = tpu.vector_load %arg9[%parallel_loop3A_247, %parallel_loop3A_248] {strides = array<i32>} : memref<2048x16xf32, #tpu.memory_space<vmem>>, vector<16xf32>,
        %parallel_loop3A_250 = vector.broadcast %parallel_loop3A_242 : f32 to vector<16xf32>
        %parallel_loop3A_251 = arith.mulf %parallel_loop3A_250, %parallel_loop3A_249 : vector<16xf32>
        %parallel_loop3A_252 = vector.extract_strided_slice %parallel_loop3A_141 {offsets = [10], sizes = [1], strides = [1]} : vector<16xf32> to vector<1xf32>
        %parallel_loop3A_253 = vector.extract %parallel_loop3A_252[0] : f32 from vector<1xf32>
        %parallel_loop3A_254 = arith.constant 16 : i32
        %parallel_loop3A_255 = arith.muli %parallel_loop3A_138, %parallel_loop3A_254 : i32
        %parallel_loop3A_256 = arith.constant 10 : i32
        %parallel_loop3A_257 = arith.addi %parallel_loop3A_255, %parallel_loop3A_256 : i32
        %parallel_loop3A_258 = arith.index_cast %parallel_loop3A_257 : i32 to index
        %parallel_loop3A_259 = arith.constant 0 : index
        %parallel_loop3A_260 = tpu.vector_load %arg9[%parallel_loop3A_258, %parallel_loop3A_259] {strides = array<i32>} : memref<2048x16xf32, #tpu.memory_space<vmem>>, vector<16xf32>,
        %parallel_loop3A_261 = vector.broadcast %parallel_loop3A_253 : f32 to vector<16xf32>
        %parallel_loop3A_262 = arith.mulf %parallel_loop3A_261, %parallel_loop3A_260 : vector<16xf32>
        %parallel_loop3A_263 = vector.extract_strided_slice %parallel_loop3A_141 {offsets = [11], sizes = [1], strides = [1]} : vector<16xf32> to vector<1xf32>
        %parallel_loop3A_264 = vector.extract %parallel_loop3A_263[0] : f32 from vector<1xf32>
        %parallel_loop3A_265 = arith.constant 16 : i32
        %parallel_loop3A_266 = arith.muli %parallel_loop3A_138, %parallel_loop3A_265 : i32
        %parallel_loop3A_267 = arith.constant 11 : i32
        %parallel_loop3A_268 = arith.addi %parallel_loop3A_266, %parallel_loop3A_267 : i32
        %parallel_loop3A_269 = arith.index_cast %parallel_loop3A_268 : i32 to index
        %parallel_loop3A_270 = arith.constant 0 : index
        %parallel_loop3A_271 = tpu.vector_load %arg9[%parallel_loop3A_269, %parallel_loop3A_270] {strides = array<i32>} : memref<2048x16xf32, #tpu.memory_space<vmem>>, vector<16xf32>,
        %parallel_loop3A_272 = vector.broadcast %parallel_loop3A_264 : f32 to vector<16xf32>
        %parallel_loop3A_273 = arith.mulf %parallel_loop3A_272, %parallel_loop3A_271 : vector<16xf32>
        %parallel_loop3A_274 = vector.extract_strided_slice %parallel_loop3A_141 {offsets = [12], sizes = [1], strides = [1]} : vector<16xf32> to vector<1xf32>
        %parallel_loop3A_275 = vector.extract %parallel_loop3A_274[0] : f32 from vector<1xf32>
        %parallel_loop3A_276 = arith.constant 16 : i32
        %parallel_loop3A_277 = arith.muli %parallel_loop3A_138, %parallel_loop3A_276 : i32
        %parallel_loop3A_278 = arith.constant 12 : i32
        %parallel_loop3A_279 = arith.addi %parallel_loop3A_277, %parallel_loop3A_278 : i32
        %parallel_loop3A_280 = arith.index_cast %parallel_loop3A_279 : i32 to index
        %parallel_loop3A_281 = arith.constant 0 : index
        %parallel_loop3A_282 = tpu.vector_load %arg9[%parallel_loop3A_280, %parallel_loop3A_281] {strides = array<i32>} : memref<2048x16xf32, #tpu.memory_space<vmem>>, vector<16xf32>,
        %parallel_loop3A_283 = vector.broadcast %parallel_loop3A_275 : f32 to vector<16xf32>
        %parallel_loop3A_284 = arith.mulf %parallel_loop3A_283, %parallel_loop3A_282 : vector<16xf32>
        %parallel_loop3A_285 = vector.extract_strided_slice %parallel_loop3A_141 {offsets = [13], sizes = [1], strides = [1]} : vector<16xf32> to vector<1xf32>
        %parallel_loop3A_286 = vector.extract %parallel_loop3A_285[0] : f32 from vector<1xf32>
        %parallel_loop3A_287 = arith.constant 16 : i32
        %parallel_loop3A_288 = arith.muli %parallel_loop3A_138, %parallel_loop3A_287 : i32
        %parallel_loop3A_289 = arith.constant 13 : i32
        %parallel_loop3A_290 = arith.addi %parallel_loop3A_288, %parallel_loop3A_289 : i32
        %parallel_loop3A_291 = arith.index_cast %parallel_loop3A_290 : i32 to index
        %parallel_loop3A_292 = arith.constant 0 : index
        %parallel_loop3A_293 = tpu.vector_load %arg9[%parallel_loop3A_291, %parallel_loop3A_292] {strides = array<i32>} : memref<2048x16xf32, #tpu.memory_space<vmem>>, vector<16xf32>,
        %parallel_loop3A_294 = vector.broadcast %parallel_loop3A_286 : f32 to vector<16xf32>
        %parallel_loop3A_295 = arith.mulf %parallel_loop3A_294, %parallel_loop3A_293 : vector<16xf32>
        %parallel_loop3A_296 = vector.extract_strided_slice %parallel_loop3A_141 {offsets = [14], sizes = [1], strides = [1]} : vector<16xf32> to vector<1xf32>
        %parallel_loop3A_297 = vector.extract %parallel_loop3A_296[0] : f32 from vector<1xf32>
        %parallel_loop3A_298 = arith.constant 16 : i32
        %parallel_loop3A_299 = arith.muli %parallel_loop3A_138, %parallel_loop3A_298 : i32
        %parallel_loop3A_300 = arith.constant 14 : i32
        %parallel_loop3A_301 = arith.addi %parallel_loop3A_299, %parallel_loop3A_300 : i32
        %parallel_loop3A_302 = arith.index_cast %parallel_loop3A_301 : i32 to index
        %parallel_loop3A_303 = arith.constant 0 : index
        %parallel_loop3A_304 = tpu.vector_load %arg9[%parallel_loop3A_302, %parallel_loop3A_303] {strides = array<i32>} : memref<2048x16xf32, #tpu.memory_space<vmem>>, vector<16xf32>,
        %parallel_loop3A_305 = vector.broadcast %parallel_loop3A_297 : f32 to vector<16xf32>
        %parallel_loop3A_306 = arith.mulf %parallel_loop3A_305, %parallel_loop3A_304 : vector<16xf32>
        %parallel_loop3A_307 = vector.extract_strided_slice %parallel_loop3A_141 {offsets = [15], sizes = [1], strides = [1]} : vector<16xf32> to vector<1xf32>
        %parallel_loop3A_308 = vector.extract %parallel_loop3A_307[0] : f32 from vector<1xf32>
        %parallel_loop3A_309 = arith.constant 16 : i32
        %parallel_loop3A_310 = arith.muli %parallel_loop3A_138, %parallel_loop3A_309 : i32
        %parallel_loop3A_311 = arith.constant 15 : i32
        %parallel_loop3A_312 = arith.addi %parallel_loop3A_310, %parallel_loop3A_311 : i32
        %parallel_loop3A_313 = arith.index_cast %parallel_loop3A_312 : i32 to index
        %parallel_loop3A_314 = arith.constant 0 : index
        %parallel_loop3A_315 = tpu.vector_load %arg9[%parallel_loop3A_313, %parallel_loop3A_314] {strides = array<i32>} : memref<2048x16xf32, #tpu.memory_space<vmem>>, vector<16xf32>,
        %parallel_loop3A_316 = vector.broadcast %parallel_loop3A_308 : f32 to vector<16xf32>
        %parallel_loop3A_317 = arith.mulf %parallel_loop3A_316, %parallel_loop3A_315 : vector<16xf32>
        %parallel_loop3A_318 = arith.addf %parallel_loop3A_152, %parallel_loop3A_163 : vector<16xf32>
        %parallel_loop3A_319 = arith.addf %parallel_loop3A_174, %parallel_loop3A_185 : vector<16xf32>
        %parallel_loop3A_320 = arith.addf %parallel_loop3A_196, %parallel_loop3A_207 : vector<16xf32>
        %parallel_loop3A_321 = arith.addf %parallel_loop3A_218, %parallel_loop3A_229 : vector<16xf32>
        %parallel_loop3A_322 = arith.addf %parallel_loop3A_240, %parallel_loop3A_251 : vector<16xf32>
        %parallel_loop3A_323 = arith.addf %parallel_loop3A_262, %parallel_loop3A_273 : vector<16xf32>
        %parallel_loop3A_324 = arith.addf %parallel_loop3A_284, %parallel_loop3A_295 : vector<16xf32>
        %parallel_loop3A_325 = arith.addf %parallel_loop3A_306, %parallel_loop3A_317 : vector<16xf32>
        %parallel_loop3A_326 = arith.addf %parallel_loop3A_318, %parallel_loop3A_319 : vector<16xf32>
        %parallel_loop3A_327 = arith.addf %parallel_loop3A_320, %parallel_loop3A_321 : vector<16xf32>
        %parallel_loop3A_328 = arith.addf %parallel_loop3A_322, %parallel_loop3A_323 : vector<16xf32>
        %parallel_loop3A_329 = arith.addf %parallel_loop3A_324, %parallel_loop3A_325 : vector<16xf32>
        %parallel_loop3A_330 = arith.addf %parallel_loop3A_326, %parallel_loop3A_327 : vector<16xf32>
        %parallel_loop3A_331 = arith.addf %parallel_loop3A_328, %parallel_loop3A_329 : vector<16xf32>
        %parallel_loop3A_332 = arith.addf %parallel_loop3A_330, %parallel_loop3A_331 : vector<16xf32>
        %parallel_loop3A_333 = arith.constant 16 : i32
        %parallel_loop3A_334 = arith.divsi %parallel_loop3A_138, %parallel_loop3A_333 : i32
        %parallel_loop3A_335 = arith.constant 0 : i32
        %parallel_loop3A_336 = arith.cmpi sgt, %parallel_loop3A_138, %parallel_loop3A_335 : i32
        %parallel_loop3A_337 = arith.extui %parallel_loop3A_336 : i1 to i32
        %parallel_loop3A_338 = arith.constant 0 : i32
        %parallel_loop3A_339 = arith.cmpi slt, %parallel_loop3A_138, %parallel_loop3A_338 : i32
        %parallel_loop3A_340 = arith.extui %parallel_loop3A_339 : i1 to i32
        %parallel_loop3A_341 = arith.subi %parallel_loop3A_337, %parallel_loop3A_340 : i32
        %parallel_loop3A_342 = arith.constant 0 : i32
        %parallel_loop3A_343 = arith.cmpi sgt, %parallel_loop3A_333, %parallel_loop3A_342 : i32
        %parallel_loop3A_344 = arith.extui %parallel_loop3A_343 : i1 to i32
        %parallel_loop3A_345 = arith.constant 0 : i32
        %parallel_loop3A_346 = arith.cmpi slt, %parallel_loop3A_333, %parallel_loop3A_345 : i32
        %parallel_loop3A_347 = arith.extui %parallel_loop3A_346 : i1 to i32
        %parallel_loop3A_348 = arith.subi %parallel_loop3A_344, %parallel_loop3A_347 : i32
        %parallel_loop3A_349 = arith.cmpi ne, %parallel_loop3A_341, %parallel_loop3A_348 : i32
        %parallel_loop3A_350 = arith.remsi %parallel_loop3A_138, %parallel_loop3A_333 : i32
        %parallel_loop3A_351 = arith.constant 0 : i32
        %parallel_loop3A_352 = arith.cmpi ne, %parallel_loop3A_350, %parallel_loop3A_351 : i32
        %parallel_loop3A_353 = arith.andi %parallel_loop3A_349, %parallel_loop3A_352 : i1
        %parallel_loop3A_354 = arith.constant 1 : i32
        %parallel_loop3A_355 = arith.subi %parallel_loop3A_334, %parallel_loop3A_354 : i32
        %parallel_loop3A_356 = arith.select %parallel_loop3A_353, %parallel_loop3A_355, %parallel_loop3A_334 : i32
        %parallel_loop3A_357 = arith.constant 16 : i32
        %parallel_loop3A_358 = arith.constant 0 : i32
        %parallel_loop3A_359 = arith.cmpi eq, %parallel_loop3A_357, %parallel_loop3A_358 : i32
        %parallel_loop3A_360 = arith.constant 1 : i32
        %parallel_loop3A_361 = arith.select %parallel_loop3A_359, %parallel_loop3A_360, %parallel_loop3A_357 : i32
        %parallel_loop3A_362 = arith.remsi %parallel_loop3A_138, %parallel_loop3A_361 : i32
        %parallel_loop3A_363 = arith.constant 0 : i32
        %parallel_loop3A_364 = arith.cmpi ne, %parallel_loop3A_362, %parallel_loop3A_363 : i32
        %parallel_loop3A_365 = arith.constant 0 : i32
        %parallel_loop3A_366 = arith.cmpi slt, %parallel_loop3A_362, %parallel_loop3A_365 : i32
        %parallel_loop3A_367 = arith.constant 0 : i32
        %parallel_loop3A_368 = arith.cmpi slt, %parallel_loop3A_361, %parallel_loop3A_367 : i32
        %parallel_loop3A_369 = arith.xori %parallel_loop3A_366, %parallel_loop3A_368 : i1
        %parallel_loop3A_370 = arith.andi %parallel_loop3A_369, %parallel_loop3A_364 : i1
        %parallel_loop3A_371 = arith.addi %parallel_loop3A_362, %parallel_loop3A_361 : i32
        %parallel_loop3A_372 = arith.select %parallel_loop3A_370, %parallel_loop3A_371, %parallel_loop3A_362 : i32
        %parallel_loop3A_373 = arith.constant 16 : i32
        %parallel_loop3A_374 = arith.muli %parallel_loop3A_372, %parallel_loop3A_373 : i32
        %parallel_loop3A_375 = arith.index_cast %parallel_loop3A_356 : i32 to index
        %parallel_loop3A_376 = arith.index_cast %parallel_loop3A_374 : i32 to index
        %parallel_loop3A_377 = tpu.vector_load %arg13[%parallel_loop3A_375, %parallel_loop3A_376] {strides = array<i32>} : memref<8x256xf32, #tpu.memory_space<vmem>>, vector<16xf32>,
        tpu.vector_store %arg13[%parallel_loop3A_375, %parallel_loop3A_376], %parallel_loop3A_332 {strides = array<i32>} : memref<8x256xf32, #tpu.memory_space<vmem>>, vector<16xf32>,
      } {sc.loop_unroll_factor = 2 : i64, sc.parallel_access}
      %jit3A_101 = arith.constant 16 : i32
      %div3A_102 = arith.divsi %select_n3A_57, %jit3A_101 : i32
      %sign3A_103 = arith.constant 0 : i32
      %sign3A_104 = arith.cmpi sgt, %select_n3A_57, %sign3A_103 : i32
      %sign3A_105 = arith.extui %sign3A_104 : i1 to i32
      %sign3A_106 = arith.constant 0 : i32
      %sign3A_107 = arith.cmpi slt, %select_n3A_57, %sign3A_106 : i32
      %sign3A_108 = arith.extui %sign3A_107 : i1 to i32
      %sign3A_109 = arith.subi %sign3A_105, %sign3A_108 : i32
      %sign3A_110 = arith.constant 0 : i32
      %sign3A_111 = arith.cmpi sgt, %jit3A_101, %sign3A_110 : i32
      %sign3A_112 = arith.extui %sign3A_111 : i1 to i32
      %sign3A_113 = arith.constant 0 : i32
      %sign3A_114 = arith.cmpi slt, %jit3A_101, %sign3A_113 : i32
      %sign3A_115 = arith.extui %sign3A_114 : i1 to i32
      %sign3A_116 = arith.subi %sign3A_112, %sign3A_115 : i32
      %ne3A_117 = arith.cmpi ne, %sign3A_109, %sign3A_116 : i32
      %rem3A_118 = arith.remsi %select_n3A_57, %jit3A_101 : i32
      %ne3A_119 = arith.constant 0 : i32
      %ne3A_120 = arith.cmpi ne, %rem3A_118, %ne3A_119 : i32
      %and3A_121 = arith.andi %ne3A_117, %ne3A_120 : i1
      %sub3A_122 = arith.constant 1 : i32
      %sub3A_123 = arith.subi %div3A_102, %sub3A_122 : i32
      %select_n3A_124 = arith.select %and3A_121, %sub3A_123, %div3A_102 : i32
      %dma_start3A_125 = arith.constant 0 : i32
      %dma_start3A_126 = tpu.memref_slice %arg5[%select_n3A_124, %dma_start3A_125] : memref<16384x256xf32, #tpu.memory_space<hbm>> -> memref<8x256xf32, #tpu.memory_space<hbm>>
      %dma_start3A_127 = arith.constant 0 : i32
      %dma_start3A_128 = tpu.memref_slice %arg5[%select_n3A_124, %dma_start3A_127] : memref<16384x256xf32, #tpu.memory_space<hbm>> -> memref<8x256xf32, #tpu.memory_space<hbm>>
      tpu.enqueue_dma source(%arg13 : memref<8x256xf32, #tpu.memory_space<vmem>>) target(%dma_start3A_128 : memref<8x256xf32, #tpu.memory_space<hbm>>) target_semaphore(%arg17 : memref<!tpu.dma_semaphore, #tpu.memory_space<semaphore_mem>>)
      %dma_wait3A_129 = arith.constant 0 : i32
      %dma_wait3A_130 = tpu.memref_slice %arg5[%select_n3A_90, %dma_wait3A_129] : memref<16384x256xf32, #tpu.memory_space<hbm>> -> memref<8x256xf32, #tpu.memory_space<hbm>>
      %dma_wait3A_131 = arith.constant 0 : i32
      %dma_wait3A_132 = tpu.memref_slice %arg5[%select_n3A_90, %dma_wait3A_131] : memref<16384x256xf32, #tpu.memory_space<hbm>> -> memref<8x256xf32, #tpu.memory_space<hbm>>
      tpu.wait_dma2 semaphore(%arg16 : memref<!tpu.dma_semaphore, #tpu.memory_space<semaphore_mem>>) src(%arg12 : memref<8x256xf32, #tpu.memory_space<vmem>>) dst(%dma_wait3A_132 : memref<8x256xf32, #tpu.memory_space<hbm>>)
      %dma_wait3A_133 = arith.constant 0 : i32
      %dma_wait3A_134 = tpu.memref_slice %arg5[%select_n3A_124, %dma_wait3A_133] : memref<16384x256xf32, #tpu.memory_space<hbm>> -> memref<8x256xf32, #tpu.memory_space<hbm>>
      %dma_wait3A_135 = arith.constant 0 : i32
      %dma_wait3A_136 = tpu.memref_slice %arg5[%select_n3A_124, %dma_wait3A_135] : memref<16384x256xf32, #tpu.memory_space<hbm>> -> memref<8x256xf32, #tpu.memory_space<hbm>>
      tpu.wait_dma2 semaphore(%arg17 : memref<!tpu.dma_semaphore, #tpu.memory_space<semaphore_mem>>) src(%arg13 : memref<8x256xf32, #tpu.memory_space<vmem>>) dst(%dma_wait3A_136 : memref<8x256xf32, #tpu.memory_space<hbm>>)
      %scan3A_137 = arith.constant 0 : i32
      scf.yield %scan3A_137 : i32
    }
    %scan3A_6 = arith.constant 32 : i32
    return
  }
}

module attributes {stable_mosaic.version = 14 : i64} {
  func.func @_tca_body(%arg0: i32, %arg1: memref<2048x16xf32, #tpu.memory_space<vmem>>, %arg2: memref<16x32xf32, #tpu.memory_space<vmem>>, %arg3: memref<2048x32xf32, #tpu.memory_space<vmem>>) attributes {dimension_semantics = [#tpu.dimension_semantics<arbitrary>], iteration_bounds = array<i64: 8>, scalar_prefetch = 0 : i64, scratch_operands = 0 : i64, tpu.core_type = #tpu.core_type<tc>, window_params = [{transform_indices = @transform_0, window_bounds = array<i64: 2048, 16>}, {pipeline_mode = #tpu.pipeline_mode<synchronous>, transform_indices = @transform_1, window_bounds = array<i64: 16, 32>}, {transform_indices = @transform_2, window_bounds = array<i64: 2048, 32>}]} {
    %get3A = arith.constant 0 : index
    %get3A_0 = arith.constant 0 : index
    %get3A_1 = vector.load %arg1[%get3A, %get3A_0] : memref<2048x16xf32, #tpu.memory_space<vmem>>, vector<2048x16xf32>
    %get3A_2 = arith.constant 0 : index
    %get3A_3 = arith.constant 0 : index
    %get3A_4 = vector.load %arg2[%get3A_2, %get3A_3] : memref<16x32xf32, #tpu.memory_space<vmem>>, vector<16x32xf32>
    %dot_general3A = arith.constant dense<0.000000e+00> : vector<2048x32xf32>
    %dot_general3A_5 = tpu.matmul %get3A_1, %get3A_4, %dot_general3A {dimension_numbers = #tpu.dot_dimension_numbers<[1], [0], [0], [1], [0, 0, 1, 1], [], []>, transpose_lhs_hint = false} : vector<2048x16xf32>, vector<16x32xf32>, vector<2048x32xf32> -> vector<2048x32xf32>
    %exp3A = math.exp %dot_general3A_5 : vector<2048x32xf32>
    %swap3A = arith.constant 0 : index
    %swap3A_6 = arith.constant 0 : index
    %swap3A_7 = vector.load %arg3[%swap3A, %swap3A_6] : memref<2048x32xf32, #tpu.memory_space<vmem>>, vector<2048x32xf32>
    tpu.vector_store %arg3[%swap3A, %swap3A_6], %exp3A {strides = array<i32>} : memref<2048x32xf32, #tpu.memory_space<vmem>>, vector<2048x32xf32>,
    return
  }
  func.func @transform_0(%arg0: i32) -> (i32, i32) {
    %c0_i32 = arith.constant 0 : i32
    %c0_i32_0 = arith.constant 0 : i32
    return %arg0, %c0_i32 : i32, i32
  }
  func.func @transform_1(%arg0: i32) -> (i32, i32) {
    %c0_i32 = arith.constant 0 : i32
    %c0_i32_0 = arith.constant 0 : i32
    %c0_i32_1 = arith.constant 0 : i32
    return %c0_i32, %c0_i32_0 : i32, i32
  }
  func.func @transform_2(%arg0: i32) -> (i32, i32) {
    %c0_i32 = arith.constant 0 : i32
    %c0_i32_0 = arith.constant 0 : i32
    return %arg0, %c0_i32 : i32, i32
  }
}

module attributes {stable_mosaic.version = 14 : i64} {
  func.func @_tcbf_body(%arg0: i32, %arg1: memref<1024x16xf32, #tpu.memory_space<vmem>>, %arg2: memref<1024x16xf32, #tpu.memory_space<vmem>>, %arg3: memref<1024x16xf32, #tpu.memory_space<vmem>>, %arg4: memref<1024x256xf32, #tpu.memory_space<vmem>>, %arg5: memref<1024x256xf32, #tpu.memory_space<vmem>>, %arg6: memref<1024x256xf32, #tpu.memory_space<vmem>>, %arg7: memref<16x16xf32, #tpu.memory_space<vmem>>, %arg8: memref<1x16xf32, #tpu.memory_space<vmem>>, %arg9: memref<256x256xf32, #tpu.memory_space<vmem>>, %arg10: memref<1x256xf32, #tpu.memory_space<vmem>>, %arg11: memref<256x256xf32, #tpu.memory_space<vmem>>, %arg12: memref<16x256xf32, #tpu.memory_space<vmem>>, %arg13: memref<256x16xf32, #tpu.memory_space<vmem>>, %arg14: memref<1024x1xf32, #tpu.memory_space<vmem>>) attributes {dimension_semantics = [#tpu.dimension_semantics<arbitrary>], iteration_bounds = array<i64: 16>, scalar_prefetch = 0 : i64, scratch_operands = 0 : i64, tpu.core_type = #tpu.core_type<tc>, window_params = [{transform_indices = @transform_0, window_bounds = array<i64: 1024, 16>}, {transform_indices = @transform_1, window_bounds = array<i64: 1024, 16>}, {transform_indices = @transform_2, window_bounds = array<i64: 1024, 16>}, {transform_indices = @transform_3, window_bounds = array<i64: 1024, 256>}, {transform_indices = @transform_4, window_bounds = array<i64: 1024, 256>}, {transform_indices = @transform_5, window_bounds = array<i64: 1024, 256>}, {pipeline_mode = #tpu.pipeline_mode<synchronous>, transform_indices = @transform_6, window_bounds = array<i64: 16, 16>}, {pipeline_mode = #tpu.pipeline_mode<synchronous>, transform_indices = @transform_7, window_bounds = array<i64: 1, 16>}, {pipeline_mode = #tpu.pipeline_mode<synchronous>, transform_indices = @transform_8, window_bounds = array<i64: 256, 256>}, {pipeline_mode = #tpu.pipeline_mode<synchronous>, transform_indices = @transform_9, window_bounds = array<i64: 1, 256>}, {pipeline_mode = #tpu.pipeline_mode<synchronous>, transform_indices = @transform_10, window_bounds = array<i64: 256, 256>}, {pipeline_mode = #tpu.pipeline_mode<synchronous>, transform_indices = @transform_11, window_bounds = array<i64: 16, 256>}, {pipeline_mode = #tpu.pipeline_mode<synchronous>, transform_indices = @transform_12, window_bounds = array<i64: 256, 16>}, {transform_indices = @transform_13, window_bounds = array<i64: 1024, 1>}]} {
    %get3A = arith.constant 0 : index
    %get3A_0 = arith.constant 0 : index
    %get3A_1 = vector.load %arg7[%get3A, %get3A_0] : memref<16x16xf32, #tpu.memory_space<vmem>>, vector<16x16xf32>
    %get3A_2 = arith.constant 0 : index
    %get3A_3 = arith.constant 0 : index
    %get3A_4 = vector.load %arg8[%get3A_2, %get3A_3] : memref<1x16xf32, #tpu.memory_space<vmem>>, vector<1x16xf32>
    %get3A_5 = arith.constant 0 : index
    %get3A_6 = arith.constant 0 : index
    %get3A_7 = vector.load %arg6[%get3A_5, %get3A_6] : memref<1024x256xf32, #tpu.memory_space<vmem>>, vector<1024x256xf32>
    %get3A_8 = arith.constant 0 : index
    %get3A_9 = arith.constant 0 : index
    %get3A_10 = vector.load %arg11[%get3A_8, %get3A_9] : memref<256x256xf32, #tpu.memory_space<vmem>>, vector<256x256xf32>
    %dot_general3A = arith.constant dense<0.000000e+00> : vector<1024x256xf32>
    %dot_general3A_11 = tpu.matmul %get3A_7, %get3A_10, %dot_general3A {dimension_numbers = #tpu.dot_dimension_numbers<[1], [0], [0], [1], [0, 0, 1, 1], [], []>, transpose_lhs_hint = false} : vector<1024x256xf32>, vector<256x256xf32>, vector<1024x256xf32> -> vector<1024x256xf32>
    %get3A_12 = arith.constant 0 : index
    %get3A_13 = arith.constant 0 : index
    %get3A_14 = vector.load %arg5[%get3A_12, %get3A_13] : memref<1024x256xf32, #tpu.memory_space<vmem>>, vector<1024x256xf32>
    %div3A = arith.divf %get3A_14, %dot_general3A_11 : vector<1024x256xf32>
    %get3A_15 = arith.constant 0 : index
    %get3A_16 = arith.constant 0 : index
    %get3A_17 = vector.load %arg4[%get3A_15, %get3A_16] : memref<1024x256xf32, #tpu.memory_space<vmem>>, vector<1024x256xf32>
    %add3A = arith.addf %get3A_17, %div3A : vector<1024x256xf32>
    %get3A_18 = arith.constant 0 : index
    %get3A_19 = arith.constant 0 : index
    %get3A_20 = vector.load %arg9[%get3A_18, %get3A_19] : memref<256x256xf32, #tpu.memory_space<vmem>>, vector<256x256xf32>
    %dot_general3A_21 = arith.constant dense<0.000000e+00> : vector<1024x256xf32>
    %dot_general3A_22 = tpu.matmul %add3A, %get3A_20, %dot_general3A_21 {dimension_numbers = #tpu.dot_dimension_numbers<[1], [0], [0], [1], [0, 0, 1, 1], [], []>, transpose_lhs_hint = false} : vector<1024x256xf32>, vector<256x256xf32>, vector<1024x256xf32> -> vector<1024x256xf32>
    %get3A_23 = arith.constant 0 : index
    %get3A_24 = arith.constant 0 : index
    %get3A_25 = vector.load %arg10[%get3A_23, %get3A_24] : memref<1x256xf32, #tpu.memory_space<vmem>>, vector<1x256xf32>
    %add3A_26 = vector.broadcast %get3A_25 : vector<1x256xf32> to vector<1024x256xf32>
    %add3A_27 = arith.addf %dot_general3A_22, %add3A_26 : vector<1024x256xf32>
    %neg3A = arith.constant 0.000000e+00 : f32
    %neg3A_28 = vector.broadcast %neg3A : f32 to vector<1024x256xf32>
    %neg3A_29 = arith.subf %neg3A_28, %add3A_27 : vector<1024x256xf32>
    %exp3A = math.exp %neg3A_29 : vector<1024x256xf32>
    %add3A_30 = arith.constant 1.000000e+00 : f32
    %add3A_31 = vector.broadcast %add3A_30 : f32 to vector<1024x256xf32>
    %add3A_32 = arith.addf %add3A_31, %exp3A : vector<1024x256xf32>
    %div3A_33 = arith.constant 1.000000e+00 : f32
    %div3A_34 = vector.broadcast %div3A_33 : f32 to vector<1024x256xf32>
    %div3A_35 = arith.divf %div3A_34, %add3A_32 : vector<1024x256xf32>
    %get3A_36 = arith.constant 0 : index
    %get3A_37 = arith.constant 0 : index
    %get3A_38 = vector.load %arg3[%get3A_36, %get3A_37] : memref<1024x16xf32, #tpu.memory_space<vmem>>, vector<1024x16xf32>
    %reduce_sum3A = arith.constant dense<0.000000e+00> : vector<1024xf32>
    %reduce_sum3A_39 = vector.multi_reduction <add>, %get3A_38, %reduce_sum3A [1] : vector<1024x16xf32> to vector<1024xf32>
    %broadcast_in_dim3A = vector.shape_cast %reduce_sum3A_39 : vector<1024xf32> to vector<1024x1xf32>
    %div3A_40 = vector.broadcast %broadcast_in_dim3A : vector<1024x1xf32> to vector<1024x16xf32>
    %div3A_41 = arith.divf %get3A_38, %div3A_40 : vector<1024x16xf32>
    %get3A_42 = arith.constant 0 : index
    %get3A_43 = arith.constant 0 : index
    %get3A_44 = vector.load %arg12[%get3A_42, %get3A_43] : memref<16x256xf32, #tpu.memory_space<vmem>>, vector<16x256xf32>
    %dot_general3A_45 = arith.constant dense<0.000000e+00> : vector<1024x256xf32>
    %dot_general3A_46 = tpu.matmul %div3A_41, %get3A_44, %dot_general3A_45 {dimension_numbers = #tpu.dot_dimension_numbers<[1], [0], [0], [1], [0, 0, 1, 1], [], []>, transpose_lhs_hint = false} : vector<1024x16xf32>, vector<16x256xf32>, vector<1024x256xf32> -> vector<1024x256xf32>
    %get3A_47 = arith.constant 0 : index
    %get3A_48 = arith.constant 0 : index
    %get3A_49 = vector.load %arg13[%get3A_47, %get3A_48] : memref<256x16xf32, #tpu.memory_space<vmem>>, vector<256x16xf32>
    %mul3A = arith.mulf %dot_general3A_46, %get3A_17 : vector<1024x256xf32>
    %dot_general3A_50 = arith.constant dense<0.000000e+00> : vector<1024x16xf32>
    %dot_general3A_51 = tpu.matmul %mul3A, %get3A_49, %dot_general3A_50 {dimension_numbers = #tpu.dot_dimension_numbers<[1], [0], [0], [1], [0, 0, 1, 1], [], []>, transpose_lhs_hint = false} : vector<1024x256xf32>, vector<256x16xf32>, vector<1024x16xf32> -> vector<1024x16xf32>
    %get3A_52 = arith.constant 0 : index
    %get3A_53 = arith.constant 0 : index
    %get3A_54 = vector.load %arg2[%get3A_52, %get3A_53] : memref<1024x16xf32, #tpu.memory_space<vmem>>, vector<1024x16xf32>
    %add3A_55 = arith.addf %get3A_54, %dot_general3A_51 : vector<1024x16xf32>
    %dot_general3A_56 = arith.constant dense<0.000000e+00> : vector<1024x16xf32>
    %dot_general3A_57 = tpu.matmul %add3A_55, %get3A_1, %dot_general3A_56 {dimension_numbers = #tpu.dot_dimension_numbers<[1], [0], [0], [1], [0, 0, 1, 1], [], []>, transpose_lhs_hint = false} : vector<1024x16xf32>, vector<16x16xf32>, vector<1024x16xf32> -> vector<1024x16xf32>
    %add3A_58 = vector.broadcast %get3A_4 : vector<1x16xf32> to vector<1024x16xf32>
    %add3A_59 = arith.addf %dot_general3A_57, %add3A_58 : vector<1024x16xf32>
    %neg3A_60 = arith.constant 0.000000e+00 : f32
    %neg3A_61 = vector.broadcast %neg3A_60 : f32 to vector<1024x16xf32>
    %neg3A_62 = arith.subf %neg3A_61, %add3A_59 : vector<1024x16xf32>
    %exp3A_63 = math.exp %neg3A_62 : vector<1024x16xf32>
    %add3A_64 = arith.constant 1.000000e+00 : f32
    %add3A_65 = vector.broadcast %add3A_64 : f32 to vector<1024x16xf32>
    %add3A_66 = arith.addf %add3A_65, %exp3A_63 : vector<1024x16xf32>
    %div3A_67 = arith.constant 1.000000e+00 : f32
    %div3A_68 = vector.broadcast %div3A_67 : f32 to vector<1024x16xf32>
    %div3A_69 = arith.divf %div3A_68, %add3A_66 : vector<1024x16xf32>
    %mul3A_70 = arith.mulf %dot_general3A_46, %div3A_35 : vector<1024x256xf32>
    %dot_general3A_71 = arith.constant dense<0.000000e+00> : vector<1024x16xf32>
    %dot_general3A_72 = tpu.matmul %mul3A_70, %get3A_49, %dot_general3A_71 {dimension_numbers = #tpu.dot_dimension_numbers<[1], [0], [0], [1], [0, 0, 1, 1], [], []>, transpose_lhs_hint = false} : vector<1024x256xf32>, vector<256x16xf32>, vector<1024x16xf32> -> vector<1024x16xf32>
    %add3A_73 = arith.addf %div3A_69, %dot_general3A_72 : vector<1024x16xf32>
    %dot_general3A_74 = arith.constant dense<0.000000e+00> : vector<1024x16xf32>
    %dot_general3A_75 = tpu.matmul %add3A_73, %get3A_1, %dot_general3A_74 {dimension_numbers = #tpu.dot_dimension_numbers<[1], [0], [0], [1], [0, 0, 1, 1], [], []>, transpose_lhs_hint = false} : vector<1024x16xf32>, vector<16x16xf32>, vector<1024x16xf32> -> vector<1024x16xf32>
    %add3A_76 = vector.broadcast %get3A_4 : vector<1x16xf32> to vector<1024x16xf32>
    %add3A_77 = arith.addf %dot_general3A_75, %add3A_76 : vector<1024x16xf32>
    %mul3A_78 = arith.constant -2.000000e+00 : f32
    %mul3A_79 = vector.broadcast %mul3A_78 : f32 to vector<1024x16xf32>
    %mul3A_80 = arith.mulf %mul3A_79, %add3A_77 : vector<1024x16xf32>
    %exp3A_81 = math.exp %mul3A_80 : vector<1024x16xf32>
    %sub3A = arith.constant 1.000000e+00 : f32
    %sub3A_82 = vector.broadcast %sub3A : f32 to vector<1024x16xf32>
    %sub3A_83 = arith.subf %sub3A_82, %exp3A_81 : vector<1024x16xf32>
    %add3A_84 = arith.constant 1.000000e+00 : f32
    %add3A_85 = vector.broadcast %add3A_84 : f32 to vector<1024x16xf32>
    %add3A_86 = arith.addf %add3A_85, %exp3A_81 : vector<1024x16xf32>
    %div3A_87 = arith.divf %sub3A_83, %add3A_86 : vector<1024x16xf32>
    %get3A_88 = arith.constant 0 : index
    %get3A_89 = arith.constant 0 : index
    %get3A_90 = vector.load %arg1[%get3A_88, %get3A_89] : memref<1024x16xf32, #tpu.memory_space<vmem>>, vector<1024x16xf32>
    %mul3A_91 = arith.mulf %get3A_90, %div3A_87 : vector<1024x16xf32>
    %reduce_sum3A_92 = arith.constant dense<0.000000e+00> : vector<1024xf32>
    %reduce_sum3A_93 = vector.multi_reduction <add>, %mul3A_91, %reduce_sum3A_92 [1] : vector<1024x16xf32> to vector<1024xf32>
    %broadcast_in_dim3A_94 = vector.shape_cast %reduce_sum3A_93 : vector<1024xf32> to vector<1024x1xf32>
    %neg3A_95 = arith.constant 0.000000e+00 : f32
    %neg3A_96 = vector.broadcast %neg3A_95 : f32 to vector<1024x1xf32>
    %neg3A_97 = arith.subf %neg3A_96, %broadcast_in_dim3A_94 : vector<1024x1xf32>
    %exp3A_98 = math.exp %neg3A_97 : vector<1024x1xf32>
    %add3A_99 = arith.constant 1.000000e+00 : f32
    %add3A_100 = vector.broadcast %add3A_99 : f32 to vector<1024x1xf32>
    %add3A_101 = arith.addf %add3A_100, %exp3A_98 : vector<1024x1xf32>
    %div3A_102 = arith.constant 1.000000e+00 : f32
    %div3A_103 = vector.broadcast %div3A_102 : f32 to vector<1024x1xf32>
    %div3A_104 = arith.divf %div3A_103, %add3A_101 : vector<1024x1xf32>
    %swap3A = arith.constant 0 : index
    %swap3A_105 = arith.constant 0 : index
    %swap3A_106 = vector.load %arg14[%swap3A, %swap3A_105] : memref<1024x1xf32, #tpu.memory_space<vmem>>, vector<1024x1xf32>
    tpu.vector_store %arg14[%swap3A, %swap3A_105], %div3A_104 {strides = array<i32>} : memref<1024x1xf32, #tpu.memory_space<vmem>>, vector<1024x1xf32>,
    return
  }
  func.func @transform_0(%arg0: i32) -> (i32, i32) {
    %c0_i32 = arith.constant 0 : i32
    %c0_i32_0 = arith.constant 0 : i32
    return %arg0, %c0_i32 : i32, i32
  }
  func.func @transform_1(%arg0: i32) -> (i32, i32) {
    %c0_i32 = arith.constant 0 : i32
    %c0_i32_0 = arith.constant 0 : i32
    return %arg0, %c0_i32 : i32, i32
  }
  func.func @transform_2(%arg0: i32) -> (i32, i32) {
    %c0_i32 = arith.constant 0 : i32
    %c0_i32_0 = arith.constant 0 : i32
    return %arg0, %c0_i32 : i32, i32
  }
  func.func @transform_3(%arg0: i32) -> (i32, i32) {
    %c0_i32 = arith.constant 0 : i32
    %c0_i32_0 = arith.constant 0 : i32
    return %arg0, %c0_i32 : i32, i32
  }
  func.func @transform_4(%arg0: i32) -> (i32, i32) {
    %c0_i32 = arith.constant 0 : i32
    %c0_i32_0 = arith.constant 0 : i32
    return %arg0, %c0_i32 : i32, i32
  }
  func.func @transform_5(%arg0: i32) -> (i32, i32) {
    %c0_i32 = arith.constant 0 : i32
    %c0_i32_0 = arith.constant 0 : i32
    return %arg0, %c0_i32 : i32, i32
  }
  func.func @transform_6(%arg0: i32) -> (i32, i32) {
    %c0_i32 = arith.constant 0 : i32
    %c0_i32_0 = arith.constant 0 : i32
    %c0_i32_1 = arith.constant 0 : i32
    return %c0_i32, %c0_i32_0 : i32, i32
  }
  func.func @transform_7(%arg0: i32) -> (i32, i32) {
    %c0_i32 = arith.constant 0 : i32
    %c0_i32_0 = arith.constant 0 : i32
    %c0_i32_1 = arith.constant 0 : i32
    return %c0_i32, %c0_i32_0 : i32, i32
  }
  func.func @transform_8(%arg0: i32) -> (i32, i32) {
    %c0_i32 = arith.constant 0 : i32
    %c0_i32_0 = arith.constant 0 : i32
    %c0_i32_1 = arith.constant 0 : i32
    return %c0_i32, %c0_i32_0 : i32, i32
  }
  func.func @transform_9(%arg0: i32) -> (i32, i32) {
    %c0_i32 = arith.constant 0 : i32
    %c0_i32_0 = arith.constant 0 : i32
    %c0_i32_1 = arith.constant 0 : i32
    return %c0_i32, %c0_i32_0 : i32, i32
  }
  func.func @transform_10(%arg0: i32) -> (i32, i32) {
    %c0_i32 = arith.constant 0 : i32
    %c0_i32_0 = arith.constant 0 : i32
    %c0_i32_1 = arith.constant 0 : i32
    return %c0_i32, %c0_i32_0 : i32, i32
  }
  func.func @transform_11(%arg0: i32) -> (i32, i32) {
    %c0_i32 = arith.constant 0 : i32
    %c0_i32_0 = arith.constant 0 : i32
    %c0_i32_1 = arith.constant 0 : i32
    return %c0_i32, %c0_i32_0 : i32, i32
  }
  func.func @transform_12(%arg0: i32) -> (i32, i32) {
    %c0_i32 = arith.constant 0 : i32
    %c0_i32_0 = arith.constant 0 : i32
    %c0_i32_1 = arith.constant 0 : i32
    return %c0_i32, %c0_i32_0 : i32, i32
  }
  func.func @transform_13(%arg0: i32) -> (i32, i32) {
    %c0_i32 = arith.constant 0 : i32
    %c0_i32_0 = arith.constant 0 : i32
    return %arg0, %c0_i32 : i32, i32
  }
}

</mosaic_0001>

<sc_bundles>
// kernel: kernel.11.cloned.1.call-start
scs
__scs_entry_jumppad:
0x0: {  	(pc) =	sbr.rel $0x88, $3  }
0x1: {  	(tag) =	ssettag $0x0;
	lr =	simm.s32 $0x1  }
0x2: {  	[smem:$0x3F98] =	sst lr;
	_ =	strace $0xD0000000  }
0x3: {  	_ = 	snop  }
0x4: {  	_ = 	snop  }
0x5: {  	_ = 	snop  }
0x6: {  	_ = 	snop  }
0x7: {  	_ = 	snop  }
__scs_overlays_trampoline_lowered:
0x8: {  	[smem:$0x3FA7] =	sst s0  }
0x9: {  	[smem:$0x3FA8] =	sst s1  }
0xa: {  	[smem:$0x3FA9] =	sst s2  }
0xb: {  	[smem:$0x3FAA] =	sst s3  }
0xc: {  	[smem:$0x3FAB] =	sst s4  }
0xd: {  	[smem:$0x3FAC] =	sst s5  }
0xe: {  	[smem:$0x3FAD] =	sst s6  }
0xf: {  	[smem:$0x3FAE] =	sst s7  }
0x10: {  	[smem:$0x3FAF] =	sst s8  }
0x11: {  	[smem:$0x3FB0] =	sst s9;
	s0 =	simm.s32 @!p0 $0x0  }
0x12: {  	s1 =	sld [smem:$0x3F96];
	s0 =	simm.s32 @p0 $0x1  }
0x13: {  	[smem:$0x3FB1] =	sst s0;
	s0 =	simm.s32 @!p1 $0x0  }
0x14: {  	s2 =	sld [smem:$0x3F95];
	s0 =	simm.s32 @p1 $0x1  }
0x15: {  	[smem:$0x3FB2] =	sst s0;
	s0 =	simm.s32 @!p2 $0x0  }
0x16: {  	s3 =	sld [smem:$0x3FDB];
	s0 =	simm.s32 @p2 $0x1  }
0x17: {  	s4 =	simm.s32 $0x1BF5;
	[smem:$0x3FB4] =	sst s0  }
0x18: {  	s0 =	sld [smem:$0x3F97];
	_ =	swait.ge [sflag:s4], $0x0  }
0x19: {  	s7 =	sld [smem:$0x3F98]  }
0x1a: {  	s8 =	sadd.s32 $0xFFFFE003, lr  }
0x1b: {  	s9 =	sadd.s32 $0xFFFFFEF7, lr;
	s5 =	simm.s32 $0xFFFFFFFF;
	p2 =	slt.u32 s8, $0xFFFFF086  }
0x1c: {  	p1 =	slt.u32 s9, $0xF7A;
	s5 =	simm.s32 @!p2 $0x0  }
0x1d: {  	s5 =	simm.s32 @p1 $0x1;
	p0 =	seq.s32 s7, s2  }
0x1e: {  	s7 =	smul.u32 @!p0 $0xF7A, s2;
	p2 =	seq.s32 @!p0 s5, $0x0  }
0x1f: {  	s9 =	smul.u32 $0xF7A, s1;
	s8 =	simm.s32 @!p0 $0x1BF5;
	p2 =	por !p2, p0  }
0x20: {  	[sflag:s8] =	ssyncset.s32 @!p0 $0xFFFFF086;
	s6 =	sadd.s32 @!p0 s3, s7;
	s7 =	simm.s32 @!p0 $0x108  }
0x21: {  	s3 =	sadd.s32 s3, s9;
	s6 =	sadd.s32 @!p0 $0x88, s6;
	s7 =	simm.s32 @p2 $0x1082  }
0x22: {  	[simem:s7], [sflag:s8] =	dma.local @!p0 [hbm:s6], $0xF7A  }
0x23: {  	s9 =	sor.u32 $0xD0000000, s2;
	s6 =	simm.s32 $0x108;
	_ =	swait.ge @!p0 [sflag:s8], $0x0  }
0x24: {  	s3 =	sadd.s32 $0x88, s3;
	s6 =	simm.s32 @!p1 $0x1082;
	[sflag:s4] =	ssyncset.s32 $0xFFFFF086  }
0x25: {  	[simem:s6], [sflag:s4] =	dma.local [hbm:s3], $0xF7A  }
0x26: {  	[smem:$0x3F98] =	sst s1;
	(tag) =	ssettag s2;
	_ =	strace s9  }
0x27: {  	s1 =	sld [smem:$0x3FA8]  }
0x28: {  	s2 =	sld [smem:$0x3FA9]  }
0x29: {  	s4 =	sld [smem:$0x3FAB]  }
0x2a: {  	p0 =	seq.s32 s5, $0x0;
	s5 =	sld [smem:$0x3FAC]  }
0x2b: {  	s6 =	sld [smem:$0x3FAD]  }
0x2c: {  	s7 =	sld [smem:$0x3FAE]  }
0x2d: {  	s3 =	simm.s32 $0x108;
	s8 =	sld [smem:$0x3FAF]  }
0x2e: {  	s3 =	simm.s32 @!p0 $0x1082;
	s9 =	sld [smem:$0x3FB0]  }
0x2f: {  	lr =	sadd.s32 s0, s3;
	s0 =	sld [smem:$0x3FA7]  }
0x30: {  	s3 =	sld [smem:$0x3FAA]  }
0x31: {  	[smem:$0x3FB3] =	sst s10  }
0x32: {  	s10 =	sld [smem:$0x3FB1];
	_ =	sdelay $0x3  }
0x33: {  	p0 =	seq.s32 s10, $0x1;
	s10 =	sld [smem:$0x3FB3];
	_ =	sdelay $0x3  }
0x34: {  	[smem:$0x3FB3] =	sst s10  }
0x35: {  	s10 =	sld [smem:$0x3FB2];
	_ =	sdelay $0x3  }
0x36: {  	p1 =	seq.s32 s10, $0x1;
	s10 =	sld [smem:$0x3FB3];
	_ =	sdelay $0x3  }
0x37: {  	[smem:$0x3FB3] =	sst s10  }
0x38: {  	s10 =	sld [smem:$0x3FB4]  }
0x39: {  	_ = 	snop;
	(pc) =	sbr.ind lr, $3  }
0x3a: {  	_ = 	snop  }
0x3b: {  	_ = 	snop  }
0x3c: {  	p2 =	seq.s32 s10, $0x1;
	s10 =	sld [smem:$0x3FB3]  }
0x3d: {  	_ =	shalt  }
0x3e: {  	_ =	shalt  }
0x3f: {  	_ =	shalt  }
0x40: {  	_ =	shalt  }
0x41: {  	_ =	shalt  }
0x42: {  	_ =	shalt  }
0x43: {  	_ =	shalt  }
0x44: {  	_ =	shalt  }
0x45: {  	_ =	shalt  }
0x46: {  	_ =	shalt  }
0x47: {  	_ =	shalt  }
0x48: {  	_ =	shalt  }
0x49: {  	_ =	shalt  }
0x4a: {  	_ =	shalt  }
0x4b: {  	_ =	shalt  }
0x4c: {  	_ =	shalt  }
0x4d: {  	_ =	shalt  }
0x4e: {  	_ =	shalt  }
0x4f: {  	_ =	shalt  }
0x50: {  	_ =	shalt  }
0x51: {  	_ =	shalt  }
0x52: {  	_ =	shalt  }
0x53: {  	_ =	shalt  }
0x54: {  	_ =	shalt  }
0x55: {  	_ =	shalt  }
0x56: {  	_ =	shalt  }
0x57: {  	_ =	shalt  }
0x58: {  	_ =	shalt  }
0x59: {  	_ =	shalt  }
0x5a: {  	_ =	shalt  }
0x5b: {  	_ =	shalt  }
0x5c: {  	_ =	shalt  }
0x5d: {  	_ =	shalt  }
0x5e: {  	_ =	shalt  }
0x5f: {  	_ =	shalt  }
0x60: {  	_ =	shalt  }
0x61: {  	_ =	shalt  }
0x62: {  	_ =	shalt  }
0x63: {  	_ =	shalt  }
0x64: {  	_ =	shalt  }
0x65: {  	_ =	shalt  }
0x66: {  	_ =	shalt  }
0x67: {  	_ =	shalt  }
0x68: {  	_ =	shalt  }
0x69: {  	_ =	shalt  }
0x6a: {  	_ =	shalt  }
0x6b: {  	_ =	shalt  }
0x6c: {  	_ =	shalt  }
0x6d: {  	_ =	shalt  }
0x6e: {  	_ =	shalt  }
0x6f: {  	_ =	shalt  }
0x70: {  	_ =	shalt  }
0x71: {  	_ =	shalt  }
0x72: {  	_ =	shalt  }
0x73: {  	_ =	shalt  }
0x74: {  	_ =	shalt  }
0x75: {  	_ =	shalt  }
0x76: {  	_ =	shalt  }
0x77: {  	_ =	shalt  }
0x78: {  	_ =	shalt  }
0x79: {  	_ =	shalt  }
0x7a: {  	_ =	shalt  }
0x7b: {  	_ =	shalt  }
0x7c: {  	_ =	shalt  }
0x7d: {  	_ =	shalt  }
0x7e: {  	_ =	shalt  }
0x7f: {  	_ =	shalt  }
0x80: {  	_ =	shalt  }
0x81: {  	_ =	shalt  }
0x82: {  	_ =	shalt  }
0x83: {  	_ =	shalt  }
0x84: {  	_ =	shalt  }
0x85: {  	_ =	shalt  }
0x86: {  	_ =	shalt  }
0x87: {  	_ =	shalt  }
.Lfunc_end0:
.L_simem_size_0:
called_computation.1_lowered:
.L_overlay_start_0:
0x88: {  	s2 =	sld [smem:$0x3FD9]  }
0x89: {  	s3 =	sld [smem:$0x3FFE];
	_ =	sdelay $0x1  }
0x8a: {  	s1 =	srdreg.scid  }
0x8b: {  	s0 =	sand.u32 $0x1, s1  }
0x8c: {  	s17 =	sshll.u32 s0, $0xA;
	s2 =	sadd.s32 s3, s2  }
0x8d: {  	s2 =	sadd.s32 s2, s17  }
0x8e: {  	[smem:$0x3FBF] =	sst s2  }
0x8f: {  	_ = 	snop  }
0x90: {  	s18 =	sld [smem:$0x3FC8];
	(tm) =	ssettm $0x1  }
0x91: {  	s19 =	sld [smem:$0x3FFB];
	_ =	sdelay $0x3  }
0x92: {  	_ =	strace s19  }
0x93: {  	s2 =	sld [smem:$0x3FFC];
	_ =	sdelay $0x3  }
0x94: {  	_ =	strace s2  }
0x95: {  	s2 =	sld [smem:$0x3FFD];
	_ =	sdelay $0x3  }
0x96: {  	_ =	strace s2  }
0x97: {  	_ =	strace $0x8FFFFFFF  }
0x98: {  	s20 =	sld [smem:$0x3FDB];
	_ =	sdelay $0x1  }
0x99: {  	s4 =	simm.s32 $_scs_section_size  }
0x9a: {  	s5 =	simm.s32 $_size__tile_overlayer_lowered;
	s6 =	simm.s32 $_tile_overlayer_lowered  }
0x9b: {  	s7 =	simm.s32 $0x1BFF;
	s21 =	sshll.u32 s6, $0x1;
	s4 =	sadd.s32 s4, s20  }
0x9c: {  	s22 =	simm.s32 $0x0;
	s5 =	sshll.u32 s5, $0x1;
	s6 =	sadd.s32 s21, s4  }
0x9d: {  	[timem:s22], [sflag:s7] =	dma.local [hbm:s6], s5  }
0x9e: {  	_ =	swait.ge [sflag:s7], s5  }
0x9f: {  	s5 =	ssub.s32 $0x0, s5;
	[sflag:s7] =	ssyncset.done $0x0  }
0xa0: {  	[sflag:s7] =	ssyncadd.s32 s5;
	_ =	sdelay $0x1  }
0xa1: {  	s23 =	simm.s32 $0x1B8B  }
0xa2: {  	_ =	swait.ge [sflag:s23], $0x1  }
0xa3: {  	[sflag:s23] =	ssyncset.done $0x0  }
0xa4: {  	[sflag:s23] =	ssyncadd.s32 $0xFFFFFFFF  }
0xa5: {  	s5 =	sld [smem:$0x0]  }
0xa6: {  	s6 =	sand.u32 $0xFFFFFFFE, s1  }
0xa7: {  	p0 =	sne.s32 s1, s6  }
0xa8: {  	s6 =	sshll.u32 @p0 s6, $0xE  }
0xa9: {  	s6 =	sadd.s32 @p0 $0x11B8D, s6;
	s7 =	sshll.u32 @p0 s5, $0x11  }
0xaa: {  	s6 =	sor.u32 @p0 s7, s6  }
0xab: {  	[sflag:s6] =	ssyncadd.remote.s32 @p0 $0x1;
	_ =	sdelay $0x1  }
0xac: {  	s6 =	simm.s32 @p0 $0x1B8D  }
0xad: {  	_ =	swait.eq @p0 [sflag:s6], $0x1  }
0xae: {  	[sflag:s6] =	ssyncadd.s32 @p0 $0xFFFFFFFF  }
0xaf: {  	s7 =	sshll.u32 @!p0 s1, $0xE  }
0xb0: {  	s7 =	sor.u32 @!p0 $0x4000, s7;
	s6 =	simm.s32 @!p0 $0x1B8D  }
0xb1: {  	s5 =	sshll.u32 @!p0 s5, $0x11;
	s7 =	sadd.s32 @!p0 $0x11B8D, s7;
	_ =	swait.eq @!p0 [sflag:s6], $0x1  }
0xb2: {  	s5 =	sor.u32 @!p0 s5, s7;
	[sflag:s6] =	ssyncadd.s32 @!p0 $0xFFFFFFFF  }
0xb3: {  	s25 =	simm.s32 $0x1B8E;
	s24 =	sld [smem:$0x3FFE];
	[sflag:s5] =	ssyncadd.remote.s32 @!p0 $0x1  }
0xb4: {  	s26 =	simm.s32 $execute0_lowered;
	[smem:$0x3FD2] =	sst s25  }
0xb5: {  	s6 =	sshll.u32 s26, $0x1;
	_ =	strace $0x80000049;
	[dreg:$0x1] =	wrdreg $0xFFFFFFFF  }
0xb6: {  	s28 =	simm.s32 $_size_execute0_lowered;
	s4 =	sadd.s32 s4, s6;
	[dreg:$0x0] =	wrdreg $0x0  }
0xb7: {  	s6 =	sshll.u32 s28, $0x1;
	[dreg:$0x2] =	wrdreg s4  }
0xb8: {  	[dreg:$0x3] =	wrdreg s6  }
0xb9: {  	[dreg:$0x4] =	wrdreg $0xC0  }
0xba: {  	_ =	task [dreg:s22], $0x5FFFF  }
0xbb: {  	[dreg:$0x1] =	wrdreg $0xFFFFFFFF  }
0xbc: {  	[dreg:$0x0] =	wrdreg $0x60  }
0xbd: {  	[dreg:$0x2] =	wrdreg s18  }
0xbe: {  	[dreg:$0x3] =	wrdreg s24  }
0xbf: {  	[dreg:$0x4] =	wrdreg $0xA  }
0xc0: {  	_ =	task.clear_ibuf [dreg:s22], $0x5FFFF;
	_ =	strace $0x90000049  }
0xc1: {  	s29 =	simm.s32 $0xA;
	_ =	strace $0x8000004B  }
0xc2: {  	_ =	swait.ge [sflag:s29], $0x1  }
0xc3: {  	[sflag:s29] =	ssyncadd.s32 $0xFFFFFFFF  }
0xc4: {  	_ =	strace $0x9000004B  }
0xc5: {  	_ =	sfence  }
0xc6: {  	s30 =	sld [smem:$0x0];
	_ =	sdelay $0x2  }
0xc7: {  	s31 =	sshll.u32 s1, $0xD;
	s1 =	sshrl.u32 s1, $0x2  }
0xc8: {  	s4 =	sand.u32 $0x4000, s31;
	s1 =	sadd.s32 s1, s30  }
0xc9: {  	s0 =	sor.u32 s4, s0;
	s1 =	sshll.u32 s1, $0x11  }
0xca: {  	s0 =	sor.u32 s1, s0  }
0xcb: {  	s0 =	sadd.s32 $0x8F2B, s0  }
0xcc: {  	[sflag:s0] =	ssyncadd.remote.s32 $0x1  }
0xcd: {  	_ =	sfence.sel $0xFFFF  }
0xce: {  	[dreg:$0x0] =	wrdreg $0xFFFFFFFF;
	(pc) =	sbr.abs _section_cstart, $3  }
0xcf: {  	[dreg:$0x1] =	wrdreg $0xFFFFFFFF  }
0xd0: {  	_ =	task.clear_ibuf [dreg:s22], $0x2FFFF;
	_ =	strace $0x9FFFFFFF  }
0xd1: {  	(tm) =	ssettm $0x7FFFFFFF  }
tec
execute0_lowered:
.L_overlay_start_1:
0x0: {  	(tag) =	ssettag $0x1  }
0x1: {  	s1 =	srdreg.scid  }
0x2: {  	s3 =	rddreg [dreg:$0x0];
	s0 =	stileid.u32;
	s15 =	sand.u32 $0x1, s1  }
0x3: {  	s12 =	rddreg [dreg:$0x1];
	s4 =	sshll.u32 s0, $0xA;
	s5 =	sshll.u32 s15, $0x9  }
0x4: {  	s2 =	simm.s32 $0x0;
	s1 =	rddreg [dreg:$0x2];
	s13 =	sor.u32 s5, s4  }
0x5: {  	[smem:$0x7FF] =	sst s2;
	s4 =	sshrl.u32 s13, $0x3  }
0x6: {  	_ =	strace $0x8000004A;
	s4 =	sadd.s32 s3, s4;
	s3 =	simm.s32 $0x4  }
0x7: {  	[tilespmem:s2], [sflag:$0x4] =	stream.linear.gather [hbm4b:s4+s2], $0x200, $0x38;
	[tilespmem:$0x6200] =	vst v63  }
0x8: {  	_ =	swait.ge [sflag:s3], $0x200  }
0x9: {  	[sflag:s3] =	ssyncset.done $0x0  }
0xa: {  	s6 =	simm.s32 $0x200;
	s5 =	sadd.s32 $0xBE00, s12;
	[sflag:s3] =	ssyncadd.s32 $0xFFFFFE00  }
0xb: {  	[tilespmem:s6], [sflag:$0x1] =	stream.indirect.gather [hbm4b:s5+s6], $0x10, s2, s6, $0xb8;
	[tilespmem:$0x6200] =	vst v63  }
0xc: {  	s8 =	simm.s32 $0x2200;
	s7 =	sadd.s32 $0x6DA00, s12  }
0xd: {  	[tilespmem:s8], [sflag:$0x2] =	stream.indirect.gather [hbm4b:s7+s6], $0x10, s2, s6, $0xb8;
	[tilespmem:$0x6200] =	vst v63  }
0xe: {  	s10 =	simm.s32 $0x4200;
	s11 =	simm.s32 $0x1;
	s9 =	sadd.s32 $0x3CC00, s12  }
0xf: {  	[tilespmem:s10], [sflag:$0x3] =	stream.indirect.gather [hbm4b:s9+s6], $0x10, s2, s6, $0xb8;
	[tilespmem:$0x6200] =	vst v63  }
0x10: {  	s13 =	sshll.u32 s13, $0x1;
	_ =	swait.ge [sflag:s11], $0x2000  }
0x11: {  	s16 =	sadd.s32 s13, s12;
	[sflag:s11] =	ssyncset.done $0x0  }
0x12: {  	s12 =	sadd.s32 $0xAE800, s16;
	[sflag:s11] =	ssyncadd.s32 $0xFFFFE000  }
0x13: {  	[hbm4b:s12+s2] =	stream.linear.scatter [tilespmem:s6], [sflag:$0x4], $0x2000, $0x38;
	[tilespmem:$0x6200] =	vst v63  }
0x14: {  	_ =	swait.ge [sflag:s3], $0x2000  }
0x15: {  	[sflag:s3] =	ssyncset.done $0x0  }
0x16: {  	s13 =	simm.s32 $0x2;
	[sflag:s3] =	ssyncadd.s32 $0xFFFFE000  }
0x17: {  	_ =	swait.ge [sflag:s13], $0x2000  }
0x18: {  	[sflag:s13] =	ssyncset.done $0x0  }
0x19: {  	s17 =	ssub.s32 $0x2, s15;
	s14 =	sadd.s32 $0x9E800, s16;
	[sflag:s13] =	ssyncadd.s32 $0xFFFFE000  }
0x1a: {  	[hbm4b:s14+s2] =	stream.linear.scatter [tilespmem:s8], [sflag:$0x4], $0x2000, $0x38;
	[tilespmem:$0x6200] =	vst v63  }
0x1b: {  	s18 =	sshrl.u32 s17, $0x1;
	_ =	swait.ge [sflag:s3], $0x2000  }
0x1c: {  	s17 =	ssub.s32 s17, s18;
	[sflag:s3] =	ssyncset.done $0x0  }
0x1d: {  	s15 =	simm.s32 $0x3;
	s17 =	smax.u32 s17, $0x1;
	[sflag:s3] =	ssyncadd.s32 $0xFFFFE000  }
0x1e: {  	p0 =	sne.s32 s17, $0x1;
	_ =	swait.ge [sflag:s15], $0x2000  }
.Ltmp0:
0x1f: {  	[sflag:s15] =	ssyncset.done $0x0;
	(pc) =	sbr.rel @!p0 .LBB2_2-.Ltmp0, $4  }
0x20: {  	s16 =	sadd.s32 $0xA6800, s16;
	[sflag:s15] =	ssyncadd.s32 $0xFFFFE000  }
0x21: {  	[hbm4b:s16+s2] =	stream.linear.scatter [tilespmem:s10], [sflag:$0x4], $0x2000, $0x38;
	[tilespmem:$0x6200] =	vst v63  }
0x22: {  	_ =	swait.ge [sflag:s3], $0x2000  }
0x23: {  	s17 =	sadd.s32 $0xFFFFFFFF, s17;
	[sflag:s3] =	ssyncset.done $0x0  }
.LBB2_1:
0x24: {  	p0 =	sne.s32 s17, $0x1;
	s17 =	sadd.s32 $0xFFFFFFFF, s17;
	[sflag:s3] =	ssyncadd.s32 $0xFFFFE000  }
0x25: {  	[tilespmem:s2], [sflag:$0x4] =	stream.linear.gather [hbm4b:s4+s2], $0x200, $0x38;
	[tilespmem:$0x6200] =	vst v63  }
0x26: {  	_ =	swait.ge [sflag:s3], $0x200  }
0x27: {  	[sflag:s3] =	ssyncset.done $0x0  }
0x28: {  	[sflag:s3] =	ssyncadd.s32 $0xFFFFFE00  }
0x29: {  	[tilespmem:s6], [sflag:$0x1] =	stream.indirect.gather [hbm4b:s5+s6], $0x10, s2, s6, $0xb8;
	[tilespmem:$0x6200] =	vst v63  }
0x2a: {  	_ = 	snop  }
0x2b: {  	[tilespmem:s8], [sflag:$0x2] =	stream.indirect.gather [hbm4b:s7+s6], $0x10, s2, s6, $0xb8;
	[tilespmem:$0x6200] =	vst v63  }
0x2c: {  	_ = 	snop  }
0x2d: {  	[tilespmem:s10], [sflag:$0x3] =	stream.indirect.gather [hbm4b:s9+s6], $0x10, s2, s6, $0xb8;
	[tilespmem:$0x6200] =	vst v63  }
0x2e: {  	_ =	swait.ge [sflag:s11], $0x2000  }
0x2f: {  	[sflag:s11] =	ssyncset.done $0x0  }
0x30: {  	[sflag:s11] =	ssyncadd.s32 $0xFFFFE000  }
0x31: {  	[hbm4b:s12+s2] =	stream.linear.scatter [tilespmem:s6], [sflag:$0x4], $0x2000, $0x38;
	[tilespmem:$0x6200] =	vst v63  }
0x32: {  	_ =	swait.ge [sflag:s3], $0x2000  }
0x33: {  	[sflag:s3] =	ssyncset.done $0x0  }
0x34: {  	[sflag:s3] =	ssyncadd.s32 $0xFFFFE000  }
0x35: {  	_ =	swait.ge [sflag:s13], $0x2000  }
0x36: {  	[sflag:s13] =	ssyncset.done $0x0  }
0x37: {  	[sflag:s13] =	ssyncadd.s32 $0xFFFFE000  }
0x38: {  	[hbm4b:s14+s2] =	stream.linear.scatter [tilespmem:s8], [sflag:$0x4], $0x2000, $0x38;
	[tilespmem:$0x6200] =	vst v63  }
0x39: {  	_ =	swait.ge [sflag:s3], $0x2000  }
0x3a: {  	[sflag:s3] =	ssyncset.done $0x0  }
0x3b: {  	[sflag:s3] =	ssyncadd.s32 $0xFFFFE000  }
0x3c: {  	_ =	swait.ge [sflag:s15], $0x2000  }
.Ltmp1:
0x3d: {  	[sflag:s15] =	ssyncset.done $0x0;
	(pc) =	sbr.rel @p0 .LBB2_1-.Ltmp1, $4  }
0x3e: {  	[sflag:s15] =	ssyncadd.s32 $0xFFFFE000  }
0x3f: {  	[hbm4b:s16+s2] =	stream.linear.scatter [tilespmem:s10], [sflag:$0x4], $0x2000, $0x38;
	[tilespmem:$0x6200] =	vst v63  }
0x40: {  	_ =	swait.ge [sflag:s3], $0x2000  }
0x41: {  	[sflag:s3] =	ssyncset.done $0x0  }
.LBB2_2:
0x42: {  	[sflag:s3] =	ssyncadd.s32 $0xFFFFE000  }
0x43: {  	_ =	sfence.sel $0x180000  }
0x44: {  	[bflag:$0x0] =	sbarrier.arrive $0xFFFF  }
0x45: {  	p0 =	sne.s32 s0, $0x0;
	_ =	strace $0x9000004A  }
0x46: {  	s0 =	sadd.s32 @!p0 $0x100000, s1;
	[bflag:$0x2] =	sbarrier.arrive $0xFFFF  }
0x47: {  	[sflag:s0] =	ssyncadd.tile.s32 @!p0 $0x1;
	_ =	shalt  }
.Lfunc_end2:
_tile_overlayer_lowered:
.L_overlay_start_2:
0x48: {  	(tag) =	ssettag $0x2  }
0x49: {  	s0 =	rddreg [dreg:$0x0];
	s2 =	stileid.u32  }
0x4a: {  	s1 =	rddreg [dreg:$0x1];
	p0 =	sne.s32 s2, $0x0  }
0x4b: {  	s3 =	rddreg [dreg:$0x2];
	[bflag:$0x3] =	sbarrier.arrive $0xFFFF;
	s2 =	simm.s32 @!p0 $0x1C04  }
0x4c: {  	[timem:s3], [sflag:s2] =	dma.local @!p0 [hbm:s0], s1  }
0x4d: {  	s0 =	simm.s32 @!p0 $0x4  }
0x4e: {  	_ =	swait.ge @!p0 [sflag:s0], s1  }
0x4f: {  	s1 =	ssub.s32 @!p0 $0x0, s1;
	[sflag:s0] =	ssyncset.done @!p0 $0x0  }
0x50: {  	[sflag:s0] =	ssyncadd.s32 @!p0 s1  }
0x51: {  	[bflag:$0x3] =	sbarrier.arrive $0xFFFF  }
0x52: {  	_ =	shalt  }

// kernel: kernel.14.cloned.1.call-start
scs
__scs_entry_jumppad:
0x0: {  	(pc) =	sbr.rel $0x88, $3  }
0x1: {  	(tag) =	ssettag $0x0;
	lr =	simm.s32 $0x1  }
0x2: {  	[smem:$0x3F98] =	sst lr;
	_ =	strace $0xD0000000  }
0x3: {  	_ = 	snop  }
0x4: {  	_ = 	snop  }
0x5: {  	_ = 	snop  }
0x6: {  	_ = 	snop  }
0x7: {  	_ = 	snop  }
__scs_overlays_trampoline_lowered:
0x8: {  	[smem:$0x3FA7] =	sst s0  }
0x9: {  	[smem:$0x3FA8] =	sst s1  }
0xa: {  	[smem:$0x3FA9] =	sst s2  }
0xb: {  	[smem:$0x3FAA] =	sst s3  }
0xc: {  	[smem:$0x3FAB] =	sst s4  }
0xd: {  	[smem:$0x3FAC] =	sst s5  }
0xe: {  	[smem:$0x3FAD] =	sst s6  }
0xf: {  	[smem:$0x3FAE] =	sst s7  }
0x10: {  	[smem:$0x3FAF] =	sst s8  }
0x11: {  	[smem:$0x3FB0] =	sst s9;
	s0 =	simm.s32 @!p0 $0x0  }
0x12: {  	s1 =	sld [smem:$0x3F96];
	s0 =	simm.s32 @p0 $0x1  }
0x13: {  	[smem:$0x3FB1] =	sst s0;
	s0 =	simm.s32 @!p1 $0x0  }
0x14: {  	s2 =	sld [smem:$0x3F95];
	s0 =	simm.s32 @p1 $0x1  }
0x15: {  	[smem:$0x3FB2] =	sst s0;
	s0 =	simm.s32 @!p2 $0x0  }
0x16: {  	s3 =	sld [smem:$0x3FDB];
	s0 =	simm.s32 @p2 $0x1  }
0x17: {  	s4 =	simm.s32 $0x1BF5;
	[smem:$0x3FB4] =	sst s0  }
0x18: {  	s0 =	sld [smem:$0x3F97];
	_ =	swait.ge [sflag:s4], $0x0  }
0x19: {  	s7 =	sld [smem:$0x3F98]  }
0x1a: {  	s8 =	sadd.s32 $0xFFFFE003, lr  }
0x1b: {  	s9 =	sadd.s32 $0xFFFFFEF7, lr;
	s5 =	simm.s32 $0xFFFFFFFF;
	p2 =	slt.u32 s8, $0xFFFFF086  }
0x1c: {  	p1 =	slt.u32 s9, $0xF7A;
	s5 =	simm.s32 @!p2 $0x0  }
0x1d: {  	s5 =	simm.s32 @p1 $0x1;
	p0 =	seq.s32 s7, s2  }
0x1e: {  	s7 =	smul.u32 @!p0 $0xF7A, s2;
	p2 =	seq.s32 @!p0 s5, $0x0  }
0x1f: {  	s9 =	smul.u32 $0xF7A, s1;
	s8 =	simm.s32 @!p0 $0x1BF5;
	p2 =	por !p2, p0  }
0x20: {  	[sflag:s8] =	ssyncset.s32 @!p0 $0xFFFFF086;
	s6 =	sadd.s32 @!p0 s3, s7;
	s7 =	simm.s32 @!p0 $0x108  }
0x21: {  	s3 =	sadd.s32 s3, s9;
	s6 =	sadd.s32 @!p0 $0x88, s6;
	s7 =	simm.s32 @p2 $0x1082  }
0x22: {  	[simem:s7], [sflag:s8] =	dma.local @!p0 [hbm:s6], $0xF7A  }
0x23: {  	s9 =	sor.u32 $0xD0000000, s2;
	s6 =	simm.s32 $0x108;
	_ =	swait.ge @!p0 [sflag:s8], $0x0  }
0x24: {  	s3 =	sadd.s32 $0x88, s3;
	s6 =	simm.s32 @!p1 $0x1082;
	[sflag:s4] =	ssyncset.s32 $0xFFFFF086  }
0x25: {  	[simem:s6], [sflag:s4] =	dma.local [hbm:s3], $0xF7A  }
0x26: {  	[smem:$0x3F98] =	sst s1;
	(tag) =	ssettag s2;
	_ =	strace s9  }
0x27: {  	s1 =	sld [smem:$0x3FA8]  }
0x28: {  	s2 =	sld [smem:$0x3FA9]  }
0x29: {  	s4 =	sld [smem:$0x3FAB]  }
0x2a: {  	p0 =	seq.s32 s5, $0x0;
	s5 =	sld [smem:$0x3FAC]  }
0x2b: {  	s6 =	sld [smem:$0x3FAD]  }
0x2c: {  	s7 =	sld [smem:$0x3FAE]  }
0x2d: {  	s3 =	simm.s32 $0x108;
	s8 =	sld [smem:$0x3FAF]  }
0x2e: {  	s3 =	simm.s32 @!p0 $0x1082;
	s9 =	sld [smem:$0x3FB0]  }
0x2f: {  	lr =	sadd.s32 s0, s3;
	s0 =	sld [smem:$0x3FA7]  }
0x30: {  	s3 =	sld [smem:$0x3FAA]  }
0x31: {  	[smem:$0x3FB3] =	sst s10  }
0x32: {  	s10 =	sld [smem:$0x3FB1];
	_ =	sdelay $0x3  }
0x33: {  	p0 =	seq.s32 s10, $0x1;
	s10 =	sld [smem:$0x3FB3];
	_ =	sdelay $0x3  }
0x34: {  	[smem:$0x3FB3] =	sst s10  }
0x35: {  	s10 =	sld [smem:$0x3FB2];
	_ =	sdelay $0x3  }
0x36: {  	p1 =	seq.s32 s10, $0x1;
	s10 =	sld [smem:$0x3FB3];
	_ =	sdelay $0x3  }
0x37: {  	[smem:$0x3FB3] =	sst s10  }
0x38: {  	s10 =	sld [smem:$0x3FB4]  }
0x39: {  	_ = 	snop;
	(pc) =	sbr.ind lr, $3  }
0x3a: {  	_ = 	snop  }
0x3b: {  	_ = 	snop  }
0x3c: {  	p2 =	seq.s32 s10, $0x1;
	s10 =	sld [smem:$0x3FB3]  }
0x3d: {  	_ =	shalt  }
0x3e: {  	_ =	shalt  }
0x3f: {  	_ =	shalt  }
0x40: {  	_ =	shalt  }
0x41: {  	_ =	shalt  }
0x42: {  	_ =	shalt  }
0x43: {  	_ =	shalt  }
0x44: {  	_ =	shalt  }
0x45: {  	_ =	shalt  }
0x46: {  	_ =	shalt  }
0x47: {  	_ =	shalt  }
0x48: {  	_ =	shalt  }
0x49: {  	_ =	shalt  }
0x4a: {  	_ =	shalt  }
0x4b: {  	_ =	shalt  }
0x4c: {  	_ =	shalt  }
0x4d: {  	_ =	shalt  }
0x4e: {  	_ =	shalt  }
0x4f: {  	_ =	shalt  }
0x50: {  	_ =	shalt  }
0x51: {  	_ =	shalt  }
0x52: {  	_ =	shalt  }
0x53: {  	_ =	shalt  }
0x54: {  	_ =	shalt  }
0x55: {  	_ =	shalt  }
0x56: {  	_ =	shalt  }
0x57: {  	_ =	shalt  }
0x58: {  	_ =	shalt  }
0x59: {  	_ =	shalt  }
0x5a: {  	_ =	shalt  }
0x5b: {  	_ =	shalt  }
0x5c: {  	_ =	shalt  }
0x5d: {  	_ =	shalt  }
0x5e: {  	_ =	shalt  }
0x5f: {  	_ =	shalt  }
0x60: {  	_ =	shalt  }
0x61: {  	_ =	shalt  }
0x62: {  	_ =	shalt  }
0x63: {  	_ =	shalt  }
0x64: {  	_ =	shalt  }
0x65: {  	_ =	shalt  }
0x66: {  	_ =	shalt  }
0x67: {  	_ =	shalt  }
0x68: {  	_ =	shalt  }
0x69: {  	_ =	shalt  }
0x6a: {  	_ =	shalt  }
0x6b: {  	_ =	shalt  }
0x6c: {  	_ =	shalt  }
0x6d: {  	_ =	shalt  }
0x6e: {  	_ =	shalt  }
0x6f: {  	_ =	shalt  }
0x70: {  	_ =	shalt  }
0x71: {  	_ =	shalt  }
0x72: {  	_ =	shalt  }
0x73: {  	_ =	shalt  }
0x74: {  	_ =	shalt  }
0x75: {  	_ =	shalt  }
0x76: {  	_ =	shalt  }
0x77: {  	_ =	shalt  }
0x78: {  	_ =	shalt  }
0x79: {  	_ =	shalt  }
0x7a: {  	_ =	shalt  }
0x7b: {  	_ =	shalt  }
0x7c: {  	_ =	shalt  }
0x7d: {  	_ =	shalt  }
0x7e: {  	_ =	shalt  }
0x7f: {  	_ =	shalt  }
0x80: {  	_ =	shalt  }
0x81: {  	_ =	shalt  }
0x82: {  	_ =	shalt  }
0x83: {  	_ =	shalt  }
0x84: {  	_ =	shalt  }
0x85: {  	_ =	shalt  }
0x86: {  	_ =	shalt  }
0x87: {  	_ =	shalt  }
.Lfunc_end0:
.L_simem_size_0:
called_computation.2_lowered:
.L_overlay_start_0:
0x88: {  	s2 =	sld [smem:$0x3FD9]  }
0x89: {  	s3 =	sld [smem:$0x3FFE];
	_ =	sdelay $0x1  }
0x8a: {  	s1 =	srdreg.scid  }
0x8b: {  	s0 =	sand.u32 $0x1, s1  }
0x8c: {  	s16 =	sshll.u32 s0, $0xA;
	s2 =	sadd.s32 s3, s2  }
0x8d: {  	s2 =	sadd.s32 s2, s16  }
0x8e: {  	[smem:$0x3FBF] =	sst s2  }
0x8f: {  	_ = 	snop  }
0x90: {  	(tm) =	ssettm $0x1  }
0x91: {  	s17 =	sld [smem:$0x3FFB];
	_ =	sdelay $0x3  }
0x92: {  	_ =	strace s17  }
0x93: {  	s2 =	sld [smem:$0x3FFC];
	_ =	sdelay $0x3  }
0x94: {  	_ =	strace s2  }
0x95: {  	s2 =	sld [smem:$0x3FFD];
	_ =	sdelay $0x3  }
0x96: {  	_ =	strace s2  }
0x97: {  	_ =	strace $0x8FFFFFFF  }
0x98: {  	s18 =	sld [smem:$0x3FDB];
	_ =	sdelay $0x1  }
0x99: {  	s19 =	simm.s32 $_scs_section_size  }
0x9a: {  	s4 =	simm.s32 $_size__tile_overlayer_lowered;
	s5 =	simm.s32 $_tile_overlayer_lowered  }
0x9b: {  	s22 =	simm.s32 $0x1BFF;
	s21 =	sshll.u32 s5, $0x1;
	s2 =	sadd.s32 s19, s18  }
0x9c: {  	s6 =	simm.s32 $0x0;
	s20 =	sshll.u32 s4, $0x1;
	s4 =	sadd.s32 s21, s2  }
0x9d: {  	[timem:s6], [sflag:s22] =	dma.local [hbm:s4], s20  }
0x9e: {  	_ =	swait.ge [sflag:s22], s20  }
0x9f: {  	s3 =	ssub.s32 $0x0, s20;
	[sflag:s22] =	ssyncset.done $0x0  }
0xa0: {  	[sflag:s22] =	ssyncadd.s32 s3;
	_ =	sdelay $0x1  }
0xa1: {  	s23 =	simm.s32 $0x1B8B  }
0xa2: {  	_ =	swait.ge [sflag:s23], $0x1  }
0xa3: {  	[sflag:s23] =	ssyncset.done $0x0  }
0xa4: {  	s25 =	simm.s32 $0x1B8E;
	s24 =	sld [smem:$0x3FFE];
	[sflag:s23] =	ssyncadd.s32 $0xFFFFFFFF  }
0xa5: {  	s26 =	simm.s32 $execute0_lowered;
	[smem:$0x3FD2] =	sst s25  }
0xa6: {  	s4 =	sshll.u32 s26, $0x1;
	_ =	strace $0x8000004C;
	[dreg:$0x1] =	wrdreg $0xFFFFFFFF  }
0xa7: {  	s28 =	simm.s32 $_size_execute0_lowered;
	s2 =	sadd.s32 s2, s4;
	[dreg:$0x0] =	wrdreg $0x0  }
0xa8: {  	s4 =	sshll.u32 s28, $0x1;
	[dreg:$0x2] =	wrdreg s2  }
0xa9: {  	[dreg:$0x3] =	wrdreg s4  }
0xaa: {  	[dreg:$0x4] =	wrdreg $0xC0  }
0xab: {  	_ =	task [dreg:s6], $0x5FFFF  }
0xac: {  	[dreg:$0x1] =	wrdreg $0xFFFFFFFF  }
0xad: {  	[dreg:$0x0] =	wrdreg $0x60  }
0xae: {  	[dreg:$0x2] =	wrdreg s24  }
0xaf: {  	[dreg:$0x3] =	wrdreg $0x9  }
0xb0: {  	_ =	task.clear_ibuf [dreg:s6], $0x4FFFF;
	_ =	strace $0x9000004C  }
0xb1: {  	s29 =	simm.s32 $0x9;
	_ =	strace $0x8000004E  }
0xb2: {  	_ =	swait.ge [sflag:s29], $0x1  }
0xb3: {  	[sflag:s29] =	ssyncadd.s32 $0xFFFFFFFF  }
0xb4: {  	_ =	strace $0x9000004E  }
0xb5: {  	_ =	sfence  }
0xb6: {  	s30 =	sld [smem:$0x0];
	_ =	sdelay $0x2  }
0xb7: {  	s31 =	sshll.u32 s1, $0xD;
	s1 =	sshrl.u32 s1, $0x2  }
0xb8: {  	s3 =	sand.u32 $0x4000, s31;
	s1 =	sadd.s32 s1, s30  }
0xb9: {  	s0 =	sor.u32 s3, s0;
	s1 =	sshll.u32 s1, $0x11  }
0xba: {  	s0 =	sor.u32 s1, s0  }
0xbb: {  	s0 =	sadd.s32 $0x8F2B, s0  }
0xbc: {  	[sflag:s0] =	ssyncadd.remote.s32 $0x1  }
0xbd: {  	_ =	sfence.sel $0xFFFF  }
0xbe: {  	[dreg:$0x0] =	wrdreg $0xFFFFFFFF;
	(pc) =	sbr.abs _section_cstart, $3  }
0xbf: {  	[dreg:$0x1] =	wrdreg $0xFFFFFFFF  }
0xc0: {  	_ =	task.clear_ibuf [dreg:s6], $0x2FFFF;
	_ =	strace $0x9FFFFFFF  }
0xc1: {  	(tm) =	ssettm $0x7FFFFFFF  }
tec
execute0_lowered:
.L_overlay_start_1:
0x0: {  	(tag) =	ssettag $0x1  }
0x1: {  	s0 =	rddreg [dreg:$0x0]  }
0x2: {  	s1 =	srdreg.scid;
	s3 =	stileid.u32;
	s2 =	simm.s32 $0x0  }
0x3: {  	s15 =	simm.s32 $0x7;
	s18 =	simm.s32 $0x8000;
	s19 =	simm.s32 $0x200  }
0x4: {  	s28 =	simm.s32 $0x1;
	s29 =	simm.s32 $0x2;
	s30 =	simm.s32 $0x3  }
0x5: {  	s16 =	simm.s32 $0x6;
	s1 =	sand.u32 $0x1, s1;
	s3 =	sshll.u32 s3, $0x1  }
0x6: {  	[smem:$0x7FF] =	sst s2;
	s5 =	sadd.s32 $0x6DA00, s0;
	s6 =	sadd.s32 $0x3CC00, s0  }
0x7: {  	s7 =	sadd.s32 $0xC6800, s0;
	s8 =	sadd.s32 $0x146800, s0;
	s10 =	sor.u32 s1, s3  }
0x8: {  	_ =	strace $0x8000004D;
	s3 =	sadd.s32 $0x9E800, s0;
	s1 =	ssub.s32 $0x2, s1  }
0x9: {  	s4 =	sshll.u32 s10, $0xB;
	s9 =	sshll.u32 s10, $0xA;
	s23 =	sshrl.u32 s1, $0x1  }
0xa: {  	s31 =	sshll.u32 s10, $0xD;
	s11 =	sadd.s32 s4, s0;
	s4 =	sadd.s32 $0xBE00, s0  }
0xb: {  	s12 =	sadd.s32 s9, s0;
	[dreg:$0x5] =	wrdreg s31;
	s24 =	sadd.s32 $0xB6800, s11  }
0xc: {  	s9 =	sadd.s32 $0x1C6800, s0;
	s25 =	sadd.s32 $0xA6800, s12;
	[dreg:$0x2] =	wrdreg s24  }
0xd: {  	s0 =	ssub.s32 s1, s23;
	s26 =	sadd.s32 $0x3E00, s12;
	[dreg:$0x3] =	wrdreg s25  }
0xe: {  	s23 =	simm.s32 $0x8200;
	s0 =	smax.u32 s0, $0x1;
	[dreg:$0x4] =	wrdreg s26  }
0xf: {  	s1 =	simm.s32 $0x5;
	s11 =	simm.s32 $0x0;
	[dreg:$0x6] =	wrdreg s0  }
0x10: {  	s24 =	simm.s32 $0xA400;
	s25 =	simm.s32 $0xE400;
	s0 =	simm.s32 $0x4  }
.LBB2_1:
0x11: {  	[dreg:$0x7] =	wrdreg s11  }
0x12: {  	s10 =	rddreg [dreg:$0x2]  }
0x13: {  	[tilespmem:s2], [sflag:$0x7] =	stream.linear.gather [hbm4b:s10+s2], $0x4000, $0x38;
	[tilespmem:$0x18400] =	vst v63  }
0x14: {  	_ =	swait.ge [sflag:s15], $0x4000  }
0x15: {  	[sflag:s15] =	ssyncset.done $0x0  }
0x16: {  	s22 =	simm.s32 $0x4000;
	s21 =	rddreg [dreg:$0x3];
	[sflag:s15] =	ssyncadd.s32 $0xFFFFC000  }
0x17: {  	[tilespmem:s22], [sflag:$0x7] =	stream.linear.gather [hbm4b:s21+s2], $0x2000, $0x38;
	[tilespmem:$0x18400] =	vst v63  }
0x18: {  	_ =	swait.ge [sflag:s15], $0x2000  }
0x19: {  	[sflag:s15] =	ssyncset.done $0x0  }
0x1a: {  	s26 =	simm.s32 $0x4020;
	[sflag:s15] =	ssyncadd.s32 $0xFFFFE000  }
0x1b: {  	v0 =	vld [tilespmem:s26+$0x10]  }
0x1c: {  	v1 =	vld [tilespmem:s26+$0xFFFFFFE0];
	_ =	sdelay $0x3  }
0x1d: {  	s31 =	simm.s32 $0x60;
	s12 =	simm.s32 $0x4060;
	v2 =	vld [tilespmem:s26+$0xFFFFFFF0];
	v3 =	vand.u32 $0xFFFFFFF8, v0  }
0x1e: {  	s13 =	simm.s32 $0x0;
	v4 =	vld [tilespmem:s12+$0x10];
	v0 =	vand.u32 $0x7, v0;
	v5 =	vand.u32 $0xFFFFFFF8, v1;
	v3 =	vadd.s32 s31, v3  }
0x1f: {  	v6 =	vld [tilespmem:s26+$0x0];
	v1 =	vand.u32 $0x7, v1;
	v0 =	vor.u32 v0, v3;
	v3 =	vadd.s32 s13, v5  }
0x20: {  	v1 =	vor.u32 v1, v3  }
0x21: {  	v7 =	vld [tilespmem:s12+$0xFFFFFFF0]  }
0x22: {  	v3 =	vld [tilespmem:s12+$0xFFFFFFE0]  }
0x23: {  	s11 =	simm.s32 $0x20;
	v8 =	vld [tilespmem:s12+$0x0];
	v9 =	vand.u32 $0xFFFFFFF8, v4;
	v5 =	vand.u32 $0xFFFFFFF8, v2  }
0x24: {  	v10 =	vand.u32 $0xFFFFFFF8, v6;
	v2 =	vand.u32 $0x7, v2;
	v5 =	vadd.s32 s11, v5;
	s12 =	simm.s32 $0xE0;
	v11 =	vld.idx.msk [tilespmem:v0+s2+$0x0], $0xffff  }
0x25: {  	s14 =	simm.s32 $0x40A0;
	s13 =	simm.s32 $0x40;
	v5 =	vor.u32 v2, v5;
	v0 =	vand.u32 $0x7, v4;
	v4 =	vadd.s32 s12, v9;
	v12 =	vld.idx.msk [tilespmem:v1+s2+$0x0], $0xffff  }
0x26: {  	v9 =	vadd.s32 s13, v10;
	v0 =	vor.u32 v0, v4;
	v1 =	vand.u32 $0x7, v6;
	v6 =	vld [tilespmem:s14+$0x10]  }
0x27: {  	s17 =	simm.s32 $0x80;
	v2 =	vand.u32 $0xFFFFFFF8, v3;
	v9 =	vor.u32 v1, v9;
	v1 =	vld [tilespmem:s14+$0xFFFFFFF0]  }
0x28: {  	v10 =	vand.u32 $0xFFFFFFF8, v7;
	v4 =	vand.u32 $0x7, v3;
	v3 =	vld [tilespmem:s14+$0x0];
	v2 =	vadd.s32 s17, v2  }
0x29: {  	s20 =	simm.s32 $0xA0;
	s21 =	simm.s32 $0xC0;
	v14 =	vld [tilespmem:s14+$0xFFFFFFE0];
	v7 =	vand.u32 $0x7, v7;
	v13 =	vor.u32 v4, v2;
	v4 =	vand.u32 $0xFFFFFFF8, v8  }
0x2a: {  	v5 =	vld.idx.msk [tilespmem:v5+s2+$0x0], $0xffff;
	v2 =	vadd.s32 s20, v10;
	v8 =	vand.u32 $0x7, v8;
	v10 =	vadd.s32 s21, v4  }
0x2b: {  	s22 =	simm.s32 $0x160;
	v2 =	vor.u32 v7, v2;
	v4 =	vld.idx.msk [tilespmem:v0+s2+$0x0], $0xffff;
	v0 =	vor.u32 v8, v10;
	v7 =	vand.u32 $0xFFFFFFF8, v6  }
0x2c: {  	s10 =	simm.s32 $0x6020;
	s26 =	simm.s32 $0x120;
	s12 =	simm.s32 $0x40E0;
	v15 =	vand.u32 $0x7, v6;
	v8 =	vand.u32 $0xFFFFFFF8, v1;
	v7 =	vadd.s32 s22, v7;
	v6 =	vld.idx.msk [tilespmem:v9+s2+$0x0], $0xffff  }
0x2d: {  	s31 =	simm.s32 $0x140;
	s11 =	simm.s32 $0x6020;
	[tilespmem:s10+$0x10] =	vst v11;
	v11 =	vand.u32 $0xFFFFFFF8, v3;
	v9 =	vld [tilespmem:s12+$0x10];
	v10 =	vadd.s32 s26, v8;
	v8 =	vor.u32 v15, v7  }
0x2e: {  	s13 =	simm.s32 $0x10;
	s14 =	simm.s32 $0xC;
	s17 =	simm.s32 $0x100;
	[tilespmem:s10+$0xFFFFFFE0] =	vst v12;
	v12 =	vand.u32 $0x7, v14;
	v11 =	vadd.s32 s31, v11;
	v7 =	vld.idx.msk [tilespmem:v13+s2+$0x0], $0xffff;
	v13 =	vand.u32 $0xFFFFFFF8, v14  }
.LBB2_2:
0x2f: {  	p0 =	slt.u32 s13, $0x1FC;
	v13 =	vadd.s32 s17, v13;
	v14 =	vand.u32 $0x7, v1;
	v1 =	vld [tilespmem:s12+$0xFFFFFFF0];
	v15 =	vand.u32 $0x7, v3;
	s10 =	sadd.s32 $0x40, s10  }
0x30: {  	v3 =	vld [tilespmem:s12+$0x0];
	v12 =	vor.u32 v12, v13;
	v10 =	vor.u32 v14, v10;
	v11 =	vor.u32 v15, v11;
	[tilespmem:s10+$0x10] =	vst v4  }
0x31: {  	v14 =	vld [tilespmem:s12+$0xFFFFFFE0];
	[tilespmem:s11+$0xFFFFFFF0] =	vst v5  }
.Ltmp0:
0x32: {  	s17 =	sshll.u32 s14, $0x5;
	v4 =	vld.idx.msk [tilespmem:v8+s2+$0x0], $0xffff;
	[tilespmem:s11+$0x0] =	vst v6;
	s11 =	smov.u32 s10;
	(pc) =	sbr.rel @p0 .LBB2_2-.Ltmp0, $4  }
0x33: {  	s20 =	sadd.s32 $0x20, s17;
	s22 =	sadd.s32 $0x40, s17;
	s14 =	sadd.s32 $0x60, s17;
	v6 =	vand.u32 $0xFFFFFFF8, v9;
	[tilespmem:s10+$0xFFFFFFE0] =	vst v7;
	v5 =	vld.idx.msk [tilespmem:v2+s2+$0x0], $0xffff;
	v2 =	vmov v10  }
0x34: {  	v8 =	vand.u32 $0x7, v9;
	v7 =	vand.u32 $0xFFFFFFF8, v1;
	v9 =	vadd.s32 s14, v6;
	v6 =	vld.idx.msk [tilespmem:v0+s2+$0x0], $0xffff;
	v0 =	vmovc v11;
	s14 =	smov.u32 s13  }
0x35: {  	s12 =	sadd.s32 $0x40, s12;
	v10 =	vadd.s32 s20, v7;
	v11 =	vand.u32 $0xFFFFFFF8, v3;
	v8 =	vor.u32 v8, v9;
	v7 =	vld.idx.msk [tilespmem:v12+s2+$0x0], $0xffff  }
0x36: {  	s13 =	sadd.s32 $0x4, s13;
	v9 =	vld [tilespmem:s12+$0x10];
	v13 =	vand.u32 $0xFFFFFFF8, v14;
	v12 =	vand.u32 $0x7, v14;
	v11 =	vadd.s32 s22, v11  }
0x37: {  	v14 =	vld [tilespmem:s12+$0xFFFFFFF0]  }
0x38: {  	v15 =	vld [tilespmem:s12+$0xFFFFFFE0]  }
0x39: {  	v16 =	vld [tilespmem:s12+$0x0]  }
0x3a: {  	v13 =	vadd.s32 s17, v13;
	s13 =	sshll.u32 s14, $0x5;
	v1 =	vand.u32 $0x7, v1;
	v3 =	vand.u32 $0x7, v3  }
0x3b: {  	v12 =	vor.u32 v12, v13;
	s17 =	sadd.s32 $0x60, s13;
	v1 =	vor.u32 v1, v10;
	v49 =	vand.u32 $0xFFFFFFF8, v9  }
0x3c: {  	v3 =	vor.u32 v3, v11;
	v50 =	vand.u32 $0x7, v9;
	v13 =	vadd.s32 s17, v49  }
0x3d: {  	s10 =	sadd.s32 $0x40, s10;
	v8 =	vld.idx.msk [tilespmem:v8+s2+$0x0], $0xffff;
	v51 =	vand.u32 $0xFFFFFFF8, v14;
	v52 =	vand.u32 $0xFFFFFFF8, v15;
	v54 =	vand.u32 $0x7, v15  }
0x3e: {  	v2 =	vld.idx.msk [tilespmem:v2+s2+$0x0], $0xffff;
	s20 =	sadd.s32 $0x20, s13;
	[tilespmem:s10+$0x10] =	vst v4;
	v55 =	vand.u32 $0xFFFFFFF8, v16;
	v9 =	vor.u32 v50, v13;
	v11 =	vadd.s32 s13, v52  }
0x3f: {  	v0 =	vld.idx.msk [tilespmem:v0+s2+$0x0], $0xffff;
	[tilespmem:s11+$0xFFFFFFF0] =	vst v5;
	s21 =	sadd.s32 $0x40, s13;
	v56 =	vand.u32 $0x7, v14;
	v53 =	vadd.s32 s20, v51;
	v10 =	vor.u32 v54, v11  }
0x40: {  	[tilespmem:s11+$0x0] =	vst v6;
	v58 =	vand.u32 $0x7, v16;
	v57 =	vld.idx.msk [tilespmem:v12+s2+$0x0], $0xffff;
	v5 =	vadd.s32 s21, v55;
	v4 =	vor.u32 v56, v53  }
0x41: {  	s22 =	sadd.s32 $0x40, s10;
	[tilespmem:s10+$0xFFFFFFE0] =	vst v7;
	v1 =	vld.idx.msk [tilespmem:v1+s2+$0x0], $0xffff;
	v5 =	vor.u32 v58, v5  }
0x42: {  	[tilespmem:s22+$0x10] =	vst v8;
	v60 =	vld.idx.msk [tilespmem:v3+s2+$0x0], $0xffff  }
0x43: {  	[tilespmem:s10+$0xFFFFFFF0] =	vst v2;
	v59 =	vld.idx.msk [tilespmem:v9+s2+$0x0], $0xffff  }
0x44: {  	[tilespmem:s10+$0x0] =	vst v0;
	v61 =	vld.idx.msk [tilespmem:v10+s2+$0x0], $0xffff  }
0x45: {  	[tilespmem:s22+$0xFFFFFFE0] =	vst v57;
	v62 =	vld.idx.msk [tilespmem:v4+s2+$0x0], $0xffff  }
0x46: {  	[tilespmem:s22+$0xFFFFFFF0] =	vst v1;
	v63 =	vld.idx.msk [tilespmem:v5+s2+$0x0], $0xffff  }
0x47: {  	s26 =	sadd.s32 $0x40, s22;
	[tilespmem:s22+$0x0] =	vst v60  }
0x48: {  	[tilespmem:s26+$0x10] =	vst v59  }
0x49: {  	[tilespmem:s26+$0xFFFFFFE0] =	vst v61  }
0x4a: {  	[tilespmem:s26+$0xFFFFFFF0] =	vst v62  }
0x4b: {  	[tilespmem:s26+$0x0] =	vst v63  }
0x4c: {  	s31 =	simm.s32 $0x6000;
	s11 =	simm.s32 $0x0;
	s10 =	rddreg [dreg:$0x4]  }
0x4d: {  	[hbm4b:s10+s11] =	stream.linear.scatter [tilespmem:s31], [sflag:$0x7], $0x2000, $0x38;
	[tilespmem:$0x18400] =	vst v63  }
0x4e: {  	_ =	swait.ge [sflag:s15], $0x2000  }
0x4f: {  	[sflag:s15] =	ssyncset.done $0x0  }
0x50: {  	s12 =	simm.s32 $0x0;
	s14 =	simm.s32 $0x0;
	[sflag:s15] =	ssyncadd.s32 $0xFFFFE000  }
.LBB2_4:
0x51: {  	s10 =	sshll.u32 s14, $0xA;
	s13 =	rddreg [dreg:$0x5]  }
0x52: {  	s13 =	sadd.s32 s13, s10  }
0x53: {  	s10 =	sshrl.u32 s13, $0x3  }
0x54: {  	s10 =	sadd.s32 s3, s10  }
0x55: {  	[tilespmem:s18], [sflag:$0x7] =	stream.linear.gather [hbm4b:s10+s11], $0x200, $0x38;
	[tilespmem:$0x18400] =	vst v63  }
0x56: {  	_ =	swait.ge [sflag:s15], $0x200  }
0x57: {  	[sflag:s15] =	ssyncset.done $0x0  }
0x58: {  	s20 =	simm.s32 $0x8400;
	[sflag:s15] =	ssyncadd.s32 $0xFFFFFE00  }
0x59: {  	[tilespmem:s20], [sflag:$0x1] =	stream.indirect.gather [hbm4b:s4+s19], $0x10, s18, s19, $0xb8;
	[tilespmem:$0x18400] =	vst v63  }
0x5a: {  	s21 =	simm.s32 $0xC400;
	s10 =	sor.u32 $0x200, s13  }
0x5b: {  	[tilespmem:s21], [sflag:$0x2] =	stream.indirect.gather [hbm4b:s5+s19], $0x10, s18, s19, $0xb8;
	[tilespmem:$0x18400] =	vst v63  }
0x5c: {  	s17 =	simm.s32 $0x10400;
	s22 =	sshrl.u32 s10, $0x3  }
0x5d: {  	[tilespmem:s17], [sflag:$0x3] =	stream.indirect.gather [hbm4b:s6+s19], $0x10, s18, s19, $0xb8;
	[tilespmem:$0x18400] =	vst v63  }
0x5e: {  	s17 =	sadd.s32 s3, s22  }
0x5f: {  	[tilespmem:s23], [sflag:$0x7] =	stream.linear.gather [hbm4b:s17+s11], $0x200, $0x38;
	[tilespmem:$0x18400] =	vst v63  }
0x60: {  	_ =	swait.ge [sflag:s15], $0x200  }
0x61: {  	[sflag:s15] =	ssyncset.done $0x0  }
0x62: {  	[sflag:s15] =	ssyncadd.s32 $0xFFFFFE00  }
0x63: {  	[tilespmem:s24], [sflag:$0x4] =	stream.indirect.gather [hbm4b:s4+s19], $0x10, s23, s19, $0xb8;
	[tilespmem:$0x18400] =	vst v63  }
0x64: {  	_ = 	snop  }
0x65: {  	[tilespmem:s25], [sflag:$0x5] =	stream.indirect.gather [hbm4b:s5+s19], $0x10, s23, s19, $0xb8;
	[tilespmem:$0x18400] =	vst v63  }
0x66: {  	s26 =	simm.s32 $0x12400  }
0x67: {  	[tilespmem:s26], [sflag:$0x6] =	stream.indirect.gather [hbm4b:s6+s19], $0x10, s23, s19, $0xb8;
	[tilespmem:$0x18400] =	vst v63  }
0x68: {  	_ =	swait.ge [sflag:s28], $0x2000  }
0x69: {  	s22 =	sshll.u32 s13, $0x1;
	[sflag:s28] =	ssyncset.done $0x0  }
0x6a: {  	s13 =	sadd.s32 s7, s22;
	[sflag:s28] =	ssyncadd.s32 $0xFFFFE000  }
0x6b: {  	[hbm4b:s13+s11] =	stream.linear.scatter [tilespmem:s20], [sflag:$0x1], $0x2000, $0x38;
	[tilespmem:$0x18400] =	vst v63  }
0x6c: {  	_ =	swait.ge [sflag:s29], $0x2000  }
0x6d: {  	[sflag:s29] =	ssyncset.done $0x0  }
0x6e: {  	s20 =	sadd.s32 s8, s22;
	[sflag:s29] =	ssyncadd.s32 $0xFFFFE000  }
0x6f: {  	[hbm4b:s20+s11] =	stream.linear.scatter [tilespmem:s21], [sflag:$0x2], $0x2000, $0x38;
	[tilespmem:$0x18400] =	vst v63  }
0x70: {  	_ =	swait.ge [sflag:s30], $0x2000  }
0x71: {  	s24 =	simm.s32 $0x10420;
	[sflag:s30] =	ssyncset.done $0x0  }
0x72: {  	s26 =	sadd.s32 $0x0, s12;
	s21 =	sand.u32 $0xC, s11;
	[sflag:s30] =	ssyncadd.s32 $0xFFFFE000  }
0x73: {  	p0 =	seq.s32 s26, $0x0;
	p1 =	sne.s32 s21, $0x0;
	v0 =	vld [tilespmem:s24+$0xFFFFFFE0]  }
0x74: {  	p0 =	por !p0, !p1;
	v1 =	vld [tilespmem:s24+$0xFFFFFFF0]  }
0x75: {  	s20 =	simm.s32 $0x1;
	p0 =	por !p0, !p0  }
0x76: {  	s17 =	sshrl.u32 s26, $0x4;
	s20 =	simm.s32 @!p0 $0x0  }
0x77: {  	s20 =	ssub.s32 s17, s20  }
0x78: {  	s20 =	sshll.u32 s20, $0x5;
	v3 =	vand.u32 $0xFFFFFFF8, v0  }
0x79: {  	s26 =	simm.s32 $0x4;
	v2 =	vld [tilespmem:s24+$0x0];
	s17 =	sshll.u32 s17, $0x5;
	v5 =	vand.u32 $0xFFFFFFF8, v1;
	v0 =	vand.u32 $0x7, v0;
	v3 =	vadd.s32 s20, v3  }
0x7a: {  	s26 =	sand.u32 $0xC, s26;
	s21 =	sadd.s32 $0x4, s12;
	v4 =	vld [tilespmem:s24+$0x10];
	s24 =	simm.s32 $0x10460;
	v1 =	vand.u32 $0x7, v1;
	v5 =	vadd.s32 s17, v5;
	v0 =	vor.u32 v0, v3  }
0x7b: {  	p4 =	sne.s32 s26, $0x0;
	p3 =	seq.s32 s21, $0x0;
	v3 =	vld [tilespmem:s24+$0xFFFFFFE0];
	v1 =	vor.u32 v1, v5  }
0x7c: {  	p0 =	por !p3, !p4;
	v5 =	vld [tilespmem:s24+$0xFFFFFFF0]  }
0x7d: {  	s26 =	simm.s32 $0x1;
	p0 =	por !p0, !p0;
	v7 =	vld [tilespmem:s24+$0x0]  }
0x7e: {  	v9 =	vld [tilespmem:s24+$0x10];
	s26 =	simm.s32 @!p0 $0x0;
	v6 =	vand.u32 $0xFFFFFFF8, v2;
	s20 =	sshrl.u32 s21, $0x4  }
0x7f: {  	v8 =	vand.u32 $0xFFFFFFF8, v4;
	v2 =	vand.u32 $0x7, v2;
	v6 =	vadd.s32 s17, v6;
	s24 =	ssub.s32 s20, s26;
	v10 =	vld.idx.msk [tilespmem:v0+s2+$0x0], $0xffff  }
0x80: {  	v4 =	vand.u32 $0x7, v4;
	v2 =	vor.u32 v2, v6;
	s13 =	sshll.u32 s24, $0x5;
	s24 =	simm.s32 $0x104A0;
	v0 =	vand.u32 $0xFFFFFFF8, v3;
	v11 =	vld.idx.msk [tilespmem:v1+s2+$0x0], $0xffff  }
0x81: {  	s26 =	simm.s32 $0x8;
	v3 =	vand.u32 $0x7, v3;
	v1 =	vadd.s32 s17, v8;
	v6 =	vand.u32 $0xFFFFFFF8, v5;
	v8 =	vld [tilespmem:s24+$0xFFFFFFF0]  }
0x82: {  	s21 =	sadd.s32 $0x8, s12;
	s20 =	sshll.u32 s20, $0x5;
	v0 =	vadd.s32 s13, v0;
	s13 =	sand.u32 $0xC, s26;
	v13 =	vor.u32 v4, v1;
	v4 =	vand.u32 $0xFFFFFFF8, v7  }
0x83: {  	p5 =	seq.s32 s21, $0x0;
	v14 =	vld [tilespmem:s24+$0xFFFFFFE0];
	v12 =	vor.u32 v3, v0;
	v0 =	vand.u32 $0x7, v5;
	v3 =	vadd.s32 s20, v6;
	p6 =	sne.s32 s13, $0x0  }
0x84: {  	v1 =	vld [tilespmem:s24+$0x0];
	p0 =	por !p5, !p6;
	v15 =	vor.u32 v0, v3;
	v0 =	vadd.s32 s20, v4;
	v4 =	vand.u32 $0xFFFFFFF8, v9  }
0x85: {  	s13 =	simm.s32 $0x1;
	v5 =	vand.u32 $0x7, v7;
	v6 =	vand.u32 $0x7, v9;
	v3 =	vld [tilespmem:s24+$0x10];
	s24 =	sshrl.u32 s21, $0x4;
	p0 =	por !p0, !p0;
	v7 =	vadd.s32 s20, v4  }
0x86: {  	v4 =	vld.idx.msk [tilespmem:v2+s2+$0x0], $0xffff;
	v2 =	vor.u32 v5, v0;
	s20 =	sshll.u32 s24, $0x5;
	s13 =	simm.s32 @!p0 $0x0;
	v0 =	vor.u32 v6, v7;
	v6 =	vand.u32 $0xFFFFFFF8, v8  }
0x87: {  	s26 =	simm.s32 $0x14420;
	s13 =	ssub.s32 s24, s13;
	v9 =	vadd.s32 s20, v6;
	v6 =	vld.idx.msk [tilespmem:v13+s2+$0x0], $0xffff  }
0x88: {  	[tilespmem:s26+$0xFFFFFFE0] =	vst v10;
	v8 =	vand.u32 $0x7, v8;
	v7 =	vand.u32 $0xFFFFFFF8, v14;
	v5 =	vld.idx.msk [tilespmem:v12+s2+$0x0], $0xffff;
	s13 =	sshll.u32 s13, $0x5  }
0x89: {  	s31 =	simm.s32 $0x14420;
	s17 =	simm.s32 $0xC;
	[tilespmem:s26+$0xFFFFFFF0] =	vst v11;
	v10 =	vand.u32 $0x7, v14;
	v12 =	vand.u32 $0xFFFFFFF8, v1;
	v11 =	vadd.s32 s13, v7;
	s13 =	simm.s32 $0x104E0;
	v7 =	vld.idx.msk [tilespmem:v15+s2+$0x0], $0xffff  }
.LBB2_5:
0x8a: {  	s21 =	sadd.s32 s17, s12;
	s24 =	sand.u32 $0xC, s17;
	v13 =	vld [tilespmem:s13+$0xFFFFFFF0];
	p0 =	slt.u32 s17, $0x1FC;
	v10 =	vor.u32 v10, v11;
	v11 =	vadd.s32 s20, v12;
	v12 =	vand.u32 $0xFFFFFFF8, v3  }
0x8b: {  	v15 =	vand.u32 $0x7, v1;
	v3 =	vand.u32 $0x7, v3;
	p1 =	seq.s32 s21, $0x0;
	p2 =	sne.s32 s24, $0x0;
	v14 =	vld [tilespmem:s13+$0xFFFFFFE0];
	v12 =	vadd.s32 s20, v12  }
0x8c: {  	v16 =	vor.u32 v8, v9;
	s31 =	sadd.s32 $0x40, s31;
	v8 =	vor.u32 v15, v11;
	s20 =	sshrl.u32 s21, $0x4;
	p1 =	por !p1, !p2;
	v1 =	vld [tilespmem:s13+$0x0];
	v11 =	vor.u32 v3, v12;
	[tilespmem:s26+$0x0] =	vst v4  }
.Ltmp1:
0x8d: {  	s21 =	simm.s32 $0x1;
	p1 =	por !p1, !p1;
	v3 =	vld [tilespmem:s13+$0x10];
	[tilespmem:s31+$0xFFFFFFE0] =	vst v5;
	(pc) =	sbr.rel @p0 .LBB2_5-.Ltmp1, $4  }
0x8e: {  	s21 =	simm.s32 @!p1 $0x0;
	v4 =	vld.idx.msk [tilespmem:v2+s2+$0x0], $0xffff;
	[tilespmem:s26+$0x10] =	vst v6;
	v2 =	vmov v8;
	s26 =	smov.u32 s31  }
0x8f: {  	s21 =	ssub.s32 s20, s21;
	v6 =	vand.u32 $0xFFFFFFF8, v13;
	v8 =	vand.u32 $0x7, v13;
	s20 =	sshll.u32 s20, $0x5;
	v5 =	vld.idx.msk [tilespmem:v10+s2+$0x0], $0xffff;
	[tilespmem:s31+$0xFFFFFFF0] =	vst v7  }
0x90: {  	v7 =	vand.u32 $0xFFFFFFF8, v14;
	s21 =	sshll.u32 s21, $0x5;
	v9 =	vadd.s32 s20, v6;
	v6 =	vld.idx.msk [tilespmem:v0+s2+$0x0], $0xffff;
	v0 =	vmov v11  }
0x91: {  	s17 =	sadd.s32 $0x4, s17;
	s13 =	sadd.s32 $0x40, s13;
	v10 =	vand.u32 $0x7, v14;
	v11 =	vadd.s32 s21, v7;
	v12 =	vand.u32 $0xFFFFFFF8, v1;
	v7 =	vld.idx.msk [tilespmem:v16+s2+$0x0], $0xffff  }
0x92: {  	_ = 	snop  }
0x93: {  	v10 =	vor.u32 v10, v11;
	v11 =	vadd.s32 s20, v12  }
0x94: {  	v62 =	vand.u32 $0xFFFFFFF8, v3;
	v1 =	vand.u32 $0x7, v1;
	v8 =	vor.u32 v8, v9  }
0x95: {  	v3 =	vand.u32 $0x7, v3;
	v9 =	vadd.s32 s20, v62;
	v1 =	vor.u32 v1, v11  }
0x96: {  	v2 =	vld.idx.msk [tilespmem:v2+s2+$0x0], $0xffff;
	v3 =	vor.u32 v3, v9  }
0x97: {  	s13 =	sadd.s32 $0x40, s31;
	v0 =	vld.idx.msk [tilespmem:v0+s2+$0x0], $0xffff;
	[tilespmem:s26+$0x0] =	vst v4  }
0x98: {  	[tilespmem:s13+$0xFFFFFFE0] =	vst v5;
	v4 =	vld.idx.msk [tilespmem:v10+s2+$0x0], $0xffff  }
0x99: {  	[tilespmem:s26+$0x10] =	vst v6;
	v5 =	vld.idx.msk [tilespmem:v8+s2+$0x0], $0xffff  }
0x9a: {  	[tilespmem:s13+$0xFFFFFFF0] =	vst v7;
	v1 =	vld.idx.msk [tilespmem:v1+s2+$0x0], $0xffff  }
0x9b: {  	[tilespmem:s13+$0x0] =	vst v2;
	v2 =	vld.idx.msk [tilespmem:v3+s2+$0x0], $0xffff  }
0x9c: {  	s17 =	sadd.s32 $0x40, s13;
	[tilespmem:s13+$0x10] =	vst v0  }
0x9d: {  	[tilespmem:s17+$0xFFFFFFE0] =	vst v4  }
0x9e: {  	[tilespmem:s17+$0xFFFFFFF0] =	vst v5  }
0x9f: {  	[tilespmem:s17+$0x0] =	vst v1  }
0xa0: {  	s31 =	simm.s32 $0x14400;
	s26 =	sadd.s32 s9, s22;
	[tilespmem:s17+$0x10] =	vst v2  }
0xa1: {  	[hbm4b:s26+s2] =	stream.linear.scatter [tilespmem:s31], [sflag:$0x3], $0x2000, $0x38;
	[tilespmem:$0x18400] =	vst v63  }
0xa2: {  	s10 =	sshll.u32 s10, $0x1;
	_ =	swait.ge [sflag:s0], $0x2000  }
0xa3: {  	s10 =	sand.u32 $0x1FFFFC00, s10;
	[sflag:s0] =	ssyncset.done $0x0  }
0xa4: {  	s24 =	simm.s32 $0xA400;
	s20 =	sadd.s32 s7, s10;
	[sflag:s0] =	ssyncadd.s32 $0xFFFFE000  }
0xa5: {  	[hbm4b:s20+s2] =	stream.linear.scatter [tilespmem:s24], [sflag:$0x4], $0x2000, $0x38;
	[tilespmem:$0x18400] =	vst v63  }
0xa6: {  	_ =	swait.ge [sflag:s1], $0x2000  }
0xa7: {  	[sflag:s1] =	ssyncset.done $0x0  }
0xa8: {  	s21 =	sadd.s32 s8, s10;
	[sflag:s1] =	ssyncadd.s32 $0xFFFFE000  }
0xa9: {  	[hbm4b:s21+s2] =	stream.linear.scatter [tilespmem:s25], [sflag:$0x5], $0x2000, $0x38;
	[tilespmem:$0x18400] =	vst v63  }
0xaa: {  	_ =	swait.ge [sflag:s16], $0x2000  }
0xab: {  	[sflag:s16] =	ssyncset.done $0x0  }
0xac: {  	s22 =	simm.s32 $0x12420;
	[sflag:s16] =	ssyncadd.s32 $0xFFFFE000  }
0xad: {  	v0 =	vld [tilespmem:s22+$0x10]  }
0xae: {  	s26 =	sadd.s32 $0xFFFFFFFC, s12;
	v1 =	vld [tilespmem:s22+$0xFFFFFFE0]  }
0xaf: {  	s17 =	sshll.u32 s26, $0x1  }
0xb0: {  	s17 =	sadd.s32 $0x8, s17  }
0xb1: {  	s31 =	simm.s32 $0x12460;
	s17 =	sor.u32 $0x400, s17;
	v2 =	vld [tilespmem:s22+$0xFFFFFFF0]  }
0xb2: {  	s17 =	sand.u32 $0xFFFFFFE0, s17;
	v5 =	vld [tilespmem:s31+$0x10];
	v3 =	vand.u32 $0xFFFFFFF8, v0  }
0xb3: {  	v6 =	vld [tilespmem:s22+$0x0];
	v4 =	vand.u32 $0xFFFFFFF8, v1;
	v0 =	vand.u32 $0x7, v0;
	v3 =	vadd.s32 s17, v3  }
0xb4: {  	v1 =	vand.u32 $0x7, v1;
	v4 =	vadd.s32 s17, v4;
	v0 =	vor.u32 v0, v3  }
0xb5: {  	s21 =	sadd.s32 $0x0, s12;
	v1 =	vor.u32 v1, v4  }
0xb6: {  	s13 =	sshll.u32 s21, $0x1;
	v3 =	vld [tilespmem:s31+$0xFFFFFFE0]  }
0xb7: {  	s13 =	sadd.s32 $0x8, s13;
	v7 =	vld [tilespmem:s31+$0xFFFFFFF0]  }
0xb8: {  	s13 =	sor.u32 $0x400, s13;
	v8 =	vld [tilespmem:s31+$0x0];
	v9 =	vand.u32 $0xFFFFFFF8, v5;
	v10 =	vand.u32 $0xFFFFFFF8, v6;
	v4 =	vand.u32 $0xFFFFFFF8, v2  }
0xb9: {  	s13 =	sand.u32 $0xFFFFFFE0, s13;
	v2 =	vand.u32 $0x7, v2;
	v4 =	vadd.s32 s17, v4;
	v11 =	vld.idx.msk [tilespmem:v0+s2+$0x0], $0xffff;
	v0 =	vand.u32 $0x7, v5  }
0xba: {  	s22 =	simm.s32 $0x124A0;
	v5 =	vadd.s32 s13, v9;
	v9 =	vld.idx.msk [tilespmem:v1+s2+$0x0], $0xffff;
	v1 =	vadd.s32 s17, v10;
	v10 =	vor.u32 v2, v4  }
0xbb: {  	v63 =	vld [tilespmem:s22+$0x10];
	v6 =	vand.u32 $0x7, v6;
	v2 =	vand.u32 $0xFFFFFFF8, v3;
	v0 =	vor.u32 v0, v5  }
0xbc: {  	s26 =	sadd.s32 $0x4, s12;
	v4 =	vand.u32 $0x7, v3;
	v3 =	vld [tilespmem:s22+$0xFFFFFFE0];
	v13 =	vor.u32 v6, v1;
	v1 =	vadd.s32 s13, v2  }
0xbd: {  	s17 =	sshll.u32 s26, $0x1;
	v5 =	vand.u32 $0xFFFFFFF8, v7;
	v2 =	vld [tilespmem:s22+$0xFFFFFFF0];
	v14 =	vor.u32 v4, v1  }
0xbe: {  	s17 =	sadd.s32 $0x8, s17;
	v6 =	vand.u32 $0x7, v7;
	v1 =	vadd.s32 s13, v5;
	v4 =	vand.u32 $0xFFFFFFF8, v8;
	v5 =	vld [tilespmem:s22+$0x0]  }
0xbf: {  	v7 =	vand.u32 $0x7, v8;
	s31 =	sor.u32 $0x400, s17;
	v8 =	vadd.s32 s13, v4;
	v1 =	vor.u32 v6, v1;
	v6 =	vld.idx.msk [tilespmem:v10+s2+$0x0], $0xffff  }
0xc0: {  	s22 =	simm.s32 $0x16420;
	s17 =	sand.u32 $0xFFFFFFE0, s31;
	v4 =	vld.idx.msk [tilespmem:v0+s2+$0x0], $0xffff;
	v0 =	vor.u32 v7, v8;
	v7 =	vand.u32 $0xFFFFFFF8, v63  }
0xc1: {  	v12 =	vand.u32 $0x7, v63;
	[tilespmem:s22+$0x10] =	vst v11;
	v8 =	vand.u32 $0xFFFFFFF8, v3;
	v15 =	vadd.s32 s17, v7;
	v7 =	vld.idx.msk [tilespmem:v13+s2+$0x0], $0xffff  }
0xc2: {  	s20 =	simm.s32 $0x124E0;
	s26 =	simm.s32 $0x16420;
	s13 =	simm.s32 $0x8;
	[tilespmem:s22+$0xFFFFFFE0] =	vst v9;
	v11 =	vand.u32 $0xFFFFFFF8, v2;
	v10 =	vadd.s32 s17, v8;
	v8 =	vld.idx.msk [tilespmem:v14+s2+$0x0], $0xffff;
	v9 =	vor.u32 v12, v15  }
.LBB2_7:
0xc3: {  	v12 =	vld [tilespmem:s20+$0x10];
	v13 =	vand.u32 $0x7, v3;
	v11 =	vadd.s32 s17, v11;
	v14 =	vand.u32 $0xFFFFFFF8, v5;
	s21 =	smov.u32 s13;
	s13 =	sadd.s32 $0x4, s13  }
0xc4: {  	v15 =	vand.u32 $0x7, v2;
	v5 =	vand.u32 $0x7, v5;
	s22 =	sadd.s32 $0x40, s22;
	s21 =	sadd.s32 s21, s12;
	v3 =	vld [tilespmem:s20+$0xFFFFFFE0];
	p0 =	slt.u32 s13, $0x1FC;
	v14 =	vadd.s32 s17, v14  }
0xc5: {  	v13 =	vor.u32 v13, v10;
	v10 =	vor.u32 v15, v11;
	s17 =	sshll.u32 s21, $0x1;
	v2 =	vld [tilespmem:s20+$0xFFFFFFF0];
	v11 =	vor.u32 v5, v14;
	[tilespmem:s22+$0x10] =	vst v4  }
.Ltmp2:
0xc6: {  	s17 =	sadd.s32 $0x8, s17;
	v5 =	vld [tilespmem:s20+$0x0];
	[tilespmem:s26+$0xFFFFFFF0] =	vst v6;
	(pc) =	sbr.rel @p0 .LBB2_7-.Ltmp2, $4  }
0xc7: {  	s17 =	sor.u32 $0x400, s17;
	v4 =	vld.idx.msk [tilespmem:v9+s2+$0x0], $0xffff;
	[tilespmem:s26+$0x0] =	vst v7;
	s26 =	smov.u32 s22  }
0xc8: {  	s17 =	sand.u32 $0xFFFFFFE0, s17;
	v7 =	vand.u32 $0xFFFFFFF8, v12;
	[tilespmem:s22+$0xFFFFFFE0] =	vst v8;
	v6 =	vld.idx.msk [tilespmem:v1+s2+$0x0], $0xffff;
	v1 =	vmov v10  }
0xc9: {  	v9 =	vand.u32 $0x7, v12;
	v8 =	vand.u32 $0xFFFFFFF8, v3;
	v12 =	vadd.s32 s17, v7;
	v7 =	vld.idx.msk [tilespmem:v0+s2+$0x0], $0xffff;
	v0 =	vmovc v11  }
0xca: {  	s20 =	sadd.s32 $0x40, s20;
	v10 =	vadd.s32 s17, v8;
	v11 =	vand.u32 $0xFFFFFFF8, v2;
	v9 =	vor.u32 v9, v12;
	v8 =	vld.idx.msk [tilespmem:v13+s2+$0x0], $0xffff  }
0xcb: {  	_ = 	snop  }
0xcc: {  	v3 =	vand.u32 $0x7, v3;
	v11 =	vadd.s32 s17, v11  }
0xcd: {  	v12 =	vand.u32 $0xFFFFFFF8, v5;
	v2 =	vand.u32 $0x7, v2;
	v3 =	vor.u32 v3, v10  }
0xce: {  	v61 =	vand.u32 $0x7, v5;
	v62 =	vadd.s32 s17, v12;
	v2 =	vor.u32 v2, v11  }
0xcf: {  	s13 =	sadd.s32 $0x40, s22;
	v9 =	vld.idx.msk [tilespmem:v9+s2+$0x0], $0xffff;
	v5 =	vor.u32 v61, v62  }
0xd0: {  	v1 =	vld.idx.msk [tilespmem:v1+s2+$0x0], $0xffff;
	[tilespmem:s13+$0x10] =	vst v4  }
0xd1: {  	v0 =	vld.idx.msk [tilespmem:v0+s2+$0x0], $0xffff;
	[tilespmem:s26+$0xFFFFFFF0] =	vst v6  }
0xd2: {  	[tilespmem:s26+$0x0] =	vst v7;
	v3 =	vld.idx.msk [tilespmem:v3+s2+$0x0], $0xffff  }
0xd3: {  	s26 =	sadd.s32 $0x40, s13;
	[tilespmem:s13+$0xFFFFFFE0] =	vst v8;
	v2 =	vld.idx.msk [tilespmem:v2+s2+$0x0], $0xffff  }
0xd4: {  	[tilespmem:s26+$0x10] =	vst v9;
	v63 =	vld.idx.msk [tilespmem:v5+s2+$0x0], $0xffff  }
0xd5: {  	[tilespmem:s13+$0xFFFFFFF0] =	vst v1  }
0xd6: {  	[tilespmem:s13+$0x0] =	vst v0  }
0xd7: {  	[tilespmem:s26+$0xFFFFFFE0] =	vst v3  }
0xd8: {  	[tilespmem:s26+$0xFFFFFFF0] =	vst v2  }
0xd9: {  	s10 =	sadd.s32 s9, s10;
	s31 =	simm.s32 $0x16400;
	[tilespmem:s26+$0x0] =	vst v63  }
0xda: {  	[hbm4b:s10+s2] =	stream.linear.scatter [tilespmem:s31], [sflag:$0x6], $0x2000, $0x38;
	[tilespmem:$0x18400] =	vst v63  }
0xdb: {  	_ =	swait.ge [sflag:s28], $0x2000  }
0xdc: {  	[sflag:s28] =	ssyncset.done $0x0  }
0xdd: {  	[sflag:s28] =	ssyncadd.s32 $0xFFFFE000  }
0xde: {  	_ =	swait.ge [sflag:s29], $0x2000  }
0xdf: {  	[sflag:s29] =	ssyncset.done $0x0  }
0xe0: {  	[sflag:s29] =	ssyncadd.s32 $0xFFFFE000  }
0xe1: {  	_ =	swait.ge [sflag:s30], $0x2000  }
0xe2: {  	[sflag:s30] =	ssyncset.done $0x0  }
0xe3: {  	[sflag:s30] =	ssyncadd.s32 $0xFFFFE000  }
0xe4: {  	_ =	swait.ge [sflag:s0], $0x2000  }
0xe5: {  	[sflag:s0] =	ssyncset.done $0x0  }
0xe6: {  	s14 =	sadd.s32 $0x1, s14;
	[sflag:s0] =	ssyncadd.s32 $0xFFFFE000  }
0xe7: {  	p0 =	sne.s32 s14, $0x8;
	_ =	swait.ge [sflag:s1], $0x2000  }
.Ltmp3:
0xe8: {  	[sflag:s1] =	ssyncset.done $0x0;
	(pc) =	sbr.rel @p0 .LBB2_4-.Ltmp3, $4  }
0xe9: {  	[sflag:s1] =	ssyncadd.s32 $0xFFFFE000  }
0xea: {  	_ =	swait.ge [sflag:s16], $0x2000  }
0xeb: {  	[sflag:s16] =	ssyncset.done $0x0  }
0xec: {  	s12 =	sadd.s32 $0x400, s12;
	[sflag:s16] =	ssyncadd.s32 $0xFFFFE000  }
0xed: {  	s11 =	rddreg [dreg:$0x7]  }
0xee: {  	s10 =	rddreg [dreg:$0x6];
	s11 =	sadd.s32 $0x1, s11  }
0xef: {  	p0 =	sne.s32 s11, s10  }
.Ltmp4:
0xf0: {  	_ = 	snop;
	(pc) =	sbr.rel @p0 .LBB2_1-.Ltmp4, $1  }
0xf1: {  	_ =	sdelay $0x3  }
0xf2: {  	_ =	sfence.sel $0x180000  }
0xf3: {  	[bflag:$0x0] =	sbarrier.arrive $0xFFFF  }
0xf4: {  	_ =	strace $0x9000004D  }
0xf5: {  	s0 =	stileid.u32;
	[bflag:$0x2] =	sbarrier.arrive $0xFFFF  }
0xf6: {  	p0 =	sne.s32 s0, $0x0;
	s0 =	rddreg [dreg:$0x1]  }
0xf7: {  	s0 =	sadd.s32 @!p0 $0x100000, s0  }
0xf8: {  	[sflag:s0] =	ssyncadd.tile.s32 @!p0 $0x1;
	_ =	shalt  }
.Lfunc_end2:
_tile_overlayer_lowered:
.L_overlay_start_2:
0xf9: {  	(tag) =	ssettag $0x2  }
0xfa: {  	s0 =	rddreg [dreg:$0x0];
	s2 =	stileid.u32  }
0xfb: {  	s1 =	rddreg [dreg:$0x1];
	p0 =	sne.s32 s2, $0x0  }
0xfc: {  	s3 =	rddreg [dreg:$0x2];
	[bflag:$0x3] =	sbarrier.arrive $0xFFFF;
	s2 =	simm.s32 @!p0 $0x1C07  }
0xfd: {  	[timem:s3], [sflag:s2] =	dma.local @!p0 [hbm:s0], s1  }
0xfe: {  	s0 =	simm.s32 @!p0 $0x7  }
0xff: {  	_ =	swait.ge @!p0 [sflag:s0], s1  }
0x100: {  	s1 =	ssub.s32 @!p0 $0x0, s1;
	[sflag:s0] =	ssyncset.done @!p0 $0x0  }
0x101: {  	[sflag:s0] =	ssyncadd.s32 @!p0 s1  }
0x102: {  	[bflag:$0x3] =	sbarrier.arrive $0xFFFF  }
0x103: {  	_ =	shalt  }

// kernel: kernel.17.cloned.1.call-start
scs
__scs_entry_jumppad:
0x0: {  	(pc) =	sbr.rel $0x88, $3  }
0x1: {  	(tag) =	ssettag $0x0;
	lr =	simm.s32 $0x1  }
0x2: {  	[smem:$0x3F98] =	sst lr;
	_ =	strace $0xD0000000  }
0x3: {  	_ = 	snop  }
0x4: {  	_ = 	snop  }
0x5: {  	_ = 	snop  }
0x6: {  	_ = 	snop  }
0x7: {  	_ = 	snop  }
__scs_overlays_trampoline_lowered:
0x8: {  	[smem:$0x3FA7] =	sst s0  }
0x9: {  	[smem:$0x3FA8] =	sst s1  }
0xa: {  	[smem:$0x3FA9] =	sst s2  }
0xb: {  	[smem:$0x3FAA] =	sst s3  }
0xc: {  	[smem:$0x3FAB] =	sst s4  }
0xd: {  	[smem:$0x3FAC] =	sst s5  }
0xe: {  	[smem:$0x3FAD] =	sst s6  }
0xf: {  	[smem:$0x3FAE] =	sst s7  }
0x10: {  	[smem:$0x3FAF] =	sst s8  }
0x11: {  	[smem:$0x3FB0] =	sst s9;
	s0 =	simm.s32 @!p0 $0x0  }
0x12: {  	s1 =	sld [smem:$0x3F96];
	s0 =	simm.s32 @p0 $0x1  }
0x13: {  	[smem:$0x3FB1] =	sst s0;
	s0 =	simm.s32 @!p1 $0x0  }
0x14: {  	s2 =	sld [smem:$0x3F95];
	s0 =	simm.s32 @p1 $0x1  }
0x15: {  	[smem:$0x3FB2] =	sst s0;
	s0 =	simm.s32 @!p2 $0x0  }
0x16: {  	s3 =	sld [smem:$0x3FDB];
	s0 =	simm.s32 @p2 $0x1  }
0x17: {  	s4 =	simm.s32 $0x1BF5;
	[smem:$0x3FB4] =	sst s0  }
0x18: {  	s0 =	sld [smem:$0x3F97];
	_ =	swait.ge [sflag:s4], $0x0  }
0x19: {  	s7 =	sld [smem:$0x3F98]  }
0x1a: {  	s8 =	sadd.s32 $0xFFFFE003, lr  }
0x1b: {  	s9 =	sadd.s32 $0xFFFFFEF7, lr;
	s5 =	simm.s32 $0xFFFFFFFF;
	p2 =	slt.u32 s8, $0xFFFFF086  }
0x1c: {  	p1 =	slt.u32 s9, $0xF7A;
	s5 =	simm.s32 @!p2 $0x0  }
0x1d: {  	s5 =	simm.s32 @p1 $0x1;
	p0 =	seq.s32 s7, s2  }
0x1e: {  	s7 =	smul.u32 @!p0 $0xF7A, s2;
	p2 =	seq.s32 @!p0 s5, $0x0  }
0x1f: {  	s9 =	smul.u32 $0xF7A, s1;
	s8 =	simm.s32 @!p0 $0x1BF5;
	p2 =	por !p2, p0  }
0x20: {  	[sflag:s8] =	ssyncset.s32 @!p0 $0xFFFFF086;
	s6 =	sadd.s32 @!p0 s3, s7;
	s7 =	simm.s32 @!p0 $0x108  }
0x21: {  	s3 =	sadd.s32 s3, s9;
	s6 =	sadd.s32 @!p0 $0x88, s6;
	s7 =	simm.s32 @p2 $0x1082  }
0x22: {  	[simem:s7], [sflag:s8] =	dma.local @!p0 [hbm:s6], $0xF7A  }
0x23: {  	s9 =	sor.u32 $0xD0000000, s2;
	s6 =	simm.s32 $0x108;
	_ =	swait.ge @!p0 [sflag:s8], $0x0  }
0x24: {  	s3 =	sadd.s32 $0x88, s3;
	s6 =	simm.s32 @!p1 $0x1082;
	[sflag:s4] =	ssyncset.s32 $0xFFFFF086  }
0x25: {  	[simem:s6], [sflag:s4] =	dma.local [hbm:s3], $0xF7A  }
0x26: {  	[smem:$0x3F98] =	sst s1;
	(tag) =	ssettag s2;
	_ =	strace s9  }
0x27: {  	s1 =	sld [smem:$0x3FA8]  }
0x28: {  	s2 =	sld [smem:$0x3FA9]  }
0x29: {  	s4 =	sld [smem:$0x3FAB]  }
0x2a: {  	p0 =	seq.s32 s5, $0x0;
	s5 =	sld [smem:$0x3FAC]  }
0x2b: {  	s6 =	sld [smem:$0x3FAD]  }
0x2c: {  	s7 =	sld [smem:$0x3FAE]  }
0x2d: {  	s3 =	simm.s32 $0x108;
	s8 =	sld [smem:$0x3FAF]  }
0x2e: {  	s3 =	simm.s32 @!p0 $0x1082;
	s9 =	sld [smem:$0x3FB0]  }
0x2f: {  	lr =	sadd.s32 s0, s3;
	s0 =	sld [smem:$0x3FA7]  }
0x30: {  	s3 =	sld [smem:$0x3FAA]  }
0x31: {  	[smem:$0x3FB3] =	sst s10  }
0x32: {  	s10 =	sld [smem:$0x3FB1];
	_ =	sdelay $0x3  }
0x33: {  	p0 =	seq.s32 s10, $0x1;
	s10 =	sld [smem:$0x3FB3];
	_ =	sdelay $0x3  }
0x34: {  	[smem:$0x3FB3] =	sst s10  }
0x35: {  	s10 =	sld [smem:$0x3FB2];
	_ =	sdelay $0x3  }
0x36: {  	p1 =	seq.s32 s10, $0x1;
	s10 =	sld [smem:$0x3FB3];
	_ =	sdelay $0x3  }
0x37: {  	[smem:$0x3FB3] =	sst s10  }
0x38: {  	s10 =	sld [smem:$0x3FB4]  }
0x39: {  	_ = 	snop;
	(pc) =	sbr.ind lr, $3  }
0x3a: {  	_ = 	snop  }
0x3b: {  	_ = 	snop  }
0x3c: {  	p2 =	seq.s32 s10, $0x1;
	s10 =	sld [smem:$0x3FB3]  }
0x3d: {  	_ =	shalt  }
0x3e: {  	_ =	shalt  }
0x3f: {  	_ =	shalt  }
0x40: {  	_ =	shalt  }
0x41: {  	_ =	shalt  }
0x42: {  	_ =	shalt  }
0x43: {  	_ =	shalt  }
0x44: {  	_ =	shalt  }
0x45: {  	_ =	shalt  }
0x46: {  	_ =	shalt  }
0x47: {  	_ =	shalt  }
0x48: {  	_ =	shalt  }
0x49: {  	_ =	shalt  }
0x4a: {  	_ =	shalt  }
0x4b: {  	_ =	shalt  }
0x4c: {  	_ =	shalt  }
0x4d: {  	_ =	shalt  }
0x4e: {  	_ =	shalt  }
0x4f: {  	_ =	shalt  }
0x50: {  	_ =	shalt  }
0x51: {  	_ =	shalt  }
0x52: {  	_ =	shalt  }
0x53: {  	_ =	shalt  }
0x54: {  	_ =	shalt  }
0x55: {  	_ =	shalt  }
0x56: {  	_ =	shalt  }
0x57: {  	_ =	shalt  }
0x58: {  	_ =	shalt  }
0x59: {  	_ =	shalt  }
0x5a: {  	_ =	shalt  }
0x5b: {  	_ =	shalt  }
0x5c: {  	_ =	shalt  }
0x5d: {  	_ =	shalt  }
0x5e: {  	_ =	shalt  }
0x5f: {  	_ =	shalt  }
0x60: {  	_ =	shalt  }
0x61: {  	_ =	shalt  }
0x62: {  	_ =	shalt  }
0x63: {  	_ =	shalt  }
0x64: {  	_ =	shalt  }
0x65: {  	_ =	shalt  }
0x66: {  	_ =	shalt  }
0x67: {  	_ =	shalt  }
0x68: {  	_ =	shalt  }
0x69: {  	_ =	shalt  }
0x6a: {  	_ =	shalt  }
0x6b: {  	_ =	shalt  }
0x6c: {  	_ =	shalt  }
0x6d: {  	_ =	shalt  }
0x6e: {  	_ =	shalt  }
0x6f: {  	_ =	shalt  }
0x70: {  	_ =	shalt  }
0x71: {  	_ =	shalt  }
0x72: {  	_ =	shalt  }
0x73: {  	_ =	shalt  }
0x74: {  	_ =	shalt  }
0x75: {  	_ =	shalt  }
0x76: {  	_ =	shalt  }
0x77: {  	_ =	shalt  }
0x78: {  	_ =	shalt  }
0x79: {  	_ =	shalt  }
0x7a: {  	_ =	shalt  }
0x7b: {  	_ =	shalt  }
0x7c: {  	_ =	shalt  }
0x7d: {  	_ =	shalt  }
0x7e: {  	_ =	shalt  }
0x7f: {  	_ =	shalt  }
0x80: {  	_ =	shalt  }
0x81: {  	_ =	shalt  }
0x82: {  	_ =	shalt  }
0x83: {  	_ =	shalt  }
0x84: {  	_ =	shalt  }
0x85: {  	_ =	shalt  }
0x86: {  	_ =	shalt  }
0x87: {  	_ =	shalt  }
.Lfunc_end0:
.L_simem_size_0:
called_computation.3_lowered:
.L_overlay_start_0:
0x88: {  	s2 =	sld [smem:$0x3FD9]  }
0x89: {  	s3 =	sld [smem:$0x3FFE];
	_ =	sdelay $0x1  }
0x8a: {  	s1 =	srdreg.scid  }
0x8b: {  	s0 =	sand.u32 $0x1, s1  }
0x8c: {  	s16 =	sshll.u32 s0, $0xA;
	s2 =	sadd.s32 s3, s2  }
0x8d: {  	s2 =	sadd.s32 s2, s16  }
0x8e: {  	[smem:$0x3FBF] =	sst s2  }
0x8f: {  	_ = 	snop  }
0x90: {  	(tm) =	ssettm $0x1  }
0x91: {  	s17 =	sld [smem:$0x3FFB];
	_ =	sdelay $0x3  }
0x92: {  	_ =	strace s17  }
0x93: {  	s2 =	sld [smem:$0x3FFC];
	_ =	sdelay $0x3  }
0x94: {  	_ =	strace s2  }
0x95: {  	s2 =	sld [smem:$0x3FFD];
	_ =	sdelay $0x3  }
0x96: {  	_ =	strace s2  }
0x97: {  	_ =	strace $0x8FFFFFFF  }
0x98: {  	s18 =	sld [smem:$0x3FDB];
	_ =	sdelay $0x1  }
0x99: {  	s19 =	simm.s32 $_scs_section_size  }
0x9a: {  	s4 =	simm.s32 $_size__tile_overlayer_lowered;
	s5 =	simm.s32 $_tile_overlayer_lowered  }
0x9b: {  	s22 =	simm.s32 $0x1BFF;
	s21 =	sshll.u32 s5, $0x1;
	s2 =	sadd.s32 s19, s18  }
0x9c: {  	s6 =	simm.s32 $0x0;
	s20 =	sshll.u32 s4, $0x1;
	s4 =	sadd.s32 s21, s2  }
0x9d: {  	[timem:s6], [sflag:s22] =	dma.local [hbm:s4], s20  }
0x9e: {  	_ =	swait.ge [sflag:s22], s20  }
0x9f: {  	s3 =	ssub.s32 $0x0, s20;
	[sflag:s22] =	ssyncset.done $0x0  }
0xa0: {  	[sflag:s22] =	ssyncadd.s32 s3;
	_ =	sdelay $0x1  }
0xa1: {  	s23 =	simm.s32 $0x1B8B  }
0xa2: {  	_ =	swait.ge [sflag:s23], $0x1  }
0xa3: {  	[sflag:s23] =	ssyncset.done $0x0  }
0xa4: {  	s25 =	simm.s32 $0x1B8E;
	s24 =	sld [smem:$0x3FFE];
	[sflag:s23] =	ssyncadd.s32 $0xFFFFFFFF  }
0xa5: {  	s26 =	simm.s32 $execute0_lowered;
	[smem:$0x3FD2] =	sst s25  }
0xa6: {  	s4 =	sshll.u32 s26, $0x1;
	_ =	strace $0x8000004F;
	[dreg:$0x1] =	wrdreg $0xFFFFFFFF  }
0xa7: {  	s28 =	simm.s32 $_size_execute0_lowered;
	s2 =	sadd.s32 s2, s4;
	[dreg:$0x0] =	wrdreg $0x0  }
0xa8: {  	s4 =	sshll.u32 s28, $0x1;
	[dreg:$0x2] =	wrdreg s2  }
0xa9: {  	[dreg:$0x3] =	wrdreg s4  }
0xaa: {  	[dreg:$0x4] =	wrdreg $0xC0  }
0xab: {  	_ =	task [dreg:s6], $0x5FFFF  }
0xac: {  	[dreg:$0x1] =	wrdreg $0xFFFFFFFF  }
0xad: {  	[dreg:$0x0] =	wrdreg $0x60  }
0xae: {  	[dreg:$0x2] =	wrdreg s24  }
0xaf: {  	[dreg:$0x3] =	wrdreg $0x9  }
0xb0: {  	_ =	task.clear_ibuf [dreg:s6], $0x4FFFF;
	_ =	strace $0x9000004F  }
0xb1: {  	s29 =	simm.s32 $0x9;
	_ =	strace $0x80000051  }
0xb2: {  	_ =	swait.ge [sflag:s29], $0x1  }
0xb3: {  	[sflag:s29] =	ssyncadd.s32 $0xFFFFFFFF  }
0xb4: {  	_ =	strace $0x90000051  }
0xb5: {  	_ =	sfence  }
0xb6: {  	s30 =	sld [smem:$0x0];
	_ =	sdelay $0x2  }
0xb7: {  	s31 =	sshll.u32 s1, $0xD;
	s1 =	sshrl.u32 s1, $0x2  }
0xb8: {  	s3 =	sand.u32 $0x4000, s31;
	s1 =	sadd.s32 s1, s30  }
0xb9: {  	s0 =	sor.u32 s3, s0;
	s1 =	sshll.u32 s1, $0x11  }
0xba: {  	s0 =	sor.u32 s1, s0  }
0xbb: {  	s0 =	sadd.s32 $0x8F2B, s0  }
0xbc: {  	[sflag:s0] =	ssyncadd.remote.s32 $0x1  }
0xbd: {  	_ =	sfence.sel $0xFFFF  }
0xbe: {  	[dreg:$0x0] =	wrdreg $0xFFFFFFFF;
	(pc) =	sbr.abs _section_cstart, $3  }
0xbf: {  	[dreg:$0x1] =	wrdreg $0xFFFFFFFF  }
0xc0: {  	_ =	task.clear_ibuf [dreg:s6], $0x2FFFF;
	_ =	strace $0x9FFFFFFF  }
0xc1: {  	(tm) =	ssettm $0x7FFFFFFF  }
tec
execute0_lowered:
.L_overlay_start_1:
0x0: {  	(tag) =	ssettag $0x1  }
0x1: {  	s0 =	rddreg [dreg:$0x0];
	s1 =	simm.s32 $0x0  }
0x2: {  	s3 =	srdreg.scid;
	s8 =	stileid.u32;
	s9 =	simm.s32 $0x5  }
0x3: {  	s10 =	simm.s32 $0x800;
	s11 =	simm.s32 $0x1000;
	s12 =	simm.s32 $0x9000  }
0x4: {  	s13 =	simm.s32 $0x11000;
	s14 =	simm.s32 $0x11800;
	s15 =	simm.s32 $0x1  }
0x5: {  	s16 =	simm.s32 $0x12000;
	s17 =	simm.s32 $0x2;
	s18 =	simm.s32 $0x12800  }
0x6: {  	s19 =	simm.s32 $0x3;
	s20 =	simm.s32 $0x4;
	s3 =	sand.u32 $0x1, s3  }
0x7: {  	[smem:$0x7FF] =	sst s1;
	s2 =	sadd.s32 $0x146800, s0;
	s7 =	ssub.s32 $0x2, s3  }
0x8: {  	s4 =	sadd.s32 $0x1C6800, s0;
	s5 =	sadd.s32 $0xBE00, s0;
	s30 =	sshrl.u32 s7, $0x1  }
0x9: {  	s6 =	sadd.s32 $0x246800, s0;
	s31 =	sshll.u32 s8, $0x12;
	s0 =	ssub.s32 s7, s30  }
0xa: {  	_ =	strace $0x80000050;
	s3 =	sshll.u32 s3, $0x11;
	s0 =	smax.u32 s0, $0x1  }
0xb: {  	s7 =	sor.u32 s3, s31;
	s3 =	simm.s32 $0x0;
	[dreg:$0x2] =	wrdreg s0  }
.LBB2_1:
0xc: {  	[dreg:$0x3] =	wrdreg s3;
	s22 =	simm.s32 $0x0  }
.LBB2_2:
0xd: {  	s0 =	sshll.u32 s22, $0xC  }
0xe: {  	s0 =	sadd.s32 s7, s0  }
0xf: {  	s24 =	sshrl.u32 s0, $0x3  }
0x10: {  	s25 =	simm.s32 $0x0;
	s0 =	sadd.s32 s2, s24  }
0x11: {  	[tilespmem:s25], [sflag:$0x5] =	stream.linear.gather [hbm4b:s0+s25], $0x800, $0x38;
	[tilespmem:$0x13000] =	vst v63  }
0x12: {  	_ =	swait.ge [sflag:s9], $0x800  }
0x13: {  	[sflag:s9] =	ssyncset.done $0x0  }
0x14: {  	s23 =	sor.u32 $0x100, s24;
	[sflag:s9] =	ssyncadd.s32 $0xFFFFF800  }
0x15: {  	[tilespmem:s11], [sflag:$0x1] =	stream.indirect.gather [hbm4b:s5+s10], $0x10, s25, s10, $0xb8;
	[tilespmem:$0x13000] =	vst v63  }
0x16: {  	s26 =	sadd.s32 s2, s23  }
0x17: {  	[tilespmem:s10], [sflag:$0x5] =	stream.linear.gather [hbm4b:s26+s25], $0x800, $0x38;
	[tilespmem:$0x13000] =	vst v63  }
0x18: {  	_ =	swait.ge [sflag:s9], $0x800  }
0x19: {  	[sflag:s9] =	ssyncset.done $0x0  }
0x1a: {  	[sflag:s9] =	ssyncadd.s32 $0xFFFFF800  }
0x1b: {  	[tilespmem:s12], [sflag:$0x2] =	stream.indirect.gather [hbm4b:s5+s10], $0x10, s10, s10, $0xb8;
	[tilespmem:$0x13000] =	vst v63  }
0x1c: {  	s3 =	sadd.s32 s4, s24  }
0x1d: {  	[tilespmem:s13], [sflag:$0x5] =	stream.linear.gather [hbm4b:s3+s25], $0x800, $0x38;
	[tilespmem:$0x13000] =	vst v63  }
0x1e: {  	_ =	swait.ge [sflag:s9], $0x800  }
0x1f: {  	[sflag:s9] =	ssyncset.done $0x0  }
0x20: {  	s8 =	sadd.s32 s4, s23;
	[sflag:s9] =	ssyncadd.s32 $0xFFFFF800  }
0x21: {  	[tilespmem:s14], [sflag:$0x5] =	stream.linear.gather [hbm4b:s8+s25], $0x800, $0x38;
	[tilespmem:$0x13000] =	vst v63  }
0x22: {  	_ =	swait.ge [sflag:s9], $0x800  }
0x23: {  	[sflag:s9] =	ssyncset.done $0x0  }
0x24: {  	[sflag:s9] =	ssyncadd.s32 $0xFFFFF800  }
0x25: {  	_ =	swait.ge [sflag:s15], $0x8000  }
0x26: {  	[sflag:s15] =	ssyncset.done $0x0  }
0x27: {  	s21 =	simm.s32 $0x1100;
	[sflag:s15] =	ssyncadd.s32 $0xFFFF8000  }
0x28: {  	v7 =	vld [tilespmem:s21+$0xB0]  }
0x29: {  	v4 =	vld [tilespmem:s21+$0xFFFFFF80]  }
0x2a: {  	v5 =	vld [tilespmem:s21+$0xFFFFFFA0]  }
0x2b: {  	v3 =	vld [tilespmem:s21+$0xFFFFFFF0]  }
0x2c: {  	v8 =	vld [tilespmem:s21+$0xFFFFFFE0]  }
0x2d: {  	s3 =	simm.s32 $0x0;
	v6 =	vld [tilespmem:s21+$0xFFFFFF40]  }
0x2e: {  	v9 =	vld [tilespmem:s3+$0x11000]  }
0x2f: {  	v1 =	vld [tilespmem:s21+$0xC0]  }
0x30: {  	v10 =	vld [tilespmem:s21+$0xFFFFFF20]  }
0x31: {  	v12 =	vld [tilespmem:s21+$0xFFFFFF10]  }
0x32: {  	v11 =	vld [tilespmem:s21+$0xFFFFFF00]  }
0x33: {  	v13 =	vld [tilespmem:s21+$0xFFFFFF90]  }
0x34: {  	v14 =	vld [tilespmem:s21+$0xFFFFFFB0]  }
0x35: {  	v17 =	vld [tilespmem:s21+$0xFFFFFF60];
	v15 =	vbroadcast v9, $0xA;
	v16 =	vbroadcast v9, $0x2  }
0x36: {  	v0 =	vld [tilespmem:s21+$0x10];
	v18 =	vbroadcast v9, $0x0;
	v19 =	vbroadcast v9, $0xF  }
0x37: {  	v2 =	vld [tilespmem:s21+$0x70];
	v20 =	vbroadcast v9, $0x8;
	v21 =	vbroadcast v9, $0x9  }
0x38: {  	v22 =	vld [tilespmem:s21+$0xFFFFFFC0];
	v25 =	vbroadcast v9, $0x3;
	v26 =	vbroadcast v9, $0x5  }
0x39: {  	v23 =	vld [tilespmem:s21+$0xFFFFFF50];
	v27 =	vbroadcast v9, $0xB;
	v28 =	vbroadcast v9, $0x7  }
0x3a: {  	v24 =	vld [tilespmem:s21+$0xFFFFFF30];
	v18 =	vmul.f32 v11, v18;
	v3 =	vmul.f32 v3, v19  }
0x3b: {  	v29 =	vld [tilespmem:s21+$0x0];
	v11 =	vbroadcast v9, $0x4;
	v13 =	vmul.f32 v13, v21  }
0x3c: {  	v19 =	vld [tilespmem:s21+$0xFFFFFF70];
	v20 =	vmul.f32 v4, v20;
	v21 =	vbroadcast v9, $0xE  }
0x3d: {  	v15 =	vmul.f32 v5, v15;
	v16 =	vmul.f32 v10, v16;
	v4 =	vld [tilespmem:s3+$0x11010]  }
0x3e: {  	v10 =	vbroadcast v9, $0x6;
	v5 =	vld [tilespmem:s21+$0x60];
	v23 =	vmul.f32 v23, v26  }
0x3f: {  	v26 =	vld [tilespmem:s21+$0xF0];
	v14 =	vmul.f32 v14, v27;
	v11 =	vmul.f32 v6, v11  }
0x40: {  	v6 =	vld [tilespmem:s21+$0x90];
	v17 =	vmul.f32 v17, v10;
	v10 =	vmul.f32 v8, v21  }
0x41: {  	v21 =	vadd.f32 v13, v20;
	v20 =	vmul.f32 v24, v25;
	v8 =	vmul.f32 v19, v28;
	v19 =	vld [tilespmem:s21+$0xFFFFFFD0]  }
0x42: {  	v13 =	vbroadcast v9, $0x1;
	v30 =	vadd.f32 v23, v11;
	v11 =	vld [tilespmem:s21+$0x30];
	v28 =	vbroadcast v9, $0xC  }
0x43: {  	v25 =	vadd.f32 v20, v16;
	v20 =	vld [tilespmem:s21+$0x20];
	v9 =	vbroadcast v9, $0xD;
	v31 =	vbroadcast v4, $0xB  }
0x44: {  	v27 =	vbroadcast v4, $0x2;
	v24 =	vadd.f32 v8, v17;
	v8 =	vmul.f32 v12, v13;
	v13 =	vld [tilespmem:s21+$0x80]  }
0x45: {  	v23 =	vbroadcast v4, $0xA;
	v12 =	vadd.f32 v14, v15;
	v17 =	vld [tilespmem:s21+$0xA0];
	v15 =	vbroadcast v4, $0xF  }
0x46: {  	v14 =	vbroadcast v4, $0x0;
	v32 =	vadd.f32 v8, v18;
	v16 =	vmul.f32 v19, v9;
	v19 =	vld [tilespmem:s21+$0x40]  }
0x47: {  	v15 =	vmul.f32 v26, v15;
	v8 =	vadd.f32 v12, v21;
	v21 =	vld [tilespmem:s21+$0xD0];
	v18 =	vmul.f32 v22, v28  }
0x48: {  	s29 =	simm.s32 $0x10;
	s30 =	simm.s32 $0x0;
	s31 =	simm.s32 $0x80;
	v12 =	vadd.f32 v24, v30;
	v22 =	vld [tilespmem:s21+$0xE0];
	v24 =	vbroadcast v4, $0xE;
	v28 =	vbroadcast v4, $0x4  }
0x49: {  	s28 =	simm.s32 $0x10;
	s0 =	simm.s32 $0x1300;
	s26 =	simm.s32 $0x0;
	v26 =	vmul.f32 v7, v31;
	v9 =	vmul.f32 v29, v14;
	v14 =	vadd.f32 v25, v32;
	v25 =	vld [tilespmem:s21+$0x50]  }
.LBB2_3:
0x4a: {  	s3 =	sshra.s32 s31, $0x2;
	v7 =	vld [tilespmem:s0+$0xB0];
	s30 =	sadd.s32 $0x2, s30;
	v20 =	vmul.f32 v20, v27;
	v27 =	vbroadcast v4, $0xD;
	s29 =	sadd.s32 $0x20, s29  }
0x4b: {  	v17 =	vmul.f32 v17, v23;
	v29 =	vld [tilespmem:s0+$0xFFFFFF80];
	s8 =	sadd.s32 $0xFFFFFFF0, s29;
	p0 =	slt.u32 s30, $0x7E;
	v19 =	vmul.f32 v19, v28  }
0x4c: {  	v28 =	vbroadcast v4, $0x5;
	v23 =	vld [tilespmem:s0+$0xFFFFFFA0];
	v21 =	vmul.f32 v21, v27  }
0x4d: {  	v30 =	vbroadcast v4, $0xC;
	v17 =	vadd.f32 v26, v17;
	v27 =	vld [tilespmem:s0+$0xFFFFFFF0];
	v22 =	vmul.f32 v22, v24  }
0x4e: {  	v26 =	vbroadcast v4, $0x8;
	v24 =	vld [tilespmem:s0+$0xFFFFFFE0];
	v25 =	vmul.f32 v25, v28  }
0x4f: {  	v16 =	vadd.f32 v16, v18;
	v18 =	vbroadcast v4, $0x3;
	v30 =	vmul.f32 v1, v30;
	v28 =	vld [tilespmem:s0+$0xFFFFFF40]  }
0x50: {  	v3 =	vadd.f32 v3, v10;
	v10 =	vmul.f32 v13, v26;
	v13 =	vbroadcast v4, $0x9;
	v31 =	vld [tilespmem:s3+$0x11000]  }
0x51: {  	v11 =	vmul.f32 v11, v18;
	v18 =	vadd.f32 v25, v19;
	v19 =	vadd.f32 v21, v30;
	v1 =	vld [tilespmem:s0+$0xC0]  }
0x52: {  	v25 =	vbroadcast v4, $0x6;
	v6 =	vmul.f32 v6, v13;
	v13 =	vadd.f32 v15, v22;
	v21 =	vld [tilespmem:s0+$0xFFFFFF20]  }
0x53: {  	v11 =	vadd.f32 v11, v20;
	v22 =	vbroadcast v4, $0x1;
	v4 =	vbroadcast v4, $0x7;
	v15 =	vld [tilespmem:s0+$0xFFFFFF10]  }
0x54: {  	v12 =	vadd.f32 v12, v14;
	v5 =	vmul.f32 v5, v25;
	v13 =	vadd.f32 v13, v19;
	v20 =	vld [tilespmem:s0+$0xFFFFFF00]  }
0x55: {  	v2 =	vmul.f32 v2, v4;
	v4 =	vadd.f32 v6, v10;
	v14 =	vld [tilespmem:s0+$0xFFFFFF90];
	v19 =	vbroadcast v31, $0xA  }
0x56: {  	v3 =	vadd.f32 v3, v16;
	v10 =	vmul.f32 v0, v22;
	v6 =	vbroadcast v31, $0x2;
	v25 =	vld [tilespmem:s0+$0xFFFFFFB0]  }
0x57: {  	v5 =	vadd.f32 v2, v5;
	v16 =	vbroadcast v31, $0x0;
	v26 =	vbroadcast v31, $0xF;
	v22 =	vld [tilespmem:s0+$0xFFFFFF60]  }
0x58: {  	v8 =	vadd.f32 v3, v8;
	v30 =	vbroadcast v31, $0x8;
	v32 =	vbroadcast v31, $0x9;
	v0 =	vld [tilespmem:s0+$0x10]  }
0x59: {  	v9 =	vadd.f32 v10, v9;
	v3 =	vmul.f32 v27, v26;
	v20 =	vmul.f32 v20, v16;
	v2 =	vld [tilespmem:s0+$0x70]  }
0x5a: {  	v4 =	vadd.f32 v17, v4;
	v10 =	vbroadcast v31, $0x4;
	v14 =	vmul.f32 v14, v32;
	v26 =	vld [tilespmem:s0+$0xFFFFFFC0]  }
0x5b: {  	v9 =	vadd.f32 v11, v9;
	v17 =	vmul.f32 v29, v30;
	v27 =	vbroadcast v31, $0xE;
	v16 =	vld [tilespmem:s0+$0xFFFFFF70]  }
0x5c: {  	s21 =	sand.u32 $0x1C00, s25;
	s25 =	smov.u32 s31;
	v13 =	vadd.f32 v13, v4;
	v11 =	vmul.f32 v28, v10;
	v19 =	vmul.f32 v23, v19;
	v10 =	vld [tilespmem:s0+$0xFFFFFF50]  }
0x5d: {  	s21 =	sshrl.u32 s21, $0x2;
	v28 =	vbroadcast v31, $0x3;
	v14 =	vadd.f32 v14, v17;
	v17 =	vadd.f32 v5, v18;
	v23 =	vld [tilespmem:s0+$0xFFFFFF30]  }
0x5e: {  	s21 =	sor.u32 $0x12000, s21;
	v8 =	vadd.f32 v8, v12;
	v18 =	vmul.f32 v21, v6;
	v6 =	vbroadcast v31, $0x6;
	v4 =	vld [tilespmem:s3+$0x11010];
	s3 =	sand.u32 $0xE0, s26;
	s26 =	smov.u32 s8  }
0x5f: {  	v12 =	vbroadcast v31, $0x5;
	v21 =	vbroadcast v31, $0xB;
	v9 =	vadd.f32 v17, v9;
	v5 =	vld [tilespmem:s0+$0x60];
	s3 =	sor.u32 s3, s21  }
0x60: {  	v17 =	vmul.f32 v22, v6;
	v22 =	vbroadcast v31, $0x7;
	v6 =	vld [tilespmem:s0+$0x90];
	[tilespmem:s3+$0x0] =	vst v8;
	s3 =	sand.u32 $0xF0, s28;
	s28 =	smov.u32 s29  }
0x61: {  	v9 =	vadd.f32 v13, v9;
	v8 =	vmul.f32 v10, v12;
	v10 =	vmul.f32 v24, v27;
	v24 =	vld [tilespmem:s0+$0xF0];
	s3 =	sor.u32 s3, s21  }
0x62: {  	v12 =	vmul.f32 v16, v22;
	v22 =	vbroadcast v31, $0xC;
	v16 =	vld [tilespmem:s0+$0xFFFFFFD0]  }
0x63: {  	v21 =	vmul.f32 v25, v21;
	v13 =	vbroadcast v31, $0x1;
	v25 =	vadd.f32 v8, v11;
	v27 =	vld [tilespmem:s0+$0x0];
	[tilespmem:s3+$0x0] =	vst v9  }
0x64: {  	v8 =	vmul.f32 v23, v28;
	v9 =	vadd.f32 v12, v17;
	v29 =	vbroadcast v4, $0xB;
	v11 =	vld [tilespmem:s0+$0x30]  }
0x65: {  	v19 =	vadd.f32 v21, v19;
	v12 =	vmul.f32 v15, v13;
	v15 =	vbroadcast v31, $0xD;
	v13 =	vld [tilespmem:s0+$0x80]  }
0x66: {  	v21 =	vbroadcast v4, $0x0;
	v23 =	vbroadcast v4, $0xF;
	v18 =	vadd.f32 v8, v18;
	v17 =	vld [tilespmem:s0+$0xA0]  }
.Ltmp0:
0x67: {  	v28 =	vadd.f32 v12, v20;
	v8 =	vadd.f32 v19, v14;
	v16 =	vmul.f32 v16, v15;
	v20 =	vld [tilespmem:s0+$0x20];
	(pc) =	sbr.rel @p0 .LBB2_3-.Ltmp0, $4  }
0x68: {  	v12 =	vadd.f32 v9, v25;
	v15 =	vmul.f32 v24, v23;
	v9 =	vmul.f32 v27, v21;
	v19 =	vld [tilespmem:s0+$0x40]  }
0x69: {  	v14 =	vadd.f32 v18, v28;
	v23 =	vbroadcast v4, $0xA;
	v27 =	vbroadcast v4, $0x2;
	v21 =	vld [tilespmem:s0+$0xD0]  }
0x6a: {  	v18 =	vmul.f32 v26, v22;
	v24 =	vbroadcast v4, $0xE;
	v22 =	vld [tilespmem:s0+$0xE0]  }
0x6b: {  	s31 =	sadd.s32 $0x80, s31;
	v28 =	vbroadcast v4, $0x4;
	v26 =	vmul.f32 v7, v29;
	v25 =	vld [tilespmem:s0+$0x50];
	s0 =	sadd.s32 $0x200, s0  }
0x6c: {  	v7 =	vmul.f32 v20, v27;
	v20 =	vbroadcast v4, $0xD  }
0x6d: {  	v17 =	vmul.f32 v17, v23;
	v23 =	vbroadcast v4, $0x5  }
0x6e: {  	v16 =	vadd.f32 v16, v18;
	v18 =	vbroadcast v4, $0x3;
	v19 =	vmul.f32 v19, v28  }
0x6f: {  	v20 =	vmul.f32 v21, v20;
	v21 =	vbroadcast v4, $0xC  }
0x70: {  	v22 =	vmul.f32 v22, v24;
	v24 =	vbroadcast v4, $0x8  }
0x71: {  	v3 =	vadd.f32 v3, v10;
	v11 =	vmul.f32 v11, v18;
	v23 =	vmul.f32 v25, v23  }
0x72: {  	v17 =	vadd.f32 v26, v17;
	v1 =	vmul.f32 v1, v21;
	v10 =	vmul.f32 v13, v24  }
0x73: {  	v13 =	vbroadcast v4, $0x9;
	v18 =	vadd.f32 v23, v19;
	v19 =	vbroadcast v4, $0x6  }
0x74: {  	v1 =	vadd.f32 v20, v1;
	v20 =	vbroadcast v4, $0x1;
	v4 =	vbroadcast v4, $0x7  }
0x75: {  	v3 =	vadd.f32 v3, v16;
	v6 =	vmul.f32 v6, v13;
	v5 =	vmul.f32 v5, v19  }
0x76: {  	v7 =	vadd.f32 v11, v7;
	v2 =	vmul.f32 v2, v4;
	v0 =	vmul.f32 v0, v20  }
0x77: {  	v13 =	vadd.f32 v15, v22;
	v4 =	vadd.f32 v6, v10  }
0x78: {  	v2 =	vadd.f32 v2, v5;
	v0 =	vadd.f32 v0, v9  }
0x79: {  	v1 =	vadd.f32 v13, v1;
	v4 =	vadd.f32 v17, v4  }
0x7a: {  	v0 =	vadd.f32 v7, v0;
	v2 =	vadd.f32 v2, v18  }
0x7b: {  	s0 =	sand.u32 $0x1C00, s25;
	v3 =	vadd.f32 v3, v8;
	v5 =	vadd.f32 v12, v14  }
0x7c: {  	s0 =	sshrl.u32 s0, $0x2;
	v1 =	vadd.f32 v1, v4;
	v0 =	vadd.f32 v2, v0  }
0x7d: {  	s3 =	sand.u32 $0xE0, s26;
	s0 =	sor.u32 $0x12000, s0;
	v2 =	vadd.f32 v3, v5  }
0x7e: {  	s8 =	sand.u32 $0xF0, s28;
	s3 =	sor.u32 s3, s0;
	v0 =	vadd.f32 v1, v0  }
0x7f: {  	s0 =	sor.u32 s8, s0;
	[tilespmem:s3+$0x0] =	vst v2  }
0x80: {  	s25 =	sadd.s32 s6, s24;
	s24 =	simm.s32 $0x0;
	[tilespmem:s0+$0x0] =	vst v0  }
0x81: {  	[hbm4b:s25+s24] =	stream.linear.scatter [tilespmem:s16], [sflag:$0x3], $0x800, $0x38;
	[tilespmem:$0x13000] =	vst v63  }
0x82: {  	_ =	swait.ge [sflag:s17], $0x8000  }
0x83: {  	[sflag:s17] =	ssyncset.done $0x0  }
0x84: {  	s26 =	simm.s32 $0x9100;
	[sflag:s17] =	ssyncadd.s32 $0xFFFF8000  }
0x85: {  	v7 =	vld [tilespmem:s26+$0xB0]  }
0x86: {  	v4 =	vld [tilespmem:s26+$0xFFFFFF80]  }
0x87: {  	v5 =	vld [tilespmem:s26+$0xFFFFFFA0]  }
0x88: {  	v3 =	vld [tilespmem:s26+$0xFFFFFFF0]  }
0x89: {  	v8 =	vld [tilespmem:s26+$0xFFFFFFE0]  }
0x8a: {  	s31 =	simm.s32 $0x0;
	v6 =	vld [tilespmem:s26+$0xFFFFFF40]  }
0x8b: {  	v9 =	vld [tilespmem:s31+$0x11800]  }
0x8c: {  	v1 =	vld [tilespmem:s26+$0xC0]  }
0x8d: {  	v10 =	vld [tilespmem:s26+$0xFFFFFF20]  }
0x8e: {  	v12 =	vld [tilespmem:s26+$0xFFFFFF10]  }
0x8f: {  	v11 =	vld [tilespmem:s26+$0xFFFFFF00]  }
0x90: {  	v13 =	vld [tilespmem:s26+$0xFFFFFF90]  }
0x91: {  	v14 =	vld [tilespmem:s26+$0xFFFFFFB0]  }
0x92: {  	v17 =	vld [tilespmem:s26+$0xFFFFFF60];
	v15 =	vbroadcast v9, $0xA;
	v16 =	vbroadcast v9, $0x2  }
0x93: {  	v0 =	vld [tilespmem:s26+$0x10];
	v18 =	vbroadcast v9, $0x0;
	v19 =	vbroadcast v9, $0xF  }
0x94: {  	v2 =	vld [tilespmem:s26+$0x70];
	v20 =	vbroadcast v9, $0x8;
	v21 =	vbroadcast v9, $0x9  }
0x95: {  	v22 =	vld [tilespmem:s26+$0xFFFFFFC0];
	v25 =	vbroadcast v9, $0x3;
	v26 =	vbroadcast v9, $0x5  }
0x96: {  	v23 =	vld [tilespmem:s26+$0xFFFFFF50];
	v27 =	vbroadcast v9, $0xB;
	v28 =	vbroadcast v9, $0x7  }
0x97: {  	v24 =	vld [tilespmem:s26+$0xFFFFFF30];
	v18 =	vmul.f32 v11, v18;
	v3 =	vmul.f32 v3, v19  }
0x98: {  	v29 =	vld [tilespmem:s26+$0x0];
	v11 =	vbroadcast v9, $0x4;
	v13 =	vmul.f32 v13, v21  }
0x99: {  	v19 =	vld [tilespmem:s26+$0xFFFFFF70];
	v20 =	vmul.f32 v4, v20;
	v21 =	vbroadcast v9, $0xE  }
0x9a: {  	v15 =	vmul.f32 v5, v15;
	v16 =	vmul.f32 v10, v16;
	v4 =	vld [tilespmem:s31+$0x11810]  }
0x9b: {  	v10 =	vbroadcast v9, $0x6;
	v5 =	vld [tilespmem:s26+$0x60];
	v23 =	vmul.f32 v23, v26  }
0x9c: {  	v26 =	vld [tilespmem:s26+$0xF0];
	v14 =	vmul.f32 v14, v27;
	v11 =	vmul.f32 v6, v11  }
0x9d: {  	v6 =	vld [tilespmem:s26+$0x90];
	v17 =	vmul.f32 v17, v10;
	v10 =	vmul.f32 v8, v21  }
0x9e: {  	v21 =	vadd.f32 v13, v20;
	v20 =	vmul.f32 v24, v25;
	v8 =	vmul.f32 v19, v28;
	v19 =	vld [tilespmem:s26+$0xFFFFFFD0]  }
0x9f: {  	v13 =	vbroadcast v9, $0x1;
	v30 =	vadd.f32 v23, v11;
	v11 =	vld [tilespmem:s26+$0x30];
	v28 =	vbroadcast v9, $0xC  }
0xa0: {  	v25 =	vadd.f32 v20, v16;
	v20 =	vld [tilespmem:s26+$0x20];
	v9 =	vbroadcast v9, $0xD;
	v31 =	vbroadcast v4, $0xB  }
0xa1: {  	v27 =	vbroadcast v4, $0x2;
	v24 =	vadd.f32 v8, v17;
	v8 =	vmul.f32 v12, v13;
	v13 =	vld [tilespmem:s26+$0x80]  }
0xa2: {  	v23 =	vbroadcast v4, $0xA;
	v12 =	vadd.f32 v14, v15;
	v17 =	vld [tilespmem:s26+$0xA0];
	v15 =	vbroadcast v4, $0xF  }
0xa3: {  	v14 =	vbroadcast v4, $0x0;
	v32 =	vadd.f32 v8, v18;
	v16 =	vmul.f32 v19, v9;
	v19 =	vld [tilespmem:s26+$0x40]  }
0xa4: {  	v15 =	vmul.f32 v26, v15;
	v8 =	vadd.f32 v12, v21;
	v21 =	vld [tilespmem:s26+$0xD0];
	v18 =	vmul.f32 v22, v28  }
0xa5: {  	s28 =	simm.s32 $0x10;
	s29 =	simm.s32 $0x0;
	s30 =	simm.s32 $0x80;
	v12 =	vadd.f32 v24, v30;
	v22 =	vld [tilespmem:s26+$0xE0];
	v24 =	vbroadcast v4, $0xE;
	v28 =	vbroadcast v4, $0x4  }
0xa6: {  	s0 =	simm.s32 $0x9300;
	s25 =	simm.s32 $0x0;
	v26 =	vmul.f32 v7, v31;
	v9 =	vmul.f32 v29, v14;
	v14 =	vadd.f32 v25, v32;
	v25 =	vld [tilespmem:s26+$0x50];
	s26 =	simm.s32 $0x10  }
.LBB2_5:
0xa7: {  	s3 =	sshra.s32 s30, $0x2;
	v7 =	vld [tilespmem:s0+$0xB0];
	s29 =	sadd.s32 $0x2, s29;
	v20 =	vmul.f32 v20, v27;
	v27 =	vbroadcast v4, $0xD;
	s28 =	sadd.s32 $0x20, s28  }
0xa8: {  	v17 =	vmul.f32 v17, v23;
	v29 =	vld [tilespmem:s0+$0xFFFFFF80];
	s8 =	sadd.s32 $0xFFFFFFF0, s28;
	p0 =	slt.u32 s29, $0x7E;
	v19 =	vmul.f32 v19, v28  }
0xa9: {  	v28 =	vbroadcast v4, $0x5;
	v23 =	vld [tilespmem:s0+$0xFFFFFFA0];
	v21 =	vmul.f32 v21, v27  }
0xaa: {  	v30 =	vbroadcast v4, $0xC;
	v17 =	vadd.f32 v26, v17;
	v27 =	vld [tilespmem:s0+$0xFFFFFFF0];
	v22 =	vmul.f32 v22, v24  }
0xab: {  	v26 =	vbroadcast v4, $0x8;
	v24 =	vld [tilespmem:s0+$0xFFFFFFE0];
	v25 =	vmul.f32 v25, v28  }
0xac: {  	v16 =	vadd.f32 v16, v18;
	v18 =	vbroadcast v4, $0x3;
	v30 =	vmul.f32 v1, v30;
	v28 =	vld [tilespmem:s0+$0xFFFFFF40]  }
0xad: {  	v3 =	vadd.f32 v3, v10;
	v10 =	vmul.f32 v13, v26;
	v13 =	vbroadcast v4, $0x9;
	v31 =	vld [tilespmem:s3+$0x11800]  }
0xae: {  	v11 =	vmul.f32 v11, v18;
	v18 =	vadd.f32 v25, v19;
	v19 =	vadd.f32 v21, v30;
	v1 =	vld [tilespmem:s0+$0xC0]  }
0xaf: {  	v25 =	vbroadcast v4, $0x6;
	v6 =	vmul.f32 v6, v13;
	v13 =	vadd.f32 v15, v22;
	v21 =	vld [tilespmem:s0+$0xFFFFFF20]  }
0xb0: {  	v11 =	vadd.f32 v11, v20;
	v22 =	vbroadcast v4, $0x1;
	v4 =	vbroadcast v4, $0x7;
	v15 =	vld [tilespmem:s0+$0xFFFFFF10]  }
0xb1: {  	v12 =	vadd.f32 v12, v14;
	v5 =	vmul.f32 v5, v25;
	v13 =	vadd.f32 v13, v19;
	v20 =	vld [tilespmem:s0+$0xFFFFFF00]  }
0xb2: {  	v2 =	vmul.f32 v2, v4;
	v4 =	vadd.f32 v6, v10;
	v14 =	vld [tilespmem:s0+$0xFFFFFF90];
	v19 =	vbroadcast v31, $0xA  }
0xb3: {  	v3 =	vadd.f32 v3, v16;
	v10 =	vmul.f32 v0, v22;
	v6 =	vbroadcast v31, $0x2;
	v25 =	vld [tilespmem:s0+$0xFFFFFFB0]  }
0xb4: {  	v5 =	vadd.f32 v2, v5;
	v16 =	vbroadcast v31, $0x0;
	v26 =	vbroadcast v31, $0xF;
	v22 =	vld [tilespmem:s0+$0xFFFFFF60]  }
0xb5: {  	v8 =	vadd.f32 v3, v8;
	v30 =	vbroadcast v31, $0x8;
	v32 =	vbroadcast v31, $0x9;
	v0 =	vld [tilespmem:s0+$0x10]  }
0xb6: {  	v9 =	vadd.f32 v10, v9;
	v3 =	vmul.f32 v27, v26;
	v20 =	vmul.f32 v20, v16;
	v2 =	vld [tilespmem:s0+$0x70]  }
0xb7: {  	v4 =	vadd.f32 v17, v4;
	v10 =	vbroadcast v31, $0x4;
	v14 =	vmul.f32 v14, v32;
	v26 =	vld [tilespmem:s0+$0xFFFFFFC0]  }
0xb8: {  	v9 =	vadd.f32 v11, v9;
	v17 =	vmul.f32 v29, v30;
	v27 =	vbroadcast v31, $0xE;
	v16 =	vld [tilespmem:s0+$0xFFFFFF70]  }
0xb9: {  	s21 =	sand.u32 $0x1C00, s24;
	s24 =	smov.u32 s30;
	v13 =	vadd.f32 v13, v4;
	v11 =	vmul.f32 v28, v10;
	v19 =	vmul.f32 v23, v19;
	v10 =	vld [tilespmem:s0+$0xFFFFFF50]  }
0xba: {  	s21 =	sshrl.u32 s21, $0x2;
	v28 =	vbroadcast v31, $0x3;
	v14 =	vadd.f32 v14, v17;
	v17 =	vadd.f32 v5, v18;
	v23 =	vld [tilespmem:s0+$0xFFFFFF30]  }
0xbb: {  	s21 =	sor.u32 $0x12800, s21;
	v8 =	vadd.f32 v8, v12;
	v18 =	vmul.f32 v21, v6;
	v6 =	vbroadcast v31, $0x6;
	v4 =	vld [tilespmem:s3+$0x11810];
	s3 =	sand.u32 $0xE0, s25;
	s25 =	smov.u32 s8  }
0xbc: {  	v12 =	vbroadcast v31, $0x5;
	v21 =	vbroadcast v31, $0xB;
	v9 =	vadd.f32 v17, v9;
	v5 =	vld [tilespmem:s0+$0x60];
	s3 =	sor.u32 s3, s21  }
0xbd: {  	v17 =	vmul.f32 v22, v6;
	v22 =	vbroadcast v31, $0x7;
	v6 =	vld [tilespmem:s0+$0x90];
	[tilespmem:s3+$0x0] =	vst v8;
	s3 =	sand.u32 $0xF0, s26;
	s26 =	smov.u32 s28  }
0xbe: {  	v9 =	vadd.f32 v13, v9;
	v8 =	vmul.f32 v10, v12;
	v10 =	vmul.f32 v24, v27;
	v24 =	vld [tilespmem:s0+$0xF0];
	s3 =	sor.u32 s3, s21  }
0xbf: {  	v12 =	vmul.f32 v16, v22;
	v22 =	vbroadcast v31, $0xC;
	v16 =	vld [tilespmem:s0+$0xFFFFFFD0]  }
0xc0: {  	v21 =	vmul.f32 v25, v21;
	v13 =	vbroadcast v31, $0x1;
	v25 =	vadd.f32 v8, v11;
	v27 =	vld [tilespmem:s0+$0x0];
	[tilespmem:s3+$0x0] =	vst v9  }
0xc1: {  	v8 =	vmul.f32 v23, v28;
	v9 =	vadd.f32 v12, v17;
	v29 =	vbroadcast v4, $0xB;
	v11 =	vld [tilespmem:s0+$0x30]  }
0xc2: {  	v19 =	vadd.f32 v21, v19;
	v12 =	vmul.f32 v15, v13;
	v15 =	vbroadcast v31, $0xD;
	v13 =	vld [tilespmem:s0+$0x80]  }
0xc3: {  	v21 =	vbroadcast v4, $0x0;
	v23 =	vbroadcast v4, $0xF;
	v18 =	vadd.f32 v8, v18;
	v17 =	vld [tilespmem:s0+$0xA0]  }
.Ltmp1:
0xc4: {  	v28 =	vadd.f32 v12, v20;
	v8 =	vadd.f32 v19, v14;
	v16 =	vmul.f32 v16, v15;
	v20 =	vld [tilespmem:s0+$0x20];
	(pc) =	sbr.rel @p0 .LBB2_5-.Ltmp1, $4  }
0xc5: {  	v12 =	vadd.f32 v9, v25;
	v15 =	vmul.f32 v24, v23;
	v9 =	vmul.f32 v27, v21;
	v19 =	vld [tilespmem:s0+$0x40]  }
0xc6: {  	v14 =	vadd.f32 v18, v28;
	v23 =	vbroadcast v4, $0xA;
	v27 =	vbroadcast v4, $0x2;
	v21 =	vld [tilespmem:s0+$0xD0]  }
0xc7: {  	v18 =	vmul.f32 v26, v22;
	v24 =	vbroadcast v4, $0xE;
	v22 =	vld [tilespmem:s0+$0xE0]  }
0xc8: {  	s30 =	sadd.s32 $0x80, s30;
	v28 =	vbroadcast v4, $0x4;
	v26 =	vmul.f32 v7, v29;
	v25 =	vld [tilespmem:s0+$0x50];
	s0 =	sadd.s32 $0x200, s0  }
0xc9: {  	v7 =	vmul.f32 v20, v27;
	v49 =	vbroadcast v4, $0xD  }
0xca: {  	v17 =	vmul.f32 v17, v23;
	v50 =	vbroadcast v4, $0x5  }
0xcb: {  	v51 =	vbroadcast v4, $0xC;
	v52 =	vbroadcast v4, $0x8  }
0xcc: {  	v53 =	vbroadcast v4, $0x3;
	v55 =	vbroadcast v4, $0x9  }
0xcd: {  	v57 =	vbroadcast v4, $0x6;
	v58 =	vbroadcast v4, $0x1  }
0xce: {  	v59 =	vbroadcast v4, $0x7;
	v19 =	vmul.f32 v19, v28  }
0xcf: {  	v20 =	vmul.f32 v21, v49;
	v1 =	vmul.f32 v1, v51  }
0xd0: {  	v16 =	vadd.f32 v16, v18;
	v54 =	vmul.f32 v13, v52;
	v11 =	vmul.f32 v11, v53  }
0xd1: {  	v3 =	vadd.f32 v3, v10;
	v6 =	vmul.f32 v6, v55;
	v5 =	vmul.f32 v5, v57  }
0xd2: {  	v17 =	vadd.f32 v26, v17;
	v2 =	vmul.f32 v2, v59;
	v0 =	vmul.f32 v0, v58  }
0xd3: {  	v3 =	vadd.f32 v3, v16;
	v22 =	vmul.f32 v22, v24;
	v1 =	vadd.f32 v20, v1  }
0xd4: {  	v23 =	vmul.f32 v25, v50;
	v7 =	vadd.f32 v11, v7;
	v61 =	vadd.f32 v6, v54  }
0xd5: {  	v2 =	vadd.f32 v2, v5;
	v0 =	vadd.f32 v0, v9  }
0xd6: {  	v60 =	vadd.f32 v15, v22;
	v56 =	vadd.f32 v23, v19  }
0xd7: {  	v4 =	vadd.f32 v17, v61;
	v0 =	vadd.f32 v7, v0  }
0xd8: {  	v1 =	vadd.f32 v60, v1;
	v2 =	vadd.f32 v2, v56  }
0xd9: {  	v62 =	vadd.f32 v12, v14;
	s0 =	sand.u32 $0x1C00, s24;
	v3 =	vadd.f32 v3, v8  }
0xda: {  	s0 =	sshrl.u32 s0, $0x2;
	v1 =	vadd.f32 v1, v4;
	v0 =	vadd.f32 v2, v0  }
0xdb: {  	s3 =	sand.u32 $0xE0, s25;
	s0 =	sor.u32 $0x12800, s0;
	v63 =	vadd.f32 v3, v62  }
0xdc: {  	s8 =	sand.u32 $0xF0, s26;
	s3 =	sor.u32 s3, s0;
	v0 =	vadd.f32 v1, v0  }
0xdd: {  	s0 =	sor.u32 s8, s0;
	[tilespmem:s3+$0x0] =	vst v63  }
0xde: {  	s31 =	sadd.s32 s6, s23;
	s22 =	sadd.s32 $0x1, s22;
	[tilespmem:s0+$0x0] =	vst v0  }
0xdf: {  	[hbm4b:s31+s1] =	stream.linear.scatter [tilespmem:s18], [sflag:$0x4], $0x800, $0x38;
	[tilespmem:$0x13000] =	vst v63  }
0xe0: {  	p0 =	sne.s32 s22, $0x20;
	_ =	swait.ge [sflag:s19], $0x800  }
.Ltmp2:
0xe1: {  	[sflag:s19] =	ssyncset.done $0x0;
	(pc) =	sbr.rel @p0 .LBB2_2-.Ltmp2, $4  }
0xe2: {  	[sflag:s19] =	ssyncadd.s32 $0xFFFFF800  }
0xe3: {  	_ =	swait.ge [sflag:s20], $0x800  }
0xe4: {  	[sflag:s20] =	ssyncset.done $0x0  }
0xe5: {  	[sflag:s20] =	ssyncadd.s32 $0xFFFFF800  }
0xe6: {  	s3 =	rddreg [dreg:$0x3]  }
0xe7: {  	s0 =	rddreg [dreg:$0x2];
	s3 =	sadd.s32 $0x1, s3  }
0xe8: {  	p0 =	sne.s32 s3, s0  }
.Ltmp3:
0xe9: {  	_ = 	snop;
	(pc) =	sbr.rel @p0 .LBB2_1-.Ltmp3, $1  }
0xea: {  	_ =	sdelay $0x3  }
0xeb: {  	_ =	sfence.sel $0x180000  }
0xec: {  	[bflag:$0x0] =	sbarrier.arrive $0xFFFF  }
0xed: {  	_ =	strace $0x90000050  }
0xee: {  	s0 =	stileid.u32;
	[bflag:$0x2] =	sbarrier.arrive $0xFFFF  }
0xef: {  	p0 =	sne.s32 s0, $0x0;
	s0 =	rddreg [dreg:$0x1]  }
0xf0: {  	s0 =	sadd.s32 @!p0 $0x100000, s0  }
0xf1: {  	[sflag:s0] =	ssyncadd.tile.s32 @!p0 $0x1;
	_ =	shalt  }
.Lfunc_end2:
_tile_overlayer_lowered:
.L_overlay_start_2:
0xf2: {  	(tag) =	ssettag $0x2  }
0xf3: {  	s0 =	rddreg [dreg:$0x0];
	s2 =	stileid.u32  }
0xf4: {  	s1 =	rddreg [dreg:$0x1];
	p0 =	sne.s32 s2, $0x0  }
0xf5: {  	s3 =	rddreg [dreg:$0x2];
	[bflag:$0x3] =	sbarrier.arrive $0xFFFF;
	s2 =	simm.s32 @!p0 $0x1C05  }
0xf6: {  	[timem:s3], [sflag:s2] =	dma.local @!p0 [hbm:s0], s1  }
0xf7: {  	s0 =	simm.s32 @!p0 $0x5  }
0xf8: {  	_ =	swait.ge @!p0 [sflag:s0], s1  }
0xf9: {  	s1 =	ssub.s32 @!p0 $0x0, s1;
	[sflag:s0] =	ssyncset.done @!p0 $0x0  }
0xfa: {  	[sflag:s0] =	ssyncadd.s32 @!p0 s1  }
0xfb: {  	[bflag:$0x3] =	sbarrier.arrive $0xFFFF  }
0xfc: {  	_ =	shalt  }

// kernel: kernel.8.cloned.1.call-start
scs
__scs_entry_jumppad:
0x0: {  	(pc) =	sbr.rel $0x88, $3  }
0x1: {  	(tag) =	ssettag $0x0;
	lr =	simm.s32 $0x1  }
0x2: {  	[smem:$0x3F98] =	sst lr;
	_ =	strace $0xD0000000  }
0x3: {  	_ = 	snop  }
0x4: {  	_ = 	snop  }
0x5: {  	_ = 	snop  }
0x6: {  	_ = 	snop  }
0x7: {  	_ = 	snop  }
__scs_overlays_trampoline_lowered:
0x8: {  	[smem:$0x3FA7] =	sst s0  }
0x9: {  	[smem:$0x3FA8] =	sst s1  }
0xa: {  	[smem:$0x3FA9] =	sst s2  }
0xb: {  	[smem:$0x3FAA] =	sst s3  }
0xc: {  	[smem:$0x3FAB] =	sst s4  }
0xd: {  	[smem:$0x3FAC] =	sst s5  }
0xe: {  	[smem:$0x3FAD] =	sst s6  }
0xf: {  	[smem:$0x3FAE] =	sst s7  }
0x10: {  	[smem:$0x3FAF] =	sst s8  }
0x11: {  	[smem:$0x3FB0] =	sst s9;
	s0 =	simm.s32 @!p0 $0x0  }
0x12: {  	s1 =	sld [smem:$0x3F96];
	s0 =	simm.s32 @p0 $0x1  }
0x13: {  	[smem:$0x3FB1] =	sst s0;
	s0 =	simm.s32 @!p1 $0x0  }
0x14: {  	s2 =	sld [smem:$0x3F95];
	s0 =	simm.s32 @p1 $0x1  }
0x15: {  	[smem:$0x3FB2] =	sst s0;
	s0 =	simm.s32 @!p2 $0x0  }
0x16: {  	s3 =	sld [smem:$0x3FDB];
	s0 =	simm.s32 @p2 $0x1  }
0x17: {  	s4 =	simm.s32 $0x1BF5;
	[smem:$0x3FB4] =	sst s0  }
0x18: {  	s0 =	sld [smem:$0x3F97];
	_ =	swait.ge [sflag:s4], $0x0  }
0x19: {  	s7 =	sld [smem:$0x3F98]  }
0x1a: {  	s8 =	sadd.s32 $0xFFFFE003, lr  }
0x1b: {  	s9 =	sadd.s32 $0xFFFFFEF7, lr;
	s5 =	simm.s32 $0xFFFFFFFF;
	p2 =	slt.u32 s8, $0xFFFFF086  }
0x1c: {  	p1 =	slt.u32 s9, $0xF7A;
	s5 =	simm.s32 @!p2 $0x0  }
0x1d: {  	s5 =	simm.s32 @p1 $0x1;
	p0 =	seq.s32 s7, s2  }
0x1e: {  	s7 =	smul.u32 @!p0 $0xF7A, s2;
	p2 =	seq.s32 @!p0 s5, $0x0  }
0x1f: {  	s9 =	smul.u32 $0xF7A, s1;
	s8 =	simm.s32 @!p0 $0x1BF5;
	p2 =	por !p2, p0  }
0x20: {  	[sflag:s8] =	ssyncset.s32 @!p0 $0xFFFFF086;
	s6 =	sadd.s32 @!p0 s3, s7;
	s7 =	simm.s32 @!p0 $0x108  }
0x21: {  	s3 =	sadd.s32 s3, s9;
	s6 =	sadd.s32 @!p0 $0x88, s6;
	s7 =	simm.s32 @p2 $0x1082  }
0x22: {  	[simem:s7], [sflag:s8] =	dma.local @!p0 [hbm:s6], $0xF7A  }
0x23: {  	s9 =	sor.u32 $0xD0000000, s2;
	s6 =	simm.s32 $0x108;
	_ =	swait.ge @!p0 [sflag:s8], $0x0  }
0x24: {  	s3 =	sadd.s32 $0x88, s3;
	s6 =	simm.s32 @!p1 $0x1082;
	[sflag:s4] =	ssyncset.s32 $0xFFFFF086  }
0x25: {  	[simem:s6], [sflag:s4] =	dma.local [hbm:s3], $0xF7A  }
0x26: {  	[smem:$0x3F98] =	sst s1;
	(tag) =	ssettag s2;
	_ =	strace s9  }
0x27: {  	s1 =	sld [smem:$0x3FA8]  }
0x28: {  	s2 =	sld [smem:$0x3FA9]  }
0x29: {  	s4 =	sld [smem:$0x3FAB]  }
0x2a: {  	p0 =	seq.s32 s5, $0x0;
	s5 =	sld [smem:$0x3FAC]  }
0x2b: {  	s6 =	sld [smem:$0x3FAD]  }
0x2c: {  	s7 =	sld [smem:$0x3FAE]  }
0x2d: {  	s3 =	simm.s32 $0x108;
	s8 =	sld [smem:$0x3FAF]  }
0x2e: {  	s3 =	simm.s32 @!p0 $0x1082;
	s9 =	sld [smem:$0x3FB0]  }
0x2f: {  	lr =	sadd.s32 s0, s3;
	s0 =	sld [smem:$0x3FA7]  }
0x30: {  	s3 =	sld [smem:$0x3FAA]  }
0x31: {  	[smem:$0x3FB3] =	sst s10  }
0x32: {  	s10 =	sld [smem:$0x3FB1];
	_ =	sdelay $0x3  }
0x33: {  	p0 =	seq.s32 s10, $0x1;
	s10 =	sld [smem:$0x3FB3];
	_ =	sdelay $0x3  }
0x34: {  	[smem:$0x3FB3] =	sst s10  }
0x35: {  	s10 =	sld [smem:$0x3FB2];
	_ =	sdelay $0x3  }
0x36: {  	p1 =	seq.s32 s10, $0x1;
	s10 =	sld [smem:$0x3FB3];
	_ =	sdelay $0x3  }
0x37: {  	[smem:$0x3FB3] =	sst s10  }
0x38: {  	s10 =	sld [smem:$0x3FB4]  }
0x39: {  	_ = 	snop;
	(pc) =	sbr.ind lr, $3  }
0x3a: {  	_ = 	snop  }
0x3b: {  	_ = 	snop  }
0x3c: {  	p2 =	seq.s32 s10, $0x1;
	s10 =	sld [smem:$0x3FB3]  }
0x3d: {  	_ =	shalt  }
0x3e: {  	_ =	shalt  }
0x3f: {  	_ =	shalt  }
0x40: {  	_ =	shalt  }
0x41: {  	_ =	shalt  }
0x42: {  	_ =	shalt  }
0x43: {  	_ =	shalt  }
0x44: {  	_ =	shalt  }
0x45: {  	_ =	shalt  }
0x46: {  	_ =	shalt  }
0x47: {  	_ =	shalt  }
0x48: {  	_ =	shalt  }
0x49: {  	_ =	shalt  }
0x4a: {  	_ =	shalt  }
0x4b: {  	_ =	shalt  }
0x4c: {  	_ =	shalt  }
0x4d: {  	_ =	shalt  }
0x4e: {  	_ =	shalt  }
0x4f: {  	_ =	shalt  }
0x50: {  	_ =	shalt  }
0x51: {  	_ =	shalt  }
0x52: {  	_ =	shalt  }
0x53: {  	_ =	shalt  }
0x54: {  	_ =	shalt  }
0x55: {  	_ =	shalt  }
0x56: {  	_ =	shalt  }
0x57: {  	_ =	shalt  }
0x58: {  	_ =	shalt  }
0x59: {  	_ =	shalt  }
0x5a: {  	_ =	shalt  }
0x5b: {  	_ =	shalt  }
0x5c: {  	_ =	shalt  }
0x5d: {  	_ =	shalt  }
0x5e: {  	_ =	shalt  }
0x5f: {  	_ =	shalt  }
0x60: {  	_ =	shalt  }
0x61: {  	_ =	shalt  }
0x62: {  	_ =	shalt  }
0x63: {  	_ =	shalt  }
0x64: {  	_ =	shalt  }
0x65: {  	_ =	shalt  }
0x66: {  	_ =	shalt  }
0x67: {  	_ =	shalt  }
0x68: {  	_ =	shalt  }
0x69: {  	_ =	shalt  }
0x6a: {  	_ =	shalt  }
0x6b: {  	_ =	shalt  }
0x6c: {  	_ =	shalt  }
0x6d: {  	_ =	shalt  }
0x6e: {  	_ =	shalt  }
0x6f: {  	_ =	shalt  }
0x70: {  	_ =	shalt  }
0x71: {  	_ =	shalt  }
0x72: {  	_ =	shalt  }
0x73: {  	_ =	shalt  }
0x74: {  	_ =	shalt  }
0x75: {  	_ =	shalt  }
0x76: {  	_ =	shalt  }
0x77: {  	_ =	shalt  }
0x78: {  	_ =	shalt  }
0x79: {  	_ =	shalt  }
0x7a: {  	_ =	shalt  }
0x7b: {  	_ =	shalt  }
0x7c: {  	_ =	shalt  }
0x7d: {  	_ =	shalt  }
0x7e: {  	_ =	shalt  }
0x7f: {  	_ =	shalt  }
0x80: {  	_ =	shalt  }
0x81: {  	_ =	shalt  }
0x82: {  	_ =	shalt  }
0x83: {  	_ =	shalt  }
0x84: {  	_ =	shalt  }
0x85: {  	_ =	shalt  }
0x86: {  	_ =	shalt  }
0x87: {  	_ =	shalt  }
.Lfunc_end0:
.L_simem_size_0:
called_computation_lowered:
.L_overlay_start_0:
0x88: {  	s2 =	sld [smem:$0x3FD9]  }
0x89: {  	s3 =	sld [smem:$0x3FFE];
	_ =	sdelay $0x1  }
0x8a: {  	s1 =	srdreg.scid  }
0x8b: {  	s0 =	sand.u32 $0x1, s1  }
0x8c: {  	s17 =	sshll.u32 s0, $0xA;
	s2 =	sadd.s32 s3, s2  }
0x8d: {  	s2 =	sadd.s32 s2, s17  }
0x8e: {  	[smem:$0x3FBF] =	sst s2  }
0x8f: {  	_ = 	snop  }
0x90: {  	s2 =	sld [smem:$0x3FC9];
	(tm) =	ssettm $0x1  }
0x91: {  	s18 =	sld [smem:$0x3FFB];
	_ =	sdelay $0x3  }
0x92: {  	_ =	strace s18  }
0x93: {  	s3 =	sld [smem:$0x3FFC];
	_ =	sdelay $0x3  }
0x94: {  	_ =	strace s3  }
0x95: {  	s3 =	sld [smem:$0x3FFD];
	_ =	sdelay $0x3  }
0x96: {  	_ =	strace s3  }
0x97: {  	_ =	strace $0x8FFFFFFF  }
0x98: {  	s19 =	sld [smem:$0x3FDB];
	_ =	sdelay $0x1  }
0x99: {  	s4 =	simm.s32 $_scs_section_size  }
0x9a: {  	s5 =	simm.s32 $_size__tile_overlayer_lowered;
	s6 =	simm.s32 $_tile_overlayer_lowered  }
0x9b: {  	s22 =	simm.s32 $0x1BFF;
	s21 =	sshll.u32 s6, $0x1;
	s3 =	sadd.s32 s4, s19  }
0x9c: {  	s7 =	simm.s32 $0x0;
	s20 =	sshll.u32 s5, $0x1;
	s5 =	sadd.s32 s21, s3  }
0x9d: {  	[timem:s7], [sflag:s22] =	dma.local [hbm:s5], s20  }
0x9e: {  	_ =	swait.ge [sflag:s22], s20  }
0x9f: {  	s4 =	ssub.s32 $0x0, s20;
	[sflag:s22] =	ssyncset.done $0x0  }
0xa0: {  	[sflag:s22] =	ssyncadd.s32 s4;
	_ =	sdelay $0x1  }
0xa1: {  	s23 =	simm.s32 $0x1B8B  }
0xa2: {  	_ =	swait.ge [sflag:s23], $0x1  }
0xa3: {  	[sflag:s23] =	ssyncset.done $0x0  }
0xa4: {  	s25 =	simm.s32 $0x1B8E;
	s24 =	sld [smem:$0x3FFE];
	[sflag:s23] =	ssyncadd.s32 $0xFFFFFFFF  }
0xa5: {  	s26 =	simm.s32 $execute0_lowered;
	[smem:$0x3FD2] =	sst s25  }
0xa6: {  	s5 =	sshll.u32 s26, $0x1;
	_ =	strace $0x80000046;
	[dreg:$0x1] =	wrdreg $0xFFFFFFFF  }
0xa7: {  	s28 =	simm.s32 $_size_execute0_lowered;
	s3 =	sadd.s32 s3, s5;
	[dreg:$0x0] =	wrdreg $0x0  }
0xa8: {  	s5 =	sshll.u32 s28, $0x1;
	[dreg:$0x2] =	wrdreg s3  }
0xa9: {  	[dreg:$0x3] =	wrdreg s5  }
0xaa: {  	[dreg:$0x4] =	wrdreg $0xC0  }
0xab: {  	_ =	task [dreg:s7], $0x5FFFF  }
0xac: {  	[dreg:$0x1] =	wrdreg $0xFFFFFFFF  }
0xad: {  	[dreg:$0x0] =	wrdreg $0x60  }
0xae: {  	[dreg:$0x2] =	wrdreg s2  }
0xaf: {  	[dreg:$0x3] =	wrdreg s24  }
0xb0: {  	[dreg:$0x4] =	wrdreg $0x9  }
0xb1: {  	_ =	task.clear_ibuf [dreg:s7], $0x5FFFF;
	_ =	strace $0x90000046  }
0xb2: {  	s29 =	simm.s32 $0x9;
	_ =	strace $0x80000048  }
0xb3: {  	_ =	swait.ge [sflag:s29], $0x1  }
0xb4: {  	[sflag:s29] =	ssyncadd.s32 $0xFFFFFFFF  }
0xb5: {  	_ =	strace $0x90000048  }
0xb6: {  	_ =	sfence  }
0xb7: {  	s30 =	sld [smem:$0x0];
	_ =	sdelay $0x2  }
0xb8: {  	s31 =	sshll.u32 s1, $0xD;
	s1 =	sshrl.u32 s1, $0x2  }
0xb9: {  	s3 =	sand.u32 $0x4000, s31;
	s1 =	sadd.s32 s1, s30  }
0xba: {  	s0 =	sor.u32 s3, s0;
	s1 =	sshll.u32 s1, $0x11  }
0xbb: {  	s0 =	sor.u32 s1, s0  }
0xbc: {  	s0 =	sadd.s32 $0x8F2B, s0  }
0xbd: {  	[sflag:s0] =	ssyncadd.remote.s32 $0x1  }
0xbe: {  	_ =	sfence.sel $0xFFFF  }
0xbf: {  	[dreg:$0x0] =	wrdreg $0xFFFFFFFF;
	(pc) =	sbr.abs _section_cstart, $3  }
0xc0: {  	[dreg:$0x1] =	wrdreg $0xFFFFFFFF  }
0xc1: {  	_ =	task.clear_ibuf [dreg:s7], $0x2FFFF;
	_ =	strace $0x9FFFFFFF  }
0xc2: {  	(tm) =	ssettm $0x7FFFFFFF  }
0xc3: {  	_ =	shalt  }
tec
execute0_lowered:
.L_overlay_start_1:
0x0: {  	(tag) =	ssettag $0x1  }
0x1: {  	s1 =	srdreg.scid  }
0x2: {  	s3 =	rddreg [dreg:$0x0];
	s0 =	stileid.u32  }
0x3: {  	s8 =	rddreg [dreg:$0x1];
	s2 =	simm.s32 $0x0;
	s6 =	sand.u32 $0x1, s1  }
0x4: {  	s4 =	sshll.u32 s0, $0xA;
	s1 =	rddreg [dreg:$0x2];
	s5 =	sshll.u32 s6, $0x9  }
0x5: {  	s7 =	simm.s32 $0x1;
	[smem:$0x7FF] =	sst s2;
	s9 =	sor.u32 s5, s4  }
0x6: {  	_ =	strace $0x80000047;
	s10 =	ssub.s32 $0x2, s6;
	s4 =	sshrl.u32 s9, $0x3  }
0x7: {  	s6 =	simm.s32 $0x200;
	s4 =	sadd.s32 s3, s4;
	s3 =	simm.s32 $0x2  }
0x8: {  	[tilespmem:s2], [sflag:$0x2] =	stream.linear.gather [hbm4b:s4+s2], $0x200, $0x38;
	[tilespmem:$0x2200] =	vst v63  }
0x9: {  	s5 =	sadd.s32 $0x18A800, s8;
	s11 =	sshrl.u32 s10, $0x1;
	_ =	swait.ge [sflag:s3], $0x200  }
0xa: {  	s9 =	sshll.u32 s9, $0x1;
	s31 =	ssub.s32 s10, s11;
	[sflag:s3] =	ssyncset.done $0x0  }
0xb: {  	s8 =	sadd.s32 s9, s8;
	s9 =	smax.u32 s31, $0x1;
	[sflag:s3] =	ssyncadd.s32 $0xFFFFFE00  }
0xc: {  	[tilespmem:s6], [sflag:$0x1] =	stream.indirect.gather [hbm4b:s5+s6], $0x10, s2, s6, $0xb8;
	[tilespmem:$0x2200] =	vst v63  }
0xd: {  	p0 =	sne.s32 s9, $0x1;
	_ =	swait.ge [sflag:s7], $0x2000  }
.Ltmp0:
0xe: {  	[sflag:s7] =	ssyncset.done $0x0;
	(pc) =	sbr.rel @!p0 .LBB2_2-.Ltmp0, $4  }
0xf: {  	s8 =	sadd.s32 $0x3E00, s8;
	[sflag:s7] =	ssyncadd.s32 $0xFFFFE000  }
0x10: {  	[hbm4b:s8+s2] =	stream.linear.scatter [tilespmem:s6], [sflag:$0x2], $0x2000, $0x38;
	[tilespmem:$0x2200] =	vst v63  }
0x11: {  	_ =	swait.ge [sflag:s3], $0x2000  }
0x12: {  	s9 =	sadd.s32 $0xFFFFFFFF, s9;
	[sflag:s3] =	ssyncset.done $0x0  }
.LBB2_1:
0x13: {  	p0 =	sne.s32 s9, $0x1;
	s9 =	sadd.s32 $0xFFFFFFFF, s9;
	[sflag:s3] =	ssyncadd.s32 $0xFFFFE000  }
0x14: {  	[tilespmem:s2], [sflag:$0x2] =	stream.linear.gather [hbm4b:s4+s2], $0x200, $0x38;
	[tilespmem:$0x2200] =	vst v63  }
0x15: {  	_ =	swait.ge [sflag:s3], $0x200  }
0x16: {  	[sflag:s3] =	ssyncset.done $0x0  }
0x17: {  	[sflag:s3] =	ssyncadd.s32 $0xFFFFFE00  }
0x18: {  	[tilespmem:s6], [sflag:$0x1] =	stream.indirect.gather [hbm4b:s5+s6], $0x10, s2, s6, $0xb8;
	[tilespmem:$0x2200] =	vst v63  }
0x19: {  	_ =	swait.ge [sflag:s7], $0x2000  }
.Ltmp1:
0x1a: {  	[sflag:s7] =	ssyncset.done $0x0;
	(pc) =	sbr.rel @p0 .LBB2_1-.Ltmp1, $4  }
0x1b: {  	[sflag:s7] =	ssyncadd.s32 $0xFFFFE000  }
0x1c: {  	[hbm4b:s8+s2] =	stream.linear.scatter [tilespmem:s6], [sflag:$0x2], $0x2000, $0x38;
	[tilespmem:$0x2200] =	vst v63  }
0x1d: {  	_ =	swait.ge [sflag:s3], $0x2000  }
0x1e: {  	[sflag:s3] =	ssyncset.done $0x0  }
.LBB2_2:
0x1f: {  	[sflag:s3] =	ssyncadd.s32 $0xFFFFE000  }
0x20: {  	_ =	sfence.sel $0x180000  }
0x21: {  	[bflag:$0x0] =	sbarrier.arrive $0xFFFF  }
0x22: {  	p0 =	sne.s32 s0, $0x0;
	_ =	strace $0x90000047  }
0x23: {  	s0 =	sadd.s32 @!p0 $0x100000, s1;
	[bflag:$0x2] =	sbarrier.arrive $0xFFFF  }
0x24: {  	[sflag:s0] =	ssyncadd.tile.s32 @!p0 $0x1;
	_ =	shalt  }
.Lfunc_end2:
_tile_overlayer_lowered:
.L_overlay_start_2:
0x25: {  	(tag) =	ssettag $0x2  }
0x26: {  	s0 =	rddreg [dreg:$0x0];
	s2 =	stileid.u32  }
0x27: {  	s1 =	rddreg [dreg:$0x1];
	p0 =	sne.s32 s2, $0x0  }
0x28: {  	s3 =	rddreg [dreg:$0x2];
	[bflag:$0x3] =	sbarrier.arrive $0xFFFF;
	s2 =	simm.s32 @!p0 $0x1C02  }
0x29: {  	[timem:s3], [sflag:s2] =	dma.local @!p0 [hbm:s0], s1  }
0x2a: {  	s0 =	simm.s32 @!p0 $0x2  }
0x2b: {  	_ =	swait.ge @!p0 [sflag:s0], s1  }
0x2c: {  	s1 =	ssub.s32 @!p0 $0x0, s1;
	[sflag:s0] =	ssyncset.done @!p0 $0x0  }
0x2d: {  	[sflag:s0] =	ssyncadd.s32 @!p0 s1  }
0x2e: {  	[bflag:$0x3] =	sbarrier.arrive $0xFFFF  }
0x2f: {  	_ =	shalt  }

</sc_bundles>
